<compile_context>
chip_gen: v7x
topology: tpu7x:2x2x1
jax: 0.10.2.dev20260603
libtpu: 0.0.44.dev20260713+nightly
codegen_flags: <defaults>
</compile_context>

<pallas_src>
import functools

import jax
import jax.numpy as jnp
from jax import lax
from jax.experimental import pallas as pl
from jax.experimental.pallas import tpu as pltpu
from jax.experimental.pallas import tpu_sc as plsc

N = 10000
E = 320000
NC = 2
NS = 16
NW = NC * NS
BP = 128
NP_ = 10240
RPT = NP_ // NS
ZB = 128
DH = 64

B16 = 2500
B32 = 2500
BSP = 1000
BDEG = 5000


def _fill(ref, rows, cols, value):
    k = cols // 16

    def body(i, carry):
        r = i // k
        q = (i % k) * 16
        ref[r, pl.ds(q, 16)] = jnp.full((16,), value, jnp.float32)
        return carry

    lax.fori_loop(0, rows * k, body, 0)


def _fill3(ref, a, b, cols, value):
    k = cols // 16

    def body(i, carry):
        r = i // (b * k)
        rem = i % (b * k)
        q = rem // k
        w = (rem % k) * 16
        ref[r, q, pl.ds(w, 16)] = jnp.full((16,), value, jnp.float32)
        return carry

    lax.fori_loop(0, a * b * k, body, 0)


def _fill_bf16(ref, rows, cols, value):
    k = cols // 32

    def body(i, carry):
        r = i // k
        q = (i % k) * 32
        ref[r, pl.ds(q, 32)] = jnp.full((32,), value, jnp.bfloat16)
        return carry

    lax.fori_loop(0, rows * k, body, 0)


def _mesh():
    return plsc.VectorSubcoreMesh(core_axis_name="c", subcore_axis_name="s")


def _zero_acc(zeros_v, acc, base):
    for t in range(RPT // ZB):
        pltpu.sync_copy(zeros_v, acc.at[pl.ds(base + t * ZB, ZB)])


def _gather_scatter_loop(table, src_v, dst_v, rows2_v, acc, sem_g, sem_s,
                         nblk):
    pltpu.async_copy(table.at[src_v.at[0]], rows2_v.at[0], sem_g)

    def body(j, carry):
        b = j % 2
        pltpu.make_async_copy(table.at[src_v.at[j]], rows2_v.at[b],
                              sem_g).wait()
        pltpu.async_copy(rows2_v.at[b], acc.at[dst_v.at[j]], sem_s, add=True)

        @pl.when(j >= 1)
        def _():
            pltpu.make_async_copy(rows2_v.at[1 - b], acc.at[dst_v.at[j - 1]],
                                  sem_s).wait()

        @pl.when(j + 1 < nblk)
        def _():
            pltpu.async_copy(table.at[src_v.at[j + 1]], rows2_v.at[1 - b],
                             sem_g)

        return carry

    lax.fori_loop(0, nblk, body, 0)
    pltpu.make_async_copy(rows2_v.at[(nblk - 1) % 2],
                          acc.at[dst_v.at[nblk - 1]], sem_s).wait()


def _make_degree_kernel():
    nb = (E // NW) // BDEG

    @functools.partial(
        pl.kernel,
        mesh=_mesh(),
        compiler_params=pltpu.CompilerParams(use_tc_tiling_on_sc=False),
        out_type=(
            jax.ShapeDtypeStruct((NC * NP_, 16), jnp.float32),
            jax.ShapeDtypeStruct((NC * NP_, 16), jnp.float32),
        ),
        scratch_types=[
            pltpu.VMEM((nb, BDEG), jnp.int32),
            pltpu.VMEM((nb, BDEG), jnp.int32),
            pltpu.VMEM((BDEG, 16), jnp.float32),
            pltpu.VMEM((ZB, 16), jnp.float32),
            pltpu.VMEM_SHARED((NP_, 16), jnp.float32),
            pltpu.VMEM_SHARED((NP_, 16), jnp.float32),
            pltpu.SemaphoreType.DMA,
        ],
    )
    def deg_kernel(srcs, dsts, out_o, out_i, src_v, dst_v, ones_v, zeros_v,
                   acc_o, acc_i, sem):
        c = lax.axis_index("c")
        s = lax.axis_index("s")
        wid = s * NC + c
        pltpu.sync_copy(srcs.at[wid], src_v)
        pltpu.sync_copy(dsts.at[wid], dst_v)
        _fill(ones_v, BDEG, 16, 1.0)
        _fill(zeros_v, ZB, 16, 0.0)
        base = s * RPT
        _zero_acc(zeros_v, acc_o, base)
        _zero_acc(zeros_v, acc_i, base)
        plsc.subcore_barrier()

        def body(j, carry):
            pltpu.async_copy(ones_v, acc_o.at[src_v.at[j]], sem, add=True)
            pltpu.async_copy(ones_v, acc_i.at[dst_v.at[j]], sem, add=True)
            return carry

        lax.fori_loop(0, nb, body, 0)

        def drain(j, carry):
            pltpu.make_async_copy(ones_v, acc_o.at[src_v.at[0]], sem).wait()
            return carry

        lax.fori_loop(0, 2 * nb, drain, 0)
        plsc.subcore_barrier()
        pltpu.sync_copy(acc_o.at[pl.ds(base, RPT)],
                        out_o.at[pl.ds(c * NP_ + base, RPT)])
        pltpu.sync_copy(acc_i.at[pl.ds(base, RPT)],
                        out_i.at[pl.ds(c * NP_ + base, RPT)])

    return deg_kernel


def _make_agg_kernel(D, gbp, dtype=jnp.float32):
    nb = (E // NW) // gbp

    @functools.partial(
        pl.kernel,
        mesh=_mesh(),
        compiler_params=pltpu.CompilerParams(use_tc_tiling_on_sc=False),
        out_type=jax.ShapeDtypeStruct((NC * NP_, D), dtype),
        scratch_types=[
            pltpu.VMEM((nb, gbp), jnp.int32),
            pltpu.VMEM((nb, gbp), jnp.int32),
            pltpu.VMEM((2, gbp, D), dtype),
            pltpu.VMEM((ZB, D), dtype),
            pltpu.VMEM_SHARED((NP_, D), dtype),
            pltpu.SemaphoreType.DMA,
            pltpu.SemaphoreType.DMA,
        ],
    )
    def agg_kernel(table, srcs, dsts, out, src_v, dst_v, rows2_v, zeros_v,
                   acc, sem_g, sem_s):
        c = lax.axis_index("c")
        s = lax.axis_index("s")
        wid = s * NC + c
        pltpu.sync_copy(srcs.at[wid], src_v)
        pltpu.sync_copy(dsts.at[wid], dst_v)
        if dtype == jnp.bfloat16:
            _fill_bf16(zeros_v, ZB, D, 0.0)
        else:
            _fill(zeros_v, ZB, D, 0.0)
        base = s * RPT
        _zero_acc(zeros_v, acc, base)
        plsc.subcore_barrier()
        _gather_scatter_loop(table, src_v, dst_v, rows2_v, acc, sem_g, sem_s,
                             nb)
        plsc.subcore_barrier()
        pltpu.sync_copy(acc.at[pl.ds(base, RPT)],
                        out.at[pl.ds(c * NP_ + base, RPT)])

    return agg_kernel


def _make_agg_split_kernel():
    nb = (E // NS) // BSP

    @functools.partial(
        pl.kernel,
        mesh=_mesh(),
        compiler_params=pltpu.CompilerParams(use_tc_tiling_on_sc=False),
        out_type=jax.ShapeDtypeStruct((NC, NP_, DH), jnp.bfloat16),
        scratch_types=[
            pltpu.VMEM((nb, BSP), jnp.int32),
            pltpu.VMEM((nb, BSP), jnp.int32),
            pltpu.VMEM((2, BSP, DH), jnp.bfloat16),
            pltpu.VMEM((ZB, DH), jnp.bfloat16),
            pltpu.VMEM_SHARED((NP_, DH), jnp.bfloat16),
            pltpu.SemaphoreType.DMA,
            pltpu.SemaphoreType.DMA,
        ],
    )
    def agg_kernel(table2, srcs, dsts, out, src_v, dst_v, rows2_v, zeros_v,
                   acc, sem_g, sem_s):
        c = lax.axis_index("c")
        s = lax.axis_index("s")
        pltpu.sync_copy(srcs.at[s], src_v)
        pltpu.sync_copy(dsts.at[s], dst_v)
        _fill_bf16(zeros_v, ZB, DH, 0.0)
        base = s * RPT
        _zero_acc(zeros_v, acc, base)
        plsc.subcore_barrier()
        _gather_scatter_loop(table2.at[c], src_v, dst_v, rows2_v, acc, sem_g,
                             sem_s, nb)
        plsc.subcore_barrier()
        pltpu.sync_copy(acc.at[pl.ds(base, RPT)],
                        out.at[c].at[pl.ds(base, RPT)])

    return agg_kernel


_DEG = _make_degree_kernel()
_AGG = {32: _make_agg_kernel(32, B32, jnp.bfloat16),
        16: _make_agg_kernel(16, B16, jnp.bfloat16)}
_AGG_SPLIT = _make_agg_split_kernel()



def _norms_body(do_ref, di_ref, x_ref, ns_ref, nd_ref, t1_ref):
    do = do_ref[...]
    di = di_ref[...]
    deg_o = jnp.sum(do[:N] + do[NP_:NP_ + N], axis=1, keepdims=True) * (1.0 / 16.0)
    deg_i = jnp.sum(di[:N] + di[NP_:NP_ + N], axis=1, keepdims=True) * (1.0 / 16.0)
    ns = lax.rsqrt(jnp.maximum(deg_o, 1.0))
    nd = lax.rsqrt(jnp.maximum(deg_i, 1.0))
    ns_ref[...] = ns
    nd_ref[...] = nd
    xs = (x_ref[...] * ns).astype(jnp.bfloat16)
    t1_ref[0] = xs[:, :DH]
    t1_ref[1] = xs[:, DH:]


def _stage2_body(p_ref, nd_ref, ns_ref, w1_ref, b1_ref, w2_ref, o_ref):
    p = p_ref[...]
    m = (jnp.concatenate([p[0, :N], p[1, :N]], axis=1).astype(jnp.float32)
         * nd_ref[...])
    h = jnp.dot(m, w1_ref[...], preferred_element_type=jnp.float32)
    h = jnp.maximum(h + b1_ref[...][None, :], 0.0)
    o_ref[...] = jnp.dot(h * ns_ref[...], w2_ref[...],
                         preferred_element_type=jnp.float32
                         ).astype(jnp.bfloat16)


def _stage3_body(p_ref, nd_ref, ns_ref, b2_ref, w3_ref, o_ref):
    p = p_ref[...].astype(jnp.float32)
    m = (p[:N] + p[NP_:NP_ + N]) * nd_ref[...]
    h = jnp.maximum(m + b2_ref[...][None, :], 0.0)
    o_ref[...] = jnp.dot(h * ns_ref[...], w3_ref[...],
                         preferred_element_type=jnp.float32
                         ).astype(jnp.bfloat16)


def _stage4_body(p_ref, nd_ref, ns_ref, b3_ref, o_ref):
    p = p_ref[...].astype(jnp.float32)
    m = (p[:N] + p[NP_:NP_ + N]) * nd_ref[...]
    h = jnp.maximum(m + b3_ref[...][None, :], 0.0)
    o_ref[...] = (h * ns_ref[...]).astype(jnp.bfloat16)


def _stage5_body(p_ref, nd_ref, w4_ref, b4_ref, o_ref):
    p = p_ref[...].astype(jnp.float32)
    m = (p[:N] + p[NP_:NP_ + N]) * nd_ref[...]
    o_ref[...] = (jnp.dot(m, w4_ref[...], preferred_element_type=jnp.float32)
                  + b4_ref[...][None, :])


def _f32(*shape):
    return jax.ShapeDtypeStruct(shape, jnp.float32)


def _blocks(idx, nsplit, gbp):
    per = E // nsplit
    return idx.reshape(nsplit, per // gbp, gbp)


def kernel(x, edge_index, W1, b1, W2, b2, W3, b3, W4, b4):
    src, dst = edge_index[0], edge_index[1]

    deg_o_p, deg_i_p = _DEG(_blocks(src, NW, BDEG), _blocks(dst, NW, BDEG))
    ns, nd, t1 = pl.pallas_call(
        _norms_body,
        out_shape=(_f32(N, 1), _f32(N, 1),
                   jax.ShapeDtypeStruct((NC, N, DH), jnp.bfloat16)),
    )(deg_o_p, deg_i_p, x)

    p1 = _AGG_SPLIT(t1, _blocks(src, NS, BSP), _blocks(dst, NS, BSP))
    t2 = pl.pallas_call(
        _stage2_body,
        out_shape=jax.ShapeDtypeStruct((N, 32), jnp.bfloat16))(
        p1, nd, ns, W1, b1, W2)

    p2 = _AGG[32](t2, _blocks(src, NW, B32), _blocks(dst, NW, B32))
    t3 = pl.pallas_call(
        _stage3_body,
        out_shape=jax.ShapeDtypeStruct((N, 16), jnp.bfloat16))(
        p2, nd, ns, b2, W3)

    p3 = _AGG[16](t3, _blocks(src, NW, B16), _blocks(dst, NW, B16))
    t4 = pl.pallas_call(
        _stage4_body,
        out_shape=jax.ShapeDtypeStruct((N, 16), jnp.bfloat16))(
        p3, nd, ns, b3)

    p4 = _AGG[16](t4, _blocks(src, NW, B16), _blocks(dst, NW, B16))
    out = pl.pallas_call(_stage5_body, out_shape=_f32(N, 40))(
        p4, nd, W4, b4)
    return out

# --- scband reference (transcript-rebuilt; emitter-appended) ---
"""Pipeline reference for scband-gcn-36464272343057 (READ-ONLY COPY).

The authoritative reference and input builder live on the scoring server;
editing this copy changes nothing except your own understanding.
"""

import jax, jax.numpy as jnp
import numpy as np

N = 10000
E = 320000
D_IN = 128
N_CLASSES = 40


def setup_inputs(seed: int = 0) -> dict:
    key = jax.random.key(seed)
    ks = jax.random.split(key, 12)
    x = jax.random.normal(ks[0], (N, D_IN), dtype=jnp.float32)
    edge_index = jax.random.randint(ks[1], (2, E), 0, N)
    # Learned parameters for the 4 GraphConv layers (glorot-ish init)
    W1 = jax.random.normal(ks[2], (D_IN, 128), dtype=jnp.float32) / np.sqrt(D_IN)
    b1 = jnp.zeros((128,), dtype=jnp.float32)
    W2 = jax.random.normal(ks[3], (128, 32), dtype=jnp.float32) / np.sqrt(128)
    b2 = jnp.zeros((32,), dtype=jnp.float32)
    W3 = jax.random.normal(ks[4], (32, 16), dtype=jnp.float32) / np.sqrt(32)
    b3 = jnp.zeros((16,), dtype=jnp.float32)
    W4 = jax.random.normal(ks[5], (16, N_CLASSES), dtype=jnp.float32) / np.sqrt(16)
    b4 = jnp.zeros((N_CLASSES,), dtype=jnp.float32)
    return {"x": x, "edge_index": edge_index, "W1": W1, "b1": b1, "W2": W2, "b2": b2, "W3": W3, "b3": b3, "W4": W4, "b4": b4}


def _graph_conv(h, W, b, src, dst, norm_src, norm_dst, act):
    # DGL GraphConv with norm='both': D^{-1/2} A D^{-1/2} X W + b
    h = h * norm_src[:, None]
    m = jax.ops.segment_sum(h[src], dst, num_segments=N)
    h = m * norm_dst[:, None]
    h = h @ W + b
    if act is not None:
        h = act(h)
    return h


def reference(x, edge_index, W1, b1, W2, b2, W3, b3, W4, b4):
    src = edge_index[0]
    dst = edge_index[1]
    deg_out = jnp.bincount(src, length=N).astype(jnp.float32)
    deg_in = jnp.bincount(dst, length=N).astype(jnp.float32)
    norm_src = jax.lax.rsqrt(jnp.clip(deg_out, 1.0, None))
    norm_dst = jax.lax.rsqrt(jnp.clip(deg_in, 1.0, None))
    h = _graph_conv(x, W1, b1, src, dst, norm_src, norm_dst, jax.nn.relu)
    # dropout(p=0.5) is identity in eval mode
    h = _graph_conv(h, W2, b2, src, dst, norm_src, norm_dst, jax.nn.relu)
    h = _graph_conv(h, W3, b3, src, dst, norm_src, norm_dst, jax.nn.relu)
    h = _graph_conv(h, W4, b4, src, dst, norm_src, norm_dst, None)
    return h

if __name__ == "__main__":
    import jax
    _d = setup_inputs()
    print(jax.jit(kernel)(*tuple(_d.values())))

</pallas_src>

<mosaic_0001>
#map = affine_map<(d0, d1) -> (0, 0, 0)>
#map1 = affine_map<(d0, d1) -> (0, 0)>
module attributes {stable_mosaic.version = 14 : i64} {
  func.func @deg_kernel(%arg0: i32, %arg1: i32, %arg2: memref<32x2x5000xi32, #tpu.memory_space<hbm>>, %arg3: memref<32x2x5000xi32, #tpu.memory_space<hbm>>, %arg4: memref<20480x16xf32, #tpu.memory_space<hbm>>, %arg5: memref<20480x16xf32, #tpu.memory_space<hbm>>, %arg6: memref<2x5000xi32, #tpu.memory_space<vmem>>, %arg7: memref<2x5000xi32, #tpu.memory_space<vmem>>, %arg8: memref<5000x16xf32, #tpu.memory_space<vmem>>, %arg9: memref<128x16xf32, #tpu.memory_space<vmem>>, %arg10: memref<10240x16xf32, #tpu.memory_space<vmem_shared>>, %arg11: memref<10240x16xf32, #tpu.memory_space<vmem_shared>>, %arg12: memref<!tpu.dma_semaphore, #tpu.memory_space<semaphore_mem>>) attributes {dimension_semantics = [#tpu.dimension_semantics<core_parallel>, #tpu.dimension_semantics<subcore_parallel>], iteration_bounds = array<i64: 2, 16>, scalar_prefetch = 0 : i64, scratch_operands = 7 : i64, tpu.core_type = #tpu.core_type<sc_vector_subcore>, window_params = [{transform_indices = #map}, {transform_indices = #map}, {transform_indices = #map1}, {transform_indices = #map1}]} {
    %mul3A = arith.constant 2 : i32
    %mul3A_0 = arith.muli %arg1, %mul3A : i32
    %add3A = arith.addi %mul3A_0, %arg0 : i32
    "tpu.region"() ({
      %run_scoped3A = tpu.sem_alloc : memref<!tpu.dma_semaphore, #tpu.memory_space<semaphore_mem>>
      %dma_start3A = arith.constant 0 : i32
      %dma_start3A_53 = arith.constant 0 : i32
      %dma_start3A_54 = tpu.memref_slice %arg2[%add3A, %dma_start3A, %dma_start3A_53] : memref<32x2x5000xi32, #tpu.memory_space<hbm>> -> memref<1x2x5000xi32, #tpu.memory_space<hbm>>
      %dma_start3A_55 = tpu.memref_squeeze %dma_start3A_54 : memref<1x2x5000xi32, #tpu.memory_space<hbm>> -> memref<2x5000xi32, #tpu.memory_space<hbm>>
      %dma_start3A_56 = arith.constant 0 : i32
      %dma_start3A_57 = arith.constant 0 : i32
      %dma_start3A_58 = tpu.memref_slice %arg2[%add3A, %dma_start3A_56, %dma_start3A_57] : memref<32x2x5000xi32, #tpu.memory_space<hbm>> -> memref<1x2x5000xi32, #tpu.memory_space<hbm>>
      %dma_start3A_59 = tpu.memref_squeeze %dma_start3A_58 : memref<1x2x5000xi32, #tpu.memory_space<hbm>> -> memref<2x5000xi32, #tpu.memory_space<hbm>>
      tpu.enqueue_dma source(%dma_start3A_59 : memref<2x5000xi32, #tpu.memory_space<hbm>>) target(%arg6 : memref<2x5000xi32, #tpu.memory_space<vmem>>) target_semaphore(%run_scoped3A : memref<!tpu.dma_semaphore, #tpu.memory_space<semaphore_mem>>)
      %dma_wait3A = arith.constant 0 : i32
      %dma_wait3A_60 = arith.constant 0 : i32
      %dma_wait3A_61 = tpu.memref_slice %arg2[%add3A, %dma_wait3A, %dma_wait3A_60] : memref<32x2x5000xi32, #tpu.memory_space<hbm>> -> memref<1x2x5000xi32, #tpu.memory_space<hbm>>
      %dma_wait3A_62 = tpu.memref_squeeze %dma_wait3A_61 : memref<1x2x5000xi32, #tpu.memory_space<hbm>> -> memref<2x5000xi32, #tpu.memory_space<hbm>>
      %dma_wait3A_63 = arith.constant 0 : i32
      %dma_wait3A_64 = arith.constant 0 : i32
      %dma_wait3A_65 = tpu.memref_slice %arg2[%add3A, %dma_wait3A_63, %dma_wait3A_64] : memref<32x2x5000xi32, #tpu.memory_space<hbm>> -> memref<1x2x5000xi32, #tpu.memory_space<hbm>>
      %dma_wait3A_66 = tpu.memref_squeeze %dma_wait3A_65 : memref<1x2x5000xi32, #tpu.memory_space<hbm>> -> memref<2x5000xi32, #tpu.memory_space<hbm>>
      tpu.wait_dma2 semaphore(%run_scoped3A : memref<!tpu.dma_semaphore, #tpu.memory_space<semaphore_mem>>) src(%dma_wait3A_66 : memref<2x5000xi32, #tpu.memory_space<hbm>>) dst(%arg6 : memref<2x5000xi32, #tpu.memory_space<vmem>>)
      tpu.yield
    }) : () -> ()
    "tpu.region"() ({
      %run_scoped3A = tpu.sem_alloc : memref<!tpu.dma_semaphore, #tpu.memory_space<semaphore_mem>>
      %dma_start3A = arith.constant 0 : i32
      %dma_start3A_53 = arith.constant 0 : i32
      %dma_start3A_54 = tpu.memref_slice %arg3[%add3A, %dma_start3A, %dma_start3A_53] : memref<32x2x5000xi32, #tpu.memory_space<hbm>> -> memref<1x2x5000xi32, #tpu.memory_space<hbm>>
      %dma_start3A_55 = tpu.memref_squeeze %dma_start3A_54 : memref<1x2x5000xi32, #tpu.memory_space<hbm>> -> memref<2x5000xi32, #tpu.memory_space<hbm>>
      %dma_start3A_56 = arith.constant 0 : i32
      %dma_start3A_57 = arith.constant 0 : i32
      %dma_start3A_58 = tpu.memref_slice %arg3[%add3A, %dma_start3A_56, %dma_start3A_57] : memref<32x2x5000xi32, #tpu.memory_space<hbm>> -> memref<1x2x5000xi32, #tpu.memory_space<hbm>>
      %dma_start3A_59 = tpu.memref_squeeze %dma_start3A_58 : memref<1x2x5000xi32, #tpu.memory_space<hbm>> -> memref<2x5000xi32, #tpu.memory_space<hbm>>
      tpu.enqueue_dma source(%dma_start3A_59 : memref<2x5000xi32, #tpu.memory_space<hbm>>) target(%arg7 : memref<2x5000xi32, #tpu.memory_space<vmem>>) target_semaphore(%run_scoped3A : memref<!tpu.dma_semaphore, #tpu.memory_space<semaphore_mem>>)
      %dma_wait3A = arith.constant 0 : i32
      %dma_wait3A_60 = arith.constant 0 : i32
      %dma_wait3A_61 = tpu.memref_slice %arg3[%add3A, %dma_wait3A, %dma_wait3A_60] : memref<32x2x5000xi32, #tpu.memory_space<hbm>> -> memref<1x2x5000xi32, #tpu.memory_space<hbm>>
      %dma_wait3A_62 = tpu.memref_squeeze %dma_wait3A_61 : memref<1x2x5000xi32, #tpu.memory_space<hbm>> -> memref<2x5000xi32, #tpu.memory_space<hbm>>
      %dma_wait3A_63 = arith.constant 0 : i32
      %dma_wait3A_64 = arith.constant 0 : i32
      %dma_wait3A_65 = tpu.memref_slice %arg3[%add3A, %dma_wait3A_63, %dma_wait3A_64] : memref<32x2x5000xi32, #tpu.memory_space<hbm>> -> memref<1x2x5000xi32, #tpu.memory_space<hbm>>
      %dma_wait3A_66 = tpu.memref_squeeze %dma_wait3A_65 : memref<1x2x5000xi32, #tpu.memory_space<hbm>> -> memref<2x5000xi32, #tpu.memory_space<hbm>>
      tpu.wait_dma2 semaphore(%run_scoped3A : memref<!tpu.dma_semaphore, #tpu.memory_space<semaphore_mem>>) src(%dma_wait3A_66 : memref<2x5000xi32, #tpu.memory_space<hbm>>) dst(%arg7 : memref<2x5000xi32, #tpu.memory_space<vmem>>)
      tpu.yield
    }) : () -> ()
    %scan3A = arith.constant 0 : i32
    %scan3A_1 = arith.constant 0 : i32
    %scan3A_2 = arith.constant 5000 : i32
    %scan3A_3 = arith.addi %scan3A_1, %scan3A_2 : i32
    %scan3A_4 = arith.constant 1 : i32
    scf.for %scan3A_53 = %scan3A_1 to %scan3A_3 step %scan3A_4  : i32 {
      %jit3A = arith.constant 1 : i32
      %div3A = arith.divsi %scan3A_53, %jit3A : i32
      %sign3A = arith.constant 0 : i32
      %sign3A_54 = arith.cmpi sgt, %scan3A_53, %sign3A : i32
      %sign3A_55 = arith.extui %sign3A_54 : i1 to i32
      %sign3A_56 = arith.constant 0 : i32
      %sign3A_57 = arith.cmpi slt, %scan3A_53, %sign3A_56 : i32
      %sign3A_58 = arith.extui %sign3A_57 : i1 to i32
      %sign3A_59 = arith.subi %sign3A_55, %sign3A_58 : i32
      %sign3A_60 = arith.constant 0 : i32
      %sign3A_61 = arith.cmpi sgt, %jit3A, %sign3A_60 : i32
      %sign3A_62 = arith.extui %sign3A_61 : i1 to i32
      %sign3A_63 = arith.constant 0 : i32
      %sign3A_64 = arith.cmpi slt, %jit3A, %sign3A_63 : i32
      %sign3A_65 = arith.extui %sign3A_64 : i1 to i32
      %sign3A_66 = arith.subi %sign3A_62, %sign3A_65 : i32
      %ne3A = arith.cmpi ne, %sign3A_59, %sign3A_66 : i32
      %rem3A = arith.remsi %scan3A_53, %jit3A : i32
      %ne3A_67 = arith.constant 0 : i32
      %ne3A_68 = arith.cmpi ne, %rem3A, %ne3A_67 : i32
      %and3A = arith.andi %ne3A, %ne3A_68 : i1
      %sub3A = arith.constant 1 : i32
      %sub3A_69 = arith.subi %div3A, %sub3A : i32
      %select_n3A = arith.select %and3A, %sub3A_69, %div3A : i32
      %jit3A_70 = arith.constant 1 : i32
      %eq3A = arith.constant 0 : i32
      %eq3A_71 = arith.cmpi eq, %jit3A_70, %eq3A : i32
      %jit3A_72 = arith.constant 1 : i32
      %select_n3A_73 = arith.select %eq3A_71, %jit3A_72, %jit3A_70 : i32
      %rem3A_74 = arith.remsi %scan3A_53, %select_n3A_73 : i32
      %ne3A_75 = arith.constant 0 : i32
      %ne3A_76 = arith.cmpi ne, %rem3A_74, %ne3A_75 : i32
      %lt3A = arith.constant 0 : i32
      %lt3A_77 = arith.cmpi slt, %rem3A_74, %lt3A : i32
      %lt3A_78 = arith.constant 0 : i32
      %lt3A_79 = arith.cmpi slt, %select_n3A_73, %lt3A_78 : i32
      %ne3A_80 = arith.xori %lt3A_77, %lt3A_79 : i1
      %and3A_81 = arith.andi %ne3A_80, %ne3A_76 : i1
      %add3A_82 = arith.addi %rem3A_74, %select_n3A_73 : i32
      %select_n3A_83 = arith.select %and3A_81, %add3A_82, %rem3A_74 : i32
      %mul3A_84 = arith.constant 16 : i32
      %mul3A_85 = arith.muli %select_n3A_83, %mul3A_84 : i32
      %broadcast_in_dim3A = arith.constant 1.000000e+00 : f32
      %broadcast_in_dim3A_86 = vector.broadcast %broadcast_in_dim3A : f32 to vector<16xf32>
      %swap3A = arith.index_cast %select_n3A : i32 to index
      %swap3A_87 = arith.index_cast %mul3A_85 : i32 to index
      %swap3A_88 = tpu.vector_load %arg8[%swap3A, %swap3A_87] {strides = array<i32>} : memref<5000x16xf32, #tpu.memory_space<vmem>>, vector<1x16xf32>,
      %swap3A_89 = vector.shape_cast %swap3A_88 : vector<1x16xf32> to vector<16xf32>
      %swap3A_90 = vector.shape_cast %broadcast_in_dim3A_86 : vector<16xf32> to vector<1x16xf32>
      tpu.vector_store %arg8[%swap3A, %swap3A_87], %swap3A_90 {strides = array<i32>} : memref<5000x16xf32, #tpu.memory_space<vmem>>, vector<1x16xf32>,
    }
    %scan3A_5 = arith.constant 5000 : i32
    %scan3A_6 = arith.constant 0 : i32
    %scan3A_7 = arith.constant 0 : i32
    %scan3A_8 = arith.constant 128 : i32
    %scan3A_9 = arith.addi %scan3A_7, %scan3A_8 : i32
    %scan3A_10 = arith.constant 1 : i32
    scf.for %scan3A_53 = %scan3A_7 to %scan3A_9 step %scan3A_10  : i32 {
      %jit3A = arith.constant 1 : i32
      %div3A = arith.divsi %scan3A_53, %jit3A : i32
      %sign3A = arith.constant 0 : i32
      %sign3A_54 = arith.cmpi sgt, %scan3A_53, %sign3A : i32
      %sign3A_55 = arith.extui %sign3A_54 : i1 to i32
      %sign3A_56 = arith.constant 0 : i32
      %sign3A_57 = arith.cmpi slt, %scan3A_53, %sign3A_56 : i32
      %sign3A_58 = arith.extui %sign3A_57 : i1 to i32
      %sign3A_59 = arith.subi %sign3A_55, %sign3A_58 : i32
      %sign3A_60 = arith.constant 0 : i32
      %sign3A_61 = arith.cmpi sgt, %jit3A, %sign3A_60 : i32
      %sign3A_62 = arith.extui %sign3A_61 : i1 to i32
      %sign3A_63 = arith.constant 0 : i32
      %sign3A_64 = arith.cmpi slt, %jit3A, %sign3A_63 : i32
      %sign3A_65 = arith.extui %sign3A_64 : i1 to i32
      %sign3A_66 = arith.subi %sign3A_62, %sign3A_65 : i32
      %ne3A = arith.cmpi ne, %sign3A_59, %sign3A_66 : i32
      %rem3A = arith.remsi %scan3A_53, %jit3A : i32
      %ne3A_67 = arith.constant 0 : i32
      %ne3A_68 = arith.cmpi ne, %rem3A, %ne3A_67 : i32
      %and3A = arith.andi %ne3A, %ne3A_68 : i1
      %sub3A = arith.constant 1 : i32
      %sub3A_69 = arith.subi %div3A, %sub3A : i32
      %select_n3A = arith.select %and3A, %sub3A_69, %div3A : i32
      %jit3A_70 = arith.constant 1 : i32
      %eq3A = arith.constant 0 : i32
      %eq3A_71 = arith.cmpi eq, %jit3A_70, %eq3A : i32
      %jit3A_72 = arith.constant 1 : i32
      %select_n3A_73 = arith.select %eq3A_71, %jit3A_72, %jit3A_70 : i32
      %rem3A_74 = arith.remsi %scan3A_53, %select_n3A_73 : i32
      %ne3A_75 = arith.constant 0 : i32
      %ne3A_76 = arith.cmpi ne, %rem3A_74, %ne3A_75 : i32
      %lt3A = arith.constant 0 : i32
      %lt3A_77 = arith.cmpi slt, %rem3A_74, %lt3A : i32
      %lt3A_78 = arith.constant 0 : i32
      %lt3A_79 = arith.cmpi slt, %select_n3A_73, %lt3A_78 : i32
      %ne3A_80 = arith.xori %lt3A_77, %lt3A_79 : i1
      %and3A_81 = arith.andi %ne3A_80, %ne3A_76 : i1
      %add3A_82 = arith.addi %rem3A_74, %select_n3A_73 : i32
      %select_n3A_83 = arith.select %and3A_81, %add3A_82, %rem3A_74 : i32
      %mul3A_84 = arith.constant 16 : i32
      %mul3A_85 = arith.muli %select_n3A_83, %mul3A_84 : i32
      %broadcast_in_dim3A = arith.constant 0.000000e+00 : f32
      %broadcast_in_dim3A_86 = vector.broadcast %broadcast_in_dim3A : f32 to vector<16xf32>
      %swap3A = arith.index_cast %select_n3A : i32 to index
      %swap3A_87 = arith.index_cast %mul3A_85 : i32 to index
      %swap3A_88 = tpu.vector_load %arg9[%swap3A, %swap3A_87] {strides = array<i32>} : memref<128x16xf32, #tpu.memory_space<vmem>>, vector<1x16xf32>,
      %swap3A_89 = vector.shape_cast %swap3A_88 : vector<1x16xf32> to vector<16xf32>
      %swap3A_90 = vector.shape_cast %broadcast_in_dim3A_86 : vector<16xf32> to vector<1x16xf32>
      tpu.vector_store %arg9[%swap3A, %swap3A_87], %swap3A_90 {strides = array<i32>} : memref<128x16xf32, #tpu.memory_space<vmem>>, vector<1x16xf32>,
    }
    %scan3A_11 = arith.constant 128 : i32
    %mul3A_12 = arith.constant 640 : i32
    %mul3A_13 = arith.muli %arg1, %mul3A_12 : i32
    %add3A_14 = arith.constant 0 : i32
    %add3A_15 = arith.addi %mul3A_13, %add3A_14 : i32
    "tpu.region"() ({
      %run_scoped3A = tpu.sem_alloc : memref<!tpu.dma_semaphore, #tpu.memory_space<semaphore_mem>>
      %dma_start3A = arith.constant 0 : i32
      %dma_start3A_53 = tpu.memref_slice %arg10[%add3A_15, %dma_start3A] : memref<10240x16xf32, #tpu.memory_space<vmem_shared>> -> memref<128x16xf32, #tpu.memory_space<vmem_shared>>
      %dma_start3A_54 = arith.constant 0 : i32
      %dma_start3A_55 = tpu.memref_slice %arg10[%add3A_15, %dma_start3A_54] : memref<10240x16xf32, #tpu.memory_space<vmem_shared>> -> memref<128x16xf32, #tpu.memory_space<vmem_shared>>
      tpu.enqueue_dma source(%arg9 : memref<128x16xf32, #tpu.memory_space<vmem>>) target(%dma_start3A_55 : memref<128x16xf32, #tpu.memory_space<vmem_shared>>) target_semaphore(%run_scoped3A : memref<!tpu.dma_semaphore, #tpu.memory_space<semaphore_mem>>)
      %dma_wait3A = arith.constant 0 : i32
      %dma_wait3A_56 = tpu.memref_slice %arg10[%add3A_15, %dma_wait3A] : memref<10240x16xf32, #tpu.memory_space<vmem_shared>> -> memref<128x16xf32, #tpu.memory_space<vmem_shared>>
      %dma_wait3A_57 = arith.constant 0 : i32
      %dma_wait3A_58 = tpu.memref_slice %arg10[%add3A_15, %dma_wait3A_57] : memref<10240x16xf32, #tpu.memory_space<vmem_shared>> -> memref<128x16xf32, #tpu.memory_space<vmem_shared>>
      tpu.wait_dma2 semaphore(%run_scoped3A : memref<!tpu.dma_semaphore, #tpu.memory_space<semaphore_mem>>) src(%arg9 : memref<128x16xf32, #tpu.memory_space<vmem>>) dst(%dma_wait3A_58 : memref<128x16xf32, #tpu.memory_space<vmem_shared>>)
      tpu.yield
    }) : () -> ()
    %add3A_16 = arith.constant 128 : i32
    %add3A_17 = arith.addi %mul3A_13, %add3A_16 : i32
    "tpu.region"() ({
      %run_scoped3A = tpu.sem_alloc : memref<!tpu.dma_semaphore, #tpu.memory_space<semaphore_mem>>
      %dma_start3A = arith.constant 0 : i32
      %dma_start3A_53 = tpu.memref_slice %arg10[%add3A_17, %dma_start3A] : memref<10240x16xf32, #tpu.memory_space<vmem_shared>> -> memref<128x16xf32, #tpu.memory_space<vmem_shared>>
      %dma_start3A_54 = arith.constant 0 : i32
      %dma_start3A_55 = tpu.memref_slice %arg10[%add3A_17, %dma_start3A_54] : memref<10240x16xf32, #tpu.memory_space<vmem_shared>> -> memref<128x16xf32, #tpu.memory_space<vmem_shared>>
      tpu.enqueue_dma source(%arg9 : memref<128x16xf32, #tpu.memory_space<vmem>>) target(%dma_start3A_55 : memref<128x16xf32, #tpu.memory_space<vmem_shared>>) target_semaphore(%run_scoped3A : memref<!tpu.dma_semaphore, #tpu.memory_space<semaphore_mem>>)
      %dma_wait3A = arith.constant 0 : i32
      %dma_wait3A_56 = tpu.memref_slice %arg10[%add3A_17, %dma_wait3A] : memref<10240x16xf32, #tpu.memory_space<vmem_shared>> -> memref<128x16xf32, #tpu.memory_space<vmem_shared>>
      %dma_wait3A_57 = arith.constant 0 : i32
      %dma_wait3A_58 = tpu.memref_slice %arg10[%add3A_17, %dma_wait3A_57] : memref<10240x16xf32, #tpu.memory_space<vmem_shared>> -> memref<128x16xf32, #tpu.memory_space<vmem_shared>>
      tpu.wait_dma2 semaphore(%run_scoped3A : memref<!tpu.dma_semaphore, #tpu.memory_space<semaphore_mem>>) src(%arg9 : memref<128x16xf32, #tpu.memory_space<vmem>>) dst(%dma_wait3A_58 : memref<128x16xf32, #tpu.memory_space<vmem_shared>>)
      tpu.yield
    }) : () -> ()
    %add3A_18 = arith.constant 256 : i32
    %add3A_19 = arith.addi %mul3A_13, %add3A_18 : i32
    "tpu.region"() ({
      %run_scoped3A = tpu.sem_alloc : memref<!tpu.dma_semaphore, #tpu.memory_space<semaphore_mem>>
      %dma_start3A = arith.constant 0 : i32
      %dma_start3A_53 = tpu.memref_slice %arg10[%add3A_19, %dma_start3A] : memref<10240x16xf32, #tpu.memory_space<vmem_shared>> -> memref<128x16xf32, #tpu.memory_space<vmem_shared>>
      %dma_start3A_54 = arith.constant 0 : i32
      %dma_start3A_55 = tpu.memref_slice %arg10[%add3A_19, %dma_start3A_54] : memref<10240x16xf32, #tpu.memory_space<vmem_shared>> -> memref<128x16xf32, #tpu.memory_space<vmem_shared>>
      tpu.enqueue_dma source(%arg9 : memref<128x16xf32, #tpu.memory_space<vmem>>) target(%dma_start3A_55 : memref<128x16xf32, #tpu.memory_space<vmem_shared>>) target_semaphore(%run_scoped3A : memref<!tpu.dma_semaphore, #tpu.memory_space<semaphore_mem>>)
      %dma_wait3A = arith.constant 0 : i32
      %dma_wait3A_56 = tpu.memref_slice %arg10[%add3A_19, %dma_wait3A] : memref<10240x16xf32, #tpu.memory_space<vmem_shared>> -> memref<128x16xf32, #tpu.memory_space<vmem_shared>>
      %dma_wait3A_57 = arith.constant 0 : i32
      %dma_wait3A_58 = tpu.memref_slice %arg10[%add3A_19, %dma_wait3A_57] : memref<10240x16xf32, #tpu.memory_space<vmem_shared>> -> memref<128x16xf32, #tpu.memory_space<vmem_shared>>
      tpu.wait_dma2 semaphore(%run_scoped3A : memref<!tpu.dma_semaphore, #tpu.memory_space<semaphore_mem>>) src(%arg9 : memref<128x16xf32, #tpu.memory_space<vmem>>) dst(%dma_wait3A_58 : memref<128x16xf32, #tpu.memory_space<vmem_shared>>)
      tpu.yield
    }) : () -> ()
    %add3A_20 = arith.constant 384 : i32
    %add3A_21 = arith.addi %mul3A_13, %add3A_20 : i32
    "tpu.region"() ({
      %run_scoped3A = tpu.sem_alloc : memref<!tpu.dma_semaphore, #tpu.memory_space<semaphore_mem>>
      %dma_start3A = arith.constant 0 : i32
      %dma_start3A_53 = tpu.memref_slice %arg10[%add3A_21, %dma_start3A] : memref<10240x16xf32, #tpu.memory_space<vmem_shared>> -> memref<128x16xf32, #tpu.memory_space<vmem_shared>>
      %dma_start3A_54 = arith.constant 0 : i32
      %dma_start3A_55 = tpu.memref_slice %arg10[%add3A_21, %dma_start3A_54] : memref<10240x16xf32, #tpu.memory_space<vmem_shared>> -> memref<128x16xf32, #tpu.memory_space<vmem_shared>>
      tpu.enqueue_dma source(%arg9 : memref<128x16xf32, #tpu.memory_space<vmem>>) target(%dma_start3A_55 : memref<128x16xf32, #tpu.memory_space<vmem_shared>>) target_semaphore(%run_scoped3A : memref<!tpu.dma_semaphore, #tpu.memory_space<semaphore_mem>>)
      %dma_wait3A = arith.constant 0 : i32
      %dma_wait3A_56 = tpu.memref_slice %arg10[%add3A_21, %dma_wait3A] : memref<10240x16xf32, #tpu.memory_space<vmem_shared>> -> memref<128x16xf32, #tpu.memory_space<vmem_shared>>
      %dma_wait3A_57 = arith.constant 0 : i32
      %dma_wait3A_58 = tpu.memref_slice %arg10[%add3A_21, %dma_wait3A_57] : memref<10240x16xf32, #tpu.memory_space<vmem_shared>> -> memref<128x16xf32, #tpu.memory_space<vmem_shared>>
      tpu.wait_dma2 semaphore(%run_scoped3A : memref<!tpu.dma_semaphore, #tpu.memory_space<semaphore_mem>>) src(%arg9 : memref<128x16xf32, #tpu.memory_space<vmem>>) dst(%dma_wait3A_58 : memref<128x16xf32, #tpu.memory_space<vmem_shared>>)
      tpu.yield
    }) : () -> ()
    %add3A_22 = arith.constant 512 : i32
    %add3A_23 = arith.addi %mul3A_13, %add3A_22 : i32
    "tpu.region"() ({
      %run_scoped3A = tpu.sem_alloc : memref<!tpu.dma_semaphore, #tpu.memory_space<semaphore_mem>>
      %dma_start3A = arith.constant 0 : i32
      %dma_start3A_53 = tpu.memref_slice %arg10[%add3A_23, %dma_start3A] : memref<10240x16xf32, #tpu.memory_space<vmem_shared>> -> memref<128x16xf32, #tpu.memory_space<vmem_shared>>
      %dma_start3A_54 = arith.constant 0 : i32
      %dma_start3A_55 = tpu.memref_slice %arg10[%add3A_23, %dma_start3A_54] : memref<10240x16xf32, #tpu.memory_space<vmem_shared>> -> memref<128x16xf32, #tpu.memory_space<vmem_shared>>
      tpu.enqueue_dma source(%arg9 : memref<128x16xf32, #tpu.memory_space<vmem>>) target(%dma_start3A_55 : memref<128x16xf32, #tpu.memory_space<vmem_shared>>) target_semaphore(%run_scoped3A : memref<!tpu.dma_semaphore, #tpu.memory_space<semaphore_mem>>)
      %dma_wait3A = arith.constant 0 : i32
      %dma_wait3A_56 = tpu.memref_slice %arg10[%add3A_23, %dma_wait3A] : memref<10240x16xf32, #tpu.memory_space<vmem_shared>> -> memref<128x16xf32, #tpu.memory_space<vmem_shared>>
      %dma_wait3A_57 = arith.constant 0 : i32
      %dma_wait3A_58 = tpu.memref_slice %arg10[%add3A_23, %dma_wait3A_57] : memref<10240x16xf32, #tpu.memory_space<vmem_shared>> -> memref<128x16xf32, #tpu.memory_space<vmem_shared>>
      tpu.wait_dma2 semaphore(%run_scoped3A : memref<!tpu.dma_semaphore, #tpu.memory_space<semaphore_mem>>) src(%arg9 : memref<128x16xf32, #tpu.memory_space<vmem>>) dst(%dma_wait3A_58 : memref<128x16xf32, #tpu.memory_space<vmem_shared>>)
      tpu.yield
    }) : () -> ()
    %add3A_24 = arith.constant 0 : i32
    %add3A_25 = arith.addi %mul3A_13, %add3A_24 : i32
    "tpu.region"() ({
      %run_scoped3A = tpu.sem_alloc : memref<!tpu.dma_semaphore, #tpu.memory_space<semaphore_mem>>
      %dma_start3A = arith.constant 0 : i32
      %dma_start3A_53 = tpu.memref_slice %arg11[%add3A_25, %dma_start3A] : memref<10240x16xf32, #tpu.memory_space<vmem_shared>> -> memref<128x16xf32, #tpu.memory_space<vmem_shared>>
      %dma_start3A_54 = arith.constant 0 : i32
      %dma_start3A_55 = tpu.memref_slice %arg11[%add3A_25, %dma_start3A_54] : memref<10240x16xf32, #tpu.memory_space<vmem_shared>> -> memref<128x16xf32, #tpu.memory_space<vmem_shared>>
      tpu.enqueue_dma source(%arg9 : memref<128x16xf32, #tpu.memory_space<vmem>>) target(%dma_start3A_55 : memref<128x16xf32, #tpu.memory_space<vmem_shared>>) target_semaphore(%run_scoped3A : memref<!tpu.dma_semaphore, #tpu.memory_space<semaphore_mem>>)
      %dma_wait3A = arith.constant 0 : i32
      %dma_wait3A_56 = tpu.memref_slice %arg11[%add3A_25, %dma_wait3A] : memref<10240x16xf32, #tpu.memory_space<vmem_shared>> -> memref<128x16xf32, #tpu.memory_space<vmem_shared>>
      %dma_wait3A_57 = arith.constant 0 : i32
      %dma_wait3A_58 = tpu.memref_slice %arg11[%add3A_25, %dma_wait3A_57] : memref<10240x16xf32, #tpu.memory_space<vmem_shared>> -> memref<128x16xf32, #tpu.memory_space<vmem_shared>>
      tpu.wait_dma2 semaphore(%run_scoped3A : memref<!tpu.dma_semaphore, #tpu.memory_space<semaphore_mem>>) src(%arg9 : memref<128x16xf32, #tpu.memory_space<vmem>>) dst(%dma_wait3A_58 : memref<128x16xf32, #tpu.memory_space<vmem_shared>>)
      tpu.yield
    }) : () -> ()
    %add3A_26 = arith.constant 128 : i32
    %add3A_27 = arith.addi %mul3A_13, %add3A_26 : i32
    "tpu.region"() ({
      %run_scoped3A = tpu.sem_alloc : memref<!tpu.dma_semaphore, #tpu.memory_space<semaphore_mem>>
      %dma_start3A = arith.constant 0 : i32
      %dma_start3A_53 = tpu.memref_slice %arg11[%add3A_27, %dma_start3A] : memref<10240x16xf32, #tpu.memory_space<vmem_shared>> -> memref<128x16xf32, #tpu.memory_space<vmem_shared>>
      %dma_start3A_54 = arith.constant 0 : i32
      %dma_start3A_55 = tpu.memref_slice %arg11[%add3A_27, %dma_start3A_54] : memref<10240x16xf32, #tpu.memory_space<vmem_shared>> -> memref<128x16xf32, #tpu.memory_space<vmem_shared>>
      tpu.enqueue_dma source(%arg9 : memref<128x16xf32, #tpu.memory_space<vmem>>) target(%dma_start3A_55 : memref<128x16xf32, #tpu.memory_space<vmem_shared>>) target_semaphore(%run_scoped3A : memref<!tpu.dma_semaphore, #tpu.memory_space<semaphore_mem>>)
      %dma_wait3A = arith.constant 0 : i32
      %dma_wait3A_56 = tpu.memref_slice %arg11[%add3A_27, %dma_wait3A] : memref<10240x16xf32, #tpu.memory_space<vmem_shared>> -> memref<128x16xf32, #tpu.memory_space<vmem_shared>>
      %dma_wait3A_57 = arith.constant 0 : i32
      %dma_wait3A_58 = tpu.memref_slice %arg11[%add3A_27, %dma_wait3A_57] : memref<10240x16xf32, #tpu.memory_space<vmem_shared>> -> memref<128x16xf32, #tpu.memory_space<vmem_shared>>
      tpu.wait_dma2 semaphore(%run_scoped3A : memref<!tpu.dma_semaphore, #tpu.memory_space<semaphore_mem>>) src(%arg9 : memref<128x16xf32, #tpu.memory_space<vmem>>) dst(%dma_wait3A_58 : memref<128x16xf32, #tpu.memory_space<vmem_shared>>)
      tpu.yield
    }) : () -> ()
    %add3A_28 = arith.constant 256 : i32
    %add3A_29 = arith.addi %mul3A_13, %add3A_28 : i32
    "tpu.region"() ({
      %run_scoped3A = tpu.sem_alloc : memref<!tpu.dma_semaphore, #tpu.memory_space<semaphore_mem>>
      %dma_start3A = arith.constant 0 : i32
      %dma_start3A_53 = tpu.memref_slice %arg11[%add3A_29, %dma_start3A] : memref<10240x16xf32, #tpu.memory_space<vmem_shared>> -> memref<128x16xf32, #tpu.memory_space<vmem_shared>>
      %dma_start3A_54 = arith.constant 0 : i32
      %dma_start3A_55 = tpu.memref_slice %arg11[%add3A_29, %dma_start3A_54] : memref<10240x16xf32, #tpu.memory_space<vmem_shared>> -> memref<128x16xf32, #tpu.memory_space<vmem_shared>>
      tpu.enqueue_dma source(%arg9 : memref<128x16xf32, #tpu.memory_space<vmem>>) target(%dma_start3A_55 : memref<128x16xf32, #tpu.memory_space<vmem_shared>>) target_semaphore(%run_scoped3A : memref<!tpu.dma_semaphore, #tpu.memory_space<semaphore_mem>>)
      %dma_wait3A = arith.constant 0 : i32
      %dma_wait3A_56 = tpu.memref_slice %arg11[%add3A_29, %dma_wait3A] : memref<10240x16xf32, #tpu.memory_space<vmem_shared>> -> memref<128x16xf32, #tpu.memory_space<vmem_shared>>
      %dma_wait3A_57 = arith.constant 0 : i32
      %dma_wait3A_58 = tpu.memref_slice %arg11[%add3A_29, %dma_wait3A_57] : memref<10240x16xf32, #tpu.memory_space<vmem_shared>> -> memref<128x16xf32, #tpu.memory_space<vmem_shared>>
      tpu.wait_dma2 semaphore(%run_scoped3A : memref<!tpu.dma_semaphore, #tpu.memory_space<semaphore_mem>>) src(%arg9 : memref<128x16xf32, #tpu.memory_space<vmem>>) dst(%dma_wait3A_58 : memref<128x16xf32, #tpu.memory_space<vmem_shared>>)
      tpu.yield
    }) : () -> ()
    %add3A_30 = arith.constant 384 : i32
    %add3A_31 = arith.addi %mul3A_13, %add3A_30 : i32
    "tpu.region"() ({
      %run_scoped3A = tpu.sem_alloc : memref<!tpu.dma_semaphore, #tpu.memory_space<semaphore_mem>>
      %dma_start3A = arith.constant 0 : i32
      %dma_start3A_53 = tpu.memref_slice %arg11[%add3A_31, %dma_start3A] : memref<10240x16xf32, #tpu.memory_space<vmem_shared>> -> memref<128x16xf32, #tpu.memory_space<vmem_shared>>
      %dma_start3A_54 = arith.constant 0 : i32
      %dma_start3A_55 = tpu.memref_slice %arg11[%add3A_31, %dma_start3A_54] : memref<10240x16xf32, #tpu.memory_space<vmem_shared>> -> memref<128x16xf32, #tpu.memory_space<vmem_shared>>
      tpu.enqueue_dma source(%arg9 : memref<128x16xf32, #tpu.memory_space<vmem>>) target(%dma_start3A_55 : memref<128x16xf32, #tpu.memory_space<vmem_shared>>) target_semaphore(%run_scoped3A : memref<!tpu.dma_semaphore, #tpu.memory_space<semaphore_mem>>)
      %dma_wait3A = arith.constant 0 : i32
      %dma_wait3A_56 = tpu.memref_slice %arg11[%add3A_31, %dma_wait3A] : memref<10240x16xf32, #tpu.memory_space<vmem_shared>> -> memref<128x16xf32, #tpu.memory_space<vmem_shared>>
      %dma_wait3A_57 = arith.constant 0 : i32
      %dma_wait3A_58 = tpu.memref_slice %arg11[%add3A_31, %dma_wait3A_57] : memref<10240x16xf32, #tpu.memory_space<vmem_shared>> -> memref<128x16xf32, #tpu.memory_space<vmem_shared>>
      tpu.wait_dma2 semaphore(%run_scoped3A : memref<!tpu.dma_semaphore, #tpu.memory_space<semaphore_mem>>) src(%arg9 : memref<128x16xf32, #tpu.memory_space<vmem>>) dst(%dma_wait3A_58 : memref<128x16xf32, #tpu.memory_space<vmem_shared>>)
      tpu.yield
    }) : () -> ()
    %add3A_32 = arith.constant 512 : i32
    %add3A_33 = arith.addi %mul3A_13, %add3A_32 : i32
    "tpu.region"() ({
      %run_scoped3A = tpu.sem_alloc : memref<!tpu.dma_semaphore, #tpu.memory_space<semaphore_mem>>
      %dma_start3A = arith.constant 0 : i32
      %dma_start3A_53 = tpu.memref_slice %arg11[%add3A_33, %dma_start3A] : memref<10240x16xf32, #tpu.memory_space<vmem_shared>> -> memref<128x16xf32, #tpu.memory_space<vmem_shared>>
      %dma_start3A_54 = arith.constant 0 : i32
      %dma_start3A_55 = tpu.memref_slice %arg11[%add3A_33, %dma_start3A_54] : memref<10240x16xf32, #tpu.memory_space<vmem_shared>> -> memref<128x16xf32, #tpu.memory_space<vmem_shared>>
      tpu.enqueue_dma source(%arg9 : memref<128x16xf32, #tpu.memory_space<vmem>>) target(%dma_start3A_55 : memref<128x16xf32, #tpu.memory_space<vmem_shared>>) target_semaphore(%run_scoped3A : memref<!tpu.dma_semaphore, #tpu.memory_space<semaphore_mem>>)
      %dma_wait3A = arith.constant 0 : i32
      %dma_wait3A_56 = tpu.memref_slice %arg11[%add3A_33, %dma_wait3A] : memref<10240x16xf32, #tpu.memory_space<vmem_shared>> -> memref<128x16xf32, #tpu.memory_space<vmem_shared>>
      %dma_wait3A_57 = arith.constant 0 : i32
      %dma_wait3A_58 = tpu.memref_slice %arg11[%add3A_33, %dma_wait3A_57] : memref<10240x16xf32, #tpu.memory_space<vmem_shared>> -> memref<128x16xf32, #tpu.memory_space<vmem_shared>>
      tpu.wait_dma2 semaphore(%run_scoped3A : memref<!tpu.dma_semaphore, #tpu.memory_space<semaphore_mem>>) src(%arg9 : memref<128x16xf32, #tpu.memory_space<vmem>>) dst(%dma_wait3A_58 : memref<128x16xf32, #tpu.memory_space<vmem_shared>>)
      tpu.yield
    }) : () -> ()
    %barrier3A = arith.constant 0 : index
    tpu.barrier barrier_id(%barrier3A)
    %scan3A_34 = arith.constant 0 : i32
    %scan3A_35 = arith.constant 0 : i32
    %scan3A_36 = arith.constant 2 : i32
    %scan3A_37 = arith.addi %scan3A_35, %scan3A_36 : i32
    %scan3A_38 = arith.constant 1 : i32
    scf.for %scan3A_53 = %scan3A_35 to %scan3A_37 step %scan3A_38  : i32 {
      %dma_start3A = arith.constant 0 : i32
      %dma_start3A_54 = tpu.memref_slice %arg6[%scan3A_53, %dma_start3A] : memref<2x5000xi32, #tpu.memory_space<vmem>> -> memref<1x5000xi32, #tpu.memory_space<vmem>>
      %dma_start3A_55 = tpu.memref_squeeze %dma_start3A_54 : memref<1x5000xi32, #tpu.memory_space<vmem>> -> memref<5000xi32, #tpu.memory_space<vmem>>
      %dma_start3A_56 = arith.constant 0 : i32
      %dma_start3A_57 = arith.constant 0 : i32
      %dma_start3A_58 = tpu.memref_slice %arg10[%dma_start3A_56, %dma_start3A_57] : memref<10240x16xf32, #tpu.memory_space<vmem_shared>> -> memref<10240x16xf32, #tpu.memory_space<vmem_shared>>
      tpu.enqueue_indirect_dma source(%arg8 : memref<5000x16xf32, #tpu.memory_space<vmem>>) target(%dma_start3A_58 : memref<10240x16xf32, #tpu.memory_space<vmem_shared>>) offsets(%dma_start3A_55 : memref<5000xi32, #tpu.memory_space<vmem>>) semaphore(%arg12 : memref<!tpu.dma_semaphore, #tpu.memory_space<semaphore_mem>>) {add = true}
      %dma_start3A_59 = arith.constant 0 : i32
      %dma_start3A_60 = tpu.memref_slice %arg7[%scan3A_53, %dma_start3A_59] : memref<2x5000xi32, #tpu.memory_space<vmem>> -> memref<1x5000xi32, #tpu.memory_space<vmem>>
      %dma_start3A_61 = tpu.memref_squeeze %dma_start3A_60 : memref<1x5000xi32, #tpu.memory_space<vmem>> -> memref<5000xi32, #tpu.memory_space<vmem>>
      %dma_start3A_62 = arith.constant 0 : i32
      %dma_start3A_63 = arith.constant 0 : i32
      %dma_start3A_64 = tpu.memref_slice %arg11[%dma_start3A_62, %dma_start3A_63] : memref<10240x16xf32, #tpu.memory_space<vmem_shared>> -> memref<10240x16xf32, #tpu.memory_space<vmem_shared>>
      tpu.enqueue_indirect_dma source(%arg8 : memref<5000x16xf32, #tpu.memory_space<vmem>>) target(%dma_start3A_64 : memref<10240x16xf32, #tpu.memory_space<vmem_shared>>) offsets(%dma_start3A_61 : memref<5000xi32, #tpu.memory_space<vmem>>) semaphore(%arg12 : memref<!tpu.dma_semaphore, #tpu.memory_space<semaphore_mem>>) {add = true}
    }
    %scan3A_39 = arith.constant 2 : i32
    %scan3A_40 = arith.constant 0 : i32
    %scan3A_41 = arith.constant 0 : i32
    %scan3A_42 = arith.constant 4 : i32
    %scan3A_43 = arith.addi %scan3A_41, %scan3A_42 : i32
    %scan3A_44 = arith.constant 1 : i32
    scf.for %scan3A_53 = %scan3A_41 to %scan3A_43 step %scan3A_44  : i32 {
      %dma_wait3A = arith.constant 0 : i32
      %dma_wait3A_54 = arith.constant 0 : i32
      %dma_wait3A_55 = tpu.memref_slice %arg6[%dma_wait3A, %dma_wait3A_54] : memref<2x5000xi32, #tpu.memory_space<vmem>> -> memref<1x5000xi32, #tpu.memory_space<vmem>>
      %dma_wait3A_56 = tpu.memref_squeeze %dma_wait3A_55 : memref<1x5000xi32, #tpu.memory_space<vmem>> -> memref<5000xi32, #tpu.memory_space<vmem>>
      %dma_wait3A_57 = arith.constant 0 : i32
      %dma_wait3A_58 = arith.constant 0 : i32
      %dma_wait3A_59 = tpu.memref_slice %arg10[%dma_wait3A_57, %dma_wait3A_58] : memref<10240x16xf32, #tpu.memory_space<vmem_shared>> -> memref<10240x16xf32, #tpu.memory_space<vmem_shared>>
      tpu.wait_indirect_dma semaphore(%arg12 : memref<!tpu.dma_semaphore, #tpu.memory_space<semaphore_mem>>) src(%arg8 : memref<5000x16xf32, #tpu.memory_space<vmem>>) dst(%dma_wait3A_59 : memref<10240x16xf32, #tpu.memory_space<vmem_shared>>)
    }
    %scan3A_45 = arith.constant 4 : i32
    %barrier3A_46 = arith.constant 0 : index
    tpu.barrier barrier_id(%barrier3A_46)
    %mul3A_47 = arith.constant 10240 : i32
    %mul3A_48 = arith.muli %arg0, %mul3A_47 : i32
    %add3A_49 = arith.addi %mul3A_48, %mul3A_13 : i32
    "tpu.region"() ({
      %run_scoped3A = tpu.sem_alloc : memref<!tpu.dma_semaphore, #tpu.memory_space<semaphore_mem>>
      %dma_start3A = arith.constant 0 : i32
      %dma_start3A_53 = tpu.memref_slice %arg4[%add3A_49, %dma_start3A] : memref<20480x16xf32, #tpu.memory_space<hbm>> -> memref<640x16xf32, #tpu.memory_space<hbm>>
      %dma_start3A_54 = arith.constant 0 : i32
      %dma_start3A_55 = tpu.memref_slice %arg10[%mul3A_13, %dma_start3A_54] : memref<10240x16xf32, #tpu.memory_space<vmem_shared>> -> memref<640x16xf32, #tpu.memory_space<vmem_shared>>
      tpu.enqueue_dma source(%dma_start3A_55 : memref<640x16xf32, #tpu.memory_space<vmem_shared>>) target(%dma_start3A_53 : memref<640x16xf32, #tpu.memory_space<hbm>>) target_semaphore(%run_scoped3A : memref<!tpu.dma_semaphore, #tpu.memory_space<semaphore_mem>>)
      %dma_wait3A = arith.constant 0 : i32
      %dma_wait3A_56 = tpu.memref_slice %arg4[%add3A_49, %dma_wait3A] : memref<20480x16xf32, #tpu.memory_space<hbm>> -> memref<640x16xf32, #tpu.memory_space<hbm>>
      %dma_wait3A_57 = arith.constant 0 : i32
      %dma_wait3A_58 = tpu.memref_slice %arg10[%mul3A_13, %dma_wait3A_57] : memref<10240x16xf32, #tpu.memory_space<vmem_shared>> -> memref<640x16xf32, #tpu.memory_space<vmem_shared>>
      tpu.wait_dma2 semaphore(%run_scoped3A : memref<!tpu.dma_semaphore, #tpu.memory_space<semaphore_mem>>) src(%dma_wait3A_58 : memref<640x16xf32, #tpu.memory_space<vmem_shared>>) dst(%dma_wait3A_56 : memref<640x16xf32, #tpu.memory_space<hbm>>)
      tpu.yield
    }) : () -> ()
    %mul3A_50 = arith.constant 10240 : i32
    %mul3A_51 = arith.muli %arg0, %mul3A_50 : i32
    %add3A_52 = arith.addi %mul3A_51, %mul3A_13 : i32
    "tpu.region"() ({
      %run_scoped3A = tpu.sem_alloc : memref<!tpu.dma_semaphore, #tpu.memory_space<semaphore_mem>>
      %dma_start3A = arith.constant 0 : i32
      %dma_start3A_53 = tpu.memref_slice %arg5[%add3A_52, %dma_start3A] : memref<20480x16xf32, #tpu.memory_space<hbm>> -> memref<640x16xf32, #tpu.memory_space<hbm>>
      %dma_start3A_54 = arith.constant 0 : i32
      %dma_start3A_55 = tpu.memref_slice %arg11[%mul3A_13, %dma_start3A_54] : memref<10240x16xf32, #tpu.memory_space<vmem_shared>> -> memref<640x16xf32, #tpu.memory_space<vmem_shared>>
      tpu.enqueue_dma source(%dma_start3A_55 : memref<640x16xf32, #tpu.memory_space<vmem_shared>>) target(%dma_start3A_53 : memref<640x16xf32, #tpu.memory_space<hbm>>) target_semaphore(%run_scoped3A : memref<!tpu.dma_semaphore, #tpu.memory_space<semaphore_mem>>)
      %dma_wait3A = arith.constant 0 : i32
      %dma_wait3A_56 = tpu.memref_slice %arg5[%add3A_52, %dma_wait3A] : memref<20480x16xf32, #tpu.memory_space<hbm>> -> memref<640x16xf32, #tpu.memory_space<hbm>>
      %dma_wait3A_57 = arith.constant 0 : i32
      %dma_wait3A_58 = tpu.memref_slice %arg11[%mul3A_13, %dma_wait3A_57] : memref<10240x16xf32, #tpu.memory_space<vmem_shared>> -> memref<640x16xf32, #tpu.memory_space<vmem_shared>>
      tpu.wait_dma2 semaphore(%run_scoped3A : memref<!tpu.dma_semaphore, #tpu.memory_space<semaphore_mem>>) src(%dma_wait3A_58 : memref<640x16xf32, #tpu.memory_space<vmem_shared>>) dst(%dma_wait3A_56 : memref<640x16xf32, #tpu.memory_space<hbm>>)
      tpu.yield
    }) : () -> ()
    return
  }
}

#map = affine_map<(d0, d1) -> (0, 0)>
#map1 = affine_map<(d0, d1) -> (0, 0, 0)>
module attributes {stable_mosaic.version = 14 : i64} {
  func.func @agg_kernel(%arg0: i32, %arg1: i32, %arg2: memref<10000x32xbf16, #tpu.memory_space<hbm>>, %arg3: memref<32x4x2500xi32, #tpu.memory_space<hbm>>, %arg4: memref<32x4x2500xi32, #tpu.memory_space<hbm>>, %arg5: memref<20480x32xbf16, #tpu.memory_space<hbm>>, %arg6: memref<4x2500xi32, #tpu.memory_space<vmem>>, %arg7: memref<4x2500xi32, #tpu.memory_space<vmem>>, %arg8: memref<2x2500x32xbf16, #tpu.memory_space<vmem>>, %arg9: memref<128x32xbf16, #tpu.memory_space<vmem>>, %arg10: memref<10240x32xbf16, #tpu.memory_space<vmem_shared>>, %arg11: memref<!tpu.dma_semaphore, #tpu.memory_space<semaphore_mem>>, %arg12: memref<!tpu.dma_semaphore, #tpu.memory_space<semaphore_mem>>) attributes {dimension_semantics = [#tpu.dimension_semantics<core_parallel>, #tpu.dimension_semantics<subcore_parallel>], iteration_bounds = array<i64: 2, 16>, scalar_prefetch = 0 : i64, scratch_operands = 7 : i64, tpu.core_type = #tpu.core_type<sc_vector_subcore>, window_params = [{transform_indices = #map}, {transform_indices = #map1}, {transform_indices = #map1}, {transform_indices = #map}]} {
    %mul3A = arith.constant 2 : i32
    %mul3A_0 = arith.muli %arg1, %mul3A : i32
    %add3A = arith.addi %mul3A_0, %arg0 : i32
    "tpu.region"() ({
      %run_scoped3A = tpu.sem_alloc : memref<!tpu.dma_semaphore, #tpu.memory_space<semaphore_mem>>
      %dma_start3A_50 = arith.constant 0 : i32
      %dma_start3A_51 = arith.constant 0 : i32
      %dma_start3A_52 = tpu.memref_slice %arg3[%add3A, %dma_start3A_50, %dma_start3A_51] : memref<32x4x2500xi32, #tpu.memory_space<hbm>> -> memref<1x4x2500xi32, #tpu.memory_space<hbm>>
      %dma_start3A_53 = tpu.memref_squeeze %dma_start3A_52 : memref<1x4x2500xi32, #tpu.memory_space<hbm>> -> memref<4x2500xi32, #tpu.memory_space<hbm>>
      %dma_start3A_54 = arith.constant 0 : i32
      %dma_start3A_55 = arith.constant 0 : i32
      %dma_start3A_56 = tpu.memref_slice %arg3[%add3A, %dma_start3A_54, %dma_start3A_55] : memref<32x4x2500xi32, #tpu.memory_space<hbm>> -> memref<1x4x2500xi32, #tpu.memory_space<hbm>>
      %dma_start3A_57 = tpu.memref_squeeze %dma_start3A_56 : memref<1x4x2500xi32, #tpu.memory_space<hbm>> -> memref<4x2500xi32, #tpu.memory_space<hbm>>
      tpu.enqueue_dma source(%dma_start3A_57 : memref<4x2500xi32, #tpu.memory_space<hbm>>) target(%arg6 : memref<4x2500xi32, #tpu.memory_space<vmem>>) target_semaphore(%run_scoped3A : memref<!tpu.dma_semaphore, #tpu.memory_space<semaphore_mem>>)
      %dma_wait3A_58 = arith.constant 0 : i32
      %dma_wait3A_59 = arith.constant 0 : i32
      %dma_wait3A_60 = tpu.memref_slice %arg3[%add3A, %dma_wait3A_58, %dma_wait3A_59] : memref<32x4x2500xi32, #tpu.memory_space<hbm>> -> memref<1x4x2500xi32, #tpu.memory_space<hbm>>
      %dma_wait3A_61 = tpu.memref_squeeze %dma_wait3A_60 : memref<1x4x2500xi32, #tpu.memory_space<hbm>> -> memref<4x2500xi32, #tpu.memory_space<hbm>>
      %dma_wait3A_62 = arith.constant 0 : i32
      %dma_wait3A_63 = arith.constant 0 : i32
      %dma_wait3A_64 = tpu.memref_slice %arg3[%add3A, %dma_wait3A_62, %dma_wait3A_63] : memref<32x4x2500xi32, #tpu.memory_space<hbm>> -> memref<1x4x2500xi32, #tpu.memory_space<hbm>>
      %dma_wait3A_65 = tpu.memref_squeeze %dma_wait3A_64 : memref<1x4x2500xi32, #tpu.memory_space<hbm>> -> memref<4x2500xi32, #tpu.memory_space<hbm>>
      tpu.wait_dma2 semaphore(%run_scoped3A : memref<!tpu.dma_semaphore, #tpu.memory_space<semaphore_mem>>) src(%dma_wait3A_65 : memref<4x2500xi32, #tpu.memory_space<hbm>>) dst(%arg6 : memref<4x2500xi32, #tpu.memory_space<vmem>>)
      tpu.yield
    }) : () -> ()
    "tpu.region"() ({
      %run_scoped3A = tpu.sem_alloc : memref<!tpu.dma_semaphore, #tpu.memory_space<semaphore_mem>>
      %dma_start3A_50 = arith.constant 0 : i32
      %dma_start3A_51 = arith.constant 0 : i32
      %dma_start3A_52 = tpu.memref_slice %arg4[%add3A, %dma_start3A_50, %dma_start3A_51] : memref<32x4x2500xi32, #tpu.memory_space<hbm>> -> memref<1x4x2500xi32, #tpu.memory_space<hbm>>
      %dma_start3A_53 = tpu.memref_squeeze %dma_start3A_52 : memref<1x4x2500xi32, #tpu.memory_space<hbm>> -> memref<4x2500xi32, #tpu.memory_space<hbm>>
      %dma_start3A_54 = arith.constant 0 : i32
      %dma_start3A_55 = arith.constant 0 : i32
      %dma_start3A_56 = tpu.memref_slice %arg4[%add3A, %dma_start3A_54, %dma_start3A_55] : memref<32x4x2500xi32, #tpu.memory_space<hbm>> -> memref<1x4x2500xi32, #tpu.memory_space<hbm>>
      %dma_start3A_57 = tpu.memref_squeeze %dma_start3A_56 : memref<1x4x2500xi32, #tpu.memory_space<hbm>> -> memref<4x2500xi32, #tpu.memory_space<hbm>>
      tpu.enqueue_dma source(%dma_start3A_57 : memref<4x2500xi32, #tpu.memory_space<hbm>>) target(%arg7 : memref<4x2500xi32, #tpu.memory_space<vmem>>) target_semaphore(%run_scoped3A : memref<!tpu.dma_semaphore, #tpu.memory_space<semaphore_mem>>)
      %dma_wait3A_58 = arith.constant 0 : i32
      %dma_wait3A_59 = arith.constant 0 : i32
      %dma_wait3A_60 = tpu.memref_slice %arg4[%add3A, %dma_wait3A_58, %dma_wait3A_59] : memref<32x4x2500xi32, #tpu.memory_space<hbm>> -> memref<1x4x2500xi32, #tpu.memory_space<hbm>>
      %dma_wait3A_61 = tpu.memref_squeeze %dma_wait3A_60 : memref<1x4x2500xi32, #tpu.memory_space<hbm>> -> memref<4x2500xi32, #tpu.memory_space<hbm>>
      %dma_wait3A_62 = arith.constant 0 : i32
      %dma_wait3A_63 = arith.constant 0 : i32
      %dma_wait3A_64 = tpu.memref_slice %arg4[%add3A, %dma_wait3A_62, %dma_wait3A_63] : memref<32x4x2500xi32, #tpu.memory_space<hbm>> -> memref<1x4x2500xi32, #tpu.memory_space<hbm>>
      %dma_wait3A_65 = tpu.memref_squeeze %dma_wait3A_64 : memref<1x4x2500xi32, #tpu.memory_space<hbm>> -> memref<4x2500xi32, #tpu.memory_space<hbm>>
      tpu.wait_dma2 semaphore(%run_scoped3A : memref<!tpu.dma_semaphore, #tpu.memory_space<semaphore_mem>>) src(%dma_wait3A_65 : memref<4x2500xi32, #tpu.memory_space<hbm>>) dst(%arg7 : memref<4x2500xi32, #tpu.memory_space<vmem>>)
      tpu.yield
    }) : () -> ()
    %scan3A = arith.constant 0 : i32
    %scan3A_1 = arith.constant 0 : i32
    %scan3A_2 = arith.constant 128 : i32
    %scan3A_3 = arith.addi %scan3A_1, %scan3A_2 : i32
    %scan3A_4 = arith.constant 1 : i32
    scf.for %scan3A_50 = %scan3A_1 to %scan3A_3 step %scan3A_4  : i32 {
      %jit3A = arith.constant 1 : i32
      %div3A = arith.divsi %scan3A_50, %jit3A : i32
      %sign3A = arith.constant 0 : i32
      %sign3A_51 = arith.cmpi sgt, %scan3A_50, %sign3A : i32
      %sign3A_52 = arith.extui %sign3A_51 : i1 to i32
      %sign3A_53 = arith.constant 0 : i32
      %sign3A_54 = arith.cmpi slt, %scan3A_50, %sign3A_53 : i32
      %sign3A_55 = arith.extui %sign3A_54 : i1 to i32
      %sign3A_56 = arith.subi %sign3A_52, %sign3A_55 : i32
      %sign3A_57 = arith.constant 0 : i32
      %sign3A_58 = arith.cmpi sgt, %jit3A, %sign3A_57 : i32
      %sign3A_59 = arith.extui %sign3A_58 : i1 to i32
      %sign3A_60 = arith.constant 0 : i32
      %sign3A_61 = arith.cmpi slt, %jit3A, %sign3A_60 : i32
      %sign3A_62 = arith.extui %sign3A_61 : i1 to i32
      %sign3A_63 = arith.subi %sign3A_59, %sign3A_62 : i32
      %ne3A = arith.cmpi ne, %sign3A_56, %sign3A_63 : i32
      %rem3A = arith.remsi %scan3A_50, %jit3A : i32
      %ne3A_64 = arith.constant 0 : i32
      %ne3A_65 = arith.cmpi ne, %rem3A, %ne3A_64 : i32
      %and3A = arith.andi %ne3A, %ne3A_65 : i1
      %sub3A = arith.constant 1 : i32
      %sub3A_66 = arith.subi %div3A, %sub3A : i32
      %select_n3A = arith.select %and3A, %sub3A_66, %div3A : i32
      %jit3A_67 = arith.constant 1 : i32
      %eq3A = arith.constant 0 : i32
      %eq3A_68 = arith.cmpi eq, %jit3A_67, %eq3A : i32
      %jit3A_69 = arith.constant 1 : i32
      %select_n3A_70 = arith.select %eq3A_68, %jit3A_69, %jit3A_67 : i32
      %rem3A_71 = arith.remsi %scan3A_50, %select_n3A_70 : i32
      %ne3A_72 = arith.constant 0 : i32
      %ne3A_73 = arith.cmpi ne, %rem3A_71, %ne3A_72 : i32
      %lt3A = arith.constant 0 : i32
      %lt3A_74 = arith.cmpi slt, %rem3A_71, %lt3A : i32
      %lt3A_75 = arith.constant 0 : i32
      %lt3A_76 = arith.cmpi slt, %select_n3A_70, %lt3A_75 : i32
      %ne3A_77 = arith.xori %lt3A_74, %lt3A_76 : i1
      %and3A_78 = arith.andi %ne3A_77, %ne3A_73 : i1
      %add3A_79 = arith.addi %rem3A_71, %select_n3A_70 : i32
      %select_n3A_80 = arith.select %and3A_78, %add3A_79, %rem3A_71 : i32
      %mul3A_81 = arith.constant 32 : i32
      %mul3A_82 = arith.muli %select_n3A_80, %mul3A_81 : i32
      %broadcast_in_dim3A = arith.constant 0.000000e+00 : bf16
      %broadcast_in_dim3A_83 = vector.broadcast %broadcast_in_dim3A : bf16 to vector<32xbf16>
      %swap3A = arith.index_cast %select_n3A : i32 to index
      %swap3A_84 = arith.index_cast %mul3A_82 : i32 to index
      %swap3A_85 = tpu.vector_load %arg9[%swap3A, %swap3A_84] {strides = array<i32>} : memref<128x32xbf16, #tpu.memory_space<vmem>>, vector<1x32xbf16>,
      %swap3A_86 = vector.shape_cast %swap3A_85 : vector<1x32xbf16> to vector<32xbf16>
      %swap3A_87 = vector.shape_cast %broadcast_in_dim3A_83 : vector<32xbf16> to vector<1x32xbf16>
      tpu.vector_store %arg9[%swap3A, %swap3A_84], %swap3A_87 {strides = array<i32>} : memref<128x32xbf16, #tpu.memory_space<vmem>>, vector<1x32xbf16>,
    }
    %scan3A_5 = arith.constant 128 : i32
    %mul3A_6 = arith.constant 640 : i32
    %mul3A_7 = arith.muli %arg1, %mul3A_6 : i32
    %add3A_8 = arith.constant 0 : i32
    %add3A_9 = arith.addi %mul3A_7, %add3A_8 : i32
    "tpu.region"() ({
      %run_scoped3A = tpu.sem_alloc : memref<!tpu.dma_semaphore, #tpu.memory_space<semaphore_mem>>
      %dma_start3A_50 = arith.constant 0 : i32
      %dma_start3A_51 = tpu.memref_slice %arg10[%add3A_9, %dma_start3A_50] : memref<10240x32xbf16, #tpu.memory_space<vmem_shared>> -> memref<128x32xbf16, #tpu.memory_space<vmem_shared>>
      %dma_start3A_52 = arith.constant 0 : i32
      %dma_start3A_53 = tpu.memref_slice %arg10[%add3A_9, %dma_start3A_52] : memref<10240x32xbf16, #tpu.memory_space<vmem_shared>> -> memref<128x32xbf16, #tpu.memory_space<vmem_shared>>
      tpu.enqueue_dma source(%arg9 : memref<128x32xbf16, #tpu.memory_space<vmem>>) target(%dma_start3A_53 : memref<128x32xbf16, #tpu.memory_space<vmem_shared>>) target_semaphore(%run_scoped3A : memref<!tpu.dma_semaphore, #tpu.memory_space<semaphore_mem>>)
      %dma_wait3A_54 = arith.constant 0 : i32
      %dma_wait3A_55 = tpu.memref_slice %arg10[%add3A_9, %dma_wait3A_54] : memref<10240x32xbf16, #tpu.memory_space<vmem_shared>> -> memref<128x32xbf16, #tpu.memory_space<vmem_shared>>
      %dma_wait3A_56 = arith.constant 0 : i32
      %dma_wait3A_57 = tpu.memref_slice %arg10[%add3A_9, %dma_wait3A_56] : memref<10240x32xbf16, #tpu.memory_space<vmem_shared>> -> memref<128x32xbf16, #tpu.memory_space<vmem_shared>>
      tpu.wait_dma2 semaphore(%run_scoped3A : memref<!tpu.dma_semaphore, #tpu.memory_space<semaphore_mem>>) src(%arg9 : memref<128x32xbf16, #tpu.memory_space<vmem>>) dst(%dma_wait3A_57 : memref<128x32xbf16, #tpu.memory_space<vmem_shared>>)
      tpu.yield
    }) : () -> ()
    %add3A_10 = arith.constant 128 : i32
    %add3A_11 = arith.addi %mul3A_7, %add3A_10 : i32
    "tpu.region"() ({
      %run_scoped3A = tpu.sem_alloc : memref<!tpu.dma_semaphore, #tpu.memory_space<semaphore_mem>>
      %dma_start3A_50 = arith.constant 0 : i32
      %dma_start3A_51 = tpu.memref_slice %arg10[%add3A_11, %dma_start3A_50] : memref<10240x32xbf16, #tpu.memory_space<vmem_shared>> -> memref<128x32xbf16, #tpu.memory_space<vmem_shared>>
      %dma_start3A_52 = arith.constant 0 : i32
      %dma_start3A_53 = tpu.memref_slice %arg10[%add3A_11, %dma_start3A_52] : memref<10240x32xbf16, #tpu.memory_space<vmem_shared>> -> memref<128x32xbf16, #tpu.memory_space<vmem_shared>>
      tpu.enqueue_dma source(%arg9 : memref<128x32xbf16, #tpu.memory_space<vmem>>) target(%dma_start3A_53 : memref<128x32xbf16, #tpu.memory_space<vmem_shared>>) target_semaphore(%run_scoped3A : memref<!tpu.dma_semaphore, #tpu.memory_space<semaphore_mem>>)
      %dma_wait3A_54 = arith.constant 0 : i32
      %dma_wait3A_55 = tpu.memref_slice %arg10[%add3A_11, %dma_wait3A_54] : memref<10240x32xbf16, #tpu.memory_space<vmem_shared>> -> memref<128x32xbf16, #tpu.memory_space<vmem_shared>>
      %dma_wait3A_56 = arith.constant 0 : i32
      %dma_wait3A_57 = tpu.memref_slice %arg10[%add3A_11, %dma_wait3A_56] : memref<10240x32xbf16, #tpu.memory_space<vmem_shared>> -> memref<128x32xbf16, #tpu.memory_space<vmem_shared>>
      tpu.wait_dma2 semaphore(%run_scoped3A : memref<!tpu.dma_semaphore, #tpu.memory_space<semaphore_mem>>) src(%arg9 : memref<128x32xbf16, #tpu.memory_space<vmem>>) dst(%dma_wait3A_57 : memref<128x32xbf16, #tpu.memory_space<vmem_shared>>)
      tpu.yield
    }) : () -> ()
    %add3A_12 = arith.constant 256 : i32
    %add3A_13 = arith.addi %mul3A_7, %add3A_12 : i32
    "tpu.region"() ({
      %run_scoped3A = tpu.sem_alloc : memref<!tpu.dma_semaphore, #tpu.memory_space<semaphore_mem>>
      %dma_start3A_50 = arith.constant 0 : i32
      %dma_start3A_51 = tpu.memref_slice %arg10[%add3A_13, %dma_start3A_50] : memref<10240x32xbf16, #tpu.memory_space<vmem_shared>> -> memref<128x32xbf16, #tpu.memory_space<vmem_shared>>
      %dma_start3A_52 = arith.constant 0 : i32
      %dma_start3A_53 = tpu.memref_slice %arg10[%add3A_13, %dma_start3A_52] : memref<10240x32xbf16, #tpu.memory_space<vmem_shared>> -> memref<128x32xbf16, #tpu.memory_space<vmem_shared>>
      tpu.enqueue_dma source(%arg9 : memref<128x32xbf16, #tpu.memory_space<vmem>>) target(%dma_start3A_53 : memref<128x32xbf16, #tpu.memory_space<vmem_shared>>) target_semaphore(%run_scoped3A : memref<!tpu.dma_semaphore, #tpu.memory_space<semaphore_mem>>)
      %dma_wait3A_54 = arith.constant 0 : i32
      %dma_wait3A_55 = tpu.memref_slice %arg10[%add3A_13, %dma_wait3A_54] : memref<10240x32xbf16, #tpu.memory_space<vmem_shared>> -> memref<128x32xbf16, #tpu.memory_space<vmem_shared>>
      %dma_wait3A_56 = arith.constant 0 : i32
      %dma_wait3A_57 = tpu.memref_slice %arg10[%add3A_13, %dma_wait3A_56] : memref<10240x32xbf16, #tpu.memory_space<vmem_shared>> -> memref<128x32xbf16, #tpu.memory_space<vmem_shared>>
      tpu.wait_dma2 semaphore(%run_scoped3A : memref<!tpu.dma_semaphore, #tpu.memory_space<semaphore_mem>>) src(%arg9 : memref<128x32xbf16, #tpu.memory_space<vmem>>) dst(%dma_wait3A_57 : memref<128x32xbf16, #tpu.memory_space<vmem_shared>>)
      tpu.yield
    }) : () -> ()
    %add3A_14 = arith.constant 384 : i32
    %add3A_15 = arith.addi %mul3A_7, %add3A_14 : i32
    "tpu.region"() ({
      %run_scoped3A = tpu.sem_alloc : memref<!tpu.dma_semaphore, #tpu.memory_space<semaphore_mem>>
      %dma_start3A_50 = arith.constant 0 : i32
      %dma_start3A_51 = tpu.memref_slice %arg10[%add3A_15, %dma_start3A_50] : memref<10240x32xbf16, #tpu.memory_space<vmem_shared>> -> memref<128x32xbf16, #tpu.memory_space<vmem_shared>>
      %dma_start3A_52 = arith.constant 0 : i32
      %dma_start3A_53 = tpu.memref_slice %arg10[%add3A_15, %dma_start3A_52] : memref<10240x32xbf16, #tpu.memory_space<vmem_shared>> -> memref<128x32xbf16, #tpu.memory_space<vmem_shared>>
      tpu.enqueue_dma source(%arg9 : memref<128x32xbf16, #tpu.memory_space<vmem>>) target(%dma_start3A_53 : memref<128x32xbf16, #tpu.memory_space<vmem_shared>>) target_semaphore(%run_scoped3A : memref<!tpu.dma_semaphore, #tpu.memory_space<semaphore_mem>>)
      %dma_wait3A_54 = arith.constant 0 : i32
      %dma_wait3A_55 = tpu.memref_slice %arg10[%add3A_15, %dma_wait3A_54] : memref<10240x32xbf16, #tpu.memory_space<vmem_shared>> -> memref<128x32xbf16, #tpu.memory_space<vmem_shared>>
      %dma_wait3A_56 = arith.constant 0 : i32
      %dma_wait3A_57 = tpu.memref_slice %arg10[%add3A_15, %dma_wait3A_56] : memref<10240x32xbf16, #tpu.memory_space<vmem_shared>> -> memref<128x32xbf16, #tpu.memory_space<vmem_shared>>
      tpu.wait_dma2 semaphore(%run_scoped3A : memref<!tpu.dma_semaphore, #tpu.memory_space<semaphore_mem>>) src(%arg9 : memref<128x32xbf16, #tpu.memory_space<vmem>>) dst(%dma_wait3A_57 : memref<128x32xbf16, #tpu.memory_space<vmem_shared>>)
      tpu.yield
    }) : () -> ()
    %add3A_16 = arith.constant 512 : i32
    %add3A_17 = arith.addi %mul3A_7, %add3A_16 : i32
    "tpu.region"() ({
      %run_scoped3A = tpu.sem_alloc : memref<!tpu.dma_semaphore, #tpu.memory_space<semaphore_mem>>
      %dma_start3A_50 = arith.constant 0 : i32
      %dma_start3A_51 = tpu.memref_slice %arg10[%add3A_17, %dma_start3A_50] : memref<10240x32xbf16, #tpu.memory_space<vmem_shared>> -> memref<128x32xbf16, #tpu.memory_space<vmem_shared>>
      %dma_start3A_52 = arith.constant 0 : i32
      %dma_start3A_53 = tpu.memref_slice %arg10[%add3A_17, %dma_start3A_52] : memref<10240x32xbf16, #tpu.memory_space<vmem_shared>> -> memref<128x32xbf16, #tpu.memory_space<vmem_shared>>
      tpu.enqueue_dma source(%arg9 : memref<128x32xbf16, #tpu.memory_space<vmem>>) target(%dma_start3A_53 : memref<128x32xbf16, #tpu.memory_space<vmem_shared>>) target_semaphore(%run_scoped3A : memref<!tpu.dma_semaphore, #tpu.memory_space<semaphore_mem>>)
      %dma_wait3A_54 = arith.constant 0 : i32
      %dma_wait3A_55 = tpu.memref_slice %arg10[%add3A_17, %dma_wait3A_54] : memref<10240x32xbf16, #tpu.memory_space<vmem_shared>> -> memref<128x32xbf16, #tpu.memory_space<vmem_shared>>
      %dma_wait3A_56 = arith.constant 0 : i32
      %dma_wait3A_57 = tpu.memref_slice %arg10[%add3A_17, %dma_wait3A_56] : memref<10240x32xbf16, #tpu.memory_space<vmem_shared>> -> memref<128x32xbf16, #tpu.memory_space<vmem_shared>>
      tpu.wait_dma2 semaphore(%run_scoped3A : memref<!tpu.dma_semaphore, #tpu.memory_space<semaphore_mem>>) src(%arg9 : memref<128x32xbf16, #tpu.memory_space<vmem>>) dst(%dma_wait3A_57 : memref<128x32xbf16, #tpu.memory_space<vmem_shared>>)
      tpu.yield
    }) : () -> ()
    %barrier3A = arith.constant 0 : index
    tpu.barrier barrier_id(%barrier3A)
    %dma_start3A = arith.constant 0 : i32
    %dma_start3A_18 = arith.constant 0 : i32
    %dma_start3A_19 = arith.constant 0 : i32
    %dma_start3A_20 = arith.constant 0 : i32
    %dma_start3A_21 = tpu.memref_slice %arg8[%dma_start3A_18, %dma_start3A_19, %dma_start3A_20] : memref<2x2500x32xbf16, #tpu.memory_space<vmem>> -> memref<1x2500x32xbf16, #tpu.memory_space<vmem>>
    %dma_start3A_22 = tpu.memref_squeeze %dma_start3A_21 : memref<1x2500x32xbf16, #tpu.memory_space<vmem>> -> memref<2500x32xbf16, #tpu.memory_space<vmem>>
    %dma_start3A_23 = arith.constant 0 : i32
    %dma_start3A_24 = tpu.memref_slice %arg6[%dma_start3A, %dma_start3A_23] : memref<4x2500xi32, #tpu.memory_space<vmem>> -> memref<1x2500xi32, #tpu.memory_space<vmem>>
    %dma_start3A_25 = tpu.memref_squeeze %dma_start3A_24 : memref<1x2500xi32, #tpu.memory_space<vmem>> -> memref<2500xi32, #tpu.memory_space<vmem>>
    %dma_start3A_26 = arith.constant 0 : i32
    %dma_start3A_27 = arith.constant 0 : i32
    %dma_start3A_28 = tpu.memref_slice %arg2[%dma_start3A_26, %dma_start3A_27] : memref<10000x32xbf16, #tpu.memory_space<hbm>> -> memref<10000x32xbf16, #tpu.memory_space<hbm>>
    tpu.enqueue_indirect_dma source(%dma_start3A_28 : memref<10000x32xbf16, #tpu.memory_space<hbm>>) target(%dma_start3A_22 : memref<2500x32xbf16, #tpu.memory_space<vmem>>) offsets(%dma_start3A_25 : memref<2500xi32, #tpu.memory_space<vmem>>) semaphore(%arg11 : memref<!tpu.dma_semaphore, #tpu.memory_space<semaphore_mem>>)
    %scan3A_29 = arith.constant 0 : i32
    %scan3A_30 = arith.constant 0 : i32
    %scan3A_31 = arith.constant 4 : i32
    %scan3A_32 = arith.addi %scan3A_30, %scan3A_31 : i32
    %scan3A_33 = arith.constant 1 : i32
    scf.for %scan3A_50 = %scan3A_30 to %scan3A_32 step %scan3A_33  : i32 {
      %jit3A = arith.constant 2 : i32
      %eq3A = arith.constant 0 : i32
      %eq3A_51 = arith.cmpi eq, %jit3A, %eq3A : i32
      %jit3A_52 = arith.constant 1 : i32
      %select_n3A = arith.select %eq3A_51, %jit3A_52, %jit3A : i32
      %rem3A = arith.remsi %scan3A_50, %select_n3A : i32
      %ne3A = arith.constant 0 : i32
      %ne3A_53 = arith.cmpi ne, %rem3A, %ne3A : i32
      %lt3A = arith.constant 0 : i32
      %lt3A_54 = arith.cmpi slt, %rem3A, %lt3A : i32
      %lt3A_55 = arith.constant 0 : i32
      %lt3A_56 = arith.cmpi slt, %select_n3A, %lt3A_55 : i32
      %ne3A_57 = arith.xori %lt3A_54, %lt3A_56 : i1
      %and3A = arith.andi %ne3A_57, %ne3A_53 : i1
      %add3A_58 = arith.addi %rem3A, %select_n3A : i32
      %select_n3A_59 = arith.select %and3A, %add3A_58, %rem3A : i32
      %dma_wait3A_60 = arith.constant 0 : i32
      %dma_wait3A_61 = arith.constant 0 : i32
      %dma_wait3A_62 = tpu.memref_slice %arg8[%select_n3A_59, %dma_wait3A_60, %dma_wait3A_61] : memref<2x2500x32xbf16, #tpu.memory_space<vmem>> -> memref<1x2500x32xbf16, #tpu.memory_space<vmem>>
      %dma_wait3A_63 = tpu.memref_squeeze %dma_wait3A_62 : memref<1x2500x32xbf16, #tpu.memory_space<vmem>> -> memref<2500x32xbf16, #tpu.memory_space<vmem>>
      %dma_wait3A_64 = arith.constant 0 : i32
      %dma_wait3A_65 = tpu.memref_slice %arg6[%scan3A_50, %dma_wait3A_64] : memref<4x2500xi32, #tpu.memory_space<vmem>> -> memref<1x2500xi32, #tpu.memory_space<vmem>>
      %dma_wait3A_66 = tpu.memref_squeeze %dma_wait3A_65 : memref<1x2500xi32, #tpu.memory_space<vmem>> -> memref<2500xi32, #tpu.memory_space<vmem>>
      %dma_wait3A_67 = arith.constant 0 : i32
      %dma_wait3A_68 = arith.constant 0 : i32
      %dma_wait3A_69 = tpu.memref_slice %arg2[%dma_wait3A_67, %dma_wait3A_68] : memref<10000x32xbf16, #tpu.memory_space<hbm>> -> memref<10000x32xbf16, #tpu.memory_space<hbm>>
      tpu.wait_indirect_dma semaphore(%arg11 : memref<!tpu.dma_semaphore, #tpu.memory_space<semaphore_mem>>) src(%dma_wait3A_69 : memref<10000x32xbf16, #tpu.memory_space<hbm>>) dst(%dma_wait3A_63 : memref<2500x32xbf16, #tpu.memory_space<vmem>>)
      %dma_start3A_70 = arith.constant 0 : i32
      %dma_start3A_71 = arith.constant 0 : i32
      %dma_start3A_72 = tpu.memref_slice %arg8[%select_n3A_59, %dma_start3A_70, %dma_start3A_71] : memref<2x2500x32xbf16, #tpu.memory_space<vmem>> -> memref<1x2500x32xbf16, #tpu.memory_space<vmem>>
      %dma_start3A_73 = tpu.memref_squeeze %dma_start3A_72 : memref<1x2500x32xbf16, #tpu.memory_space<vmem>> -> memref<2500x32xbf16, #tpu.memory_space<vmem>>
      %dma_start3A_74 = arith.constant 0 : i32
      %dma_start3A_75 = tpu.memref_slice %arg7[%scan3A_50, %dma_start3A_74] : memref<4x2500xi32, #tpu.memory_space<vmem>> -> memref<1x2500xi32, #tpu.memory_space<vmem>>
      %dma_start3A_76 = tpu.memref_squeeze %dma_start3A_75 : memref<1x2500xi32, #tpu.memory_space<vmem>> -> memref<2500xi32, #tpu.memory_space<vmem>>
      %dma_start3A_77 = arith.constant 0 : i32
      %dma_start3A_78 = arith.constant 0 : i32
      %dma_start3A_79 = tpu.memref_slice %arg10[%dma_start3A_77, %dma_start3A_78] : memref<10240x32xbf16, #tpu.memory_space<vmem_shared>> -> memref<10240x32xbf16, #tpu.memory_space<vmem_shared>>
      tpu.enqueue_indirect_dma source(%dma_start3A_73 : memref<2500x32xbf16, #tpu.memory_space<vmem>>) target(%dma_start3A_79 : memref<10240x32xbf16, #tpu.memory_space<vmem_shared>>) offsets(%dma_start3A_76 : memref<2500xi32, #tpu.memory_space<vmem>>) semaphore(%arg12 : memref<!tpu.dma_semaphore, #tpu.memory_space<semaphore_mem>>) {add = true}
      %ge3A = arith.constant 1 : i32
      %ge3A_80 = arith.cmpi sge, %scan3A_50, %ge3A : i32
      %convert_element_type3A = arith.extui %ge3A_80 : i1 to i32
      %cond3A = arith.constant 0 : i32
      %cond3A_81 = arith.cmpi ne, %convert_element_type3A, %cond3A : i32
      scf.if %cond3A_81 {
        %sub3A = arith.constant 1 : i32
        %sub3A_89 = arith.subi %sub3A, %select_n3A_59 : i32
        %sub3A_90 = arith.constant 1 : i32
        %sub3A_91 = arith.subi %scan3A_50, %sub3A_90 : i32
        %dma_wait3A_92 = arith.constant 0 : i32
        %dma_wait3A_93 = arith.constant 0 : i32
        %dma_wait3A_94 = tpu.memref_slice %arg8[%sub3A_89, %dma_wait3A_92, %dma_wait3A_93] : memref<2x2500x32xbf16, #tpu.memory_space<vmem>> -> memref<1x2500x32xbf16, #tpu.memory_space<vmem>>
        %dma_wait3A_95 = tpu.memref_squeeze %dma_wait3A_94 : memref<1x2500x32xbf16, #tpu.memory_space<vmem>> -> memref<2500x32xbf16, #tpu.memory_space<vmem>>
        %dma_wait3A_96 = arith.constant 0 : i32
        %dma_wait3A_97 = tpu.memref_slice %arg7[%sub3A_91, %dma_wait3A_96] : memref<4x2500xi32, #tpu.memory_space<vmem>> -> memref<1x2500xi32, #tpu.memory_space<vmem>>
        %dma_wait3A_98 = tpu.memref_squeeze %dma_wait3A_97 : memref<1x2500xi32, #tpu.memory_space<vmem>> -> memref<2500xi32, #tpu.memory_space<vmem>>
        %dma_wait3A_99 = arith.constant 0 : i32
        %dma_wait3A_100 = arith.constant 0 : i32
        %dma_wait3A_101 = tpu.memref_slice %arg10[%dma_wait3A_99, %dma_wait3A_100] : memref<10240x32xbf16, #tpu.memory_space<vmem_shared>> -> memref<10240x32xbf16, #tpu.memory_space<vmem_shared>>
        tpu.wait_indirect_dma semaphore(%arg12 : memref<!tpu.dma_semaphore, #tpu.memory_space<semaphore_mem>>) src(%dma_wait3A_95 : memref<2500x32xbf16, #tpu.memory_space<vmem>>) dst(%dma_wait3A_101 : memref<10240x32xbf16, #tpu.memory_space<vmem_shared>>)
      } else {
      }
      %add3A_82 = arith.constant 1 : i32
      %add3A_83 = arith.addi %scan3A_50, %add3A_82 : i32
      %lt3A_84 = arith.constant 4 : i32
      %lt3A_85 = arith.cmpi slt, %add3A_83, %lt3A_84 : i32
      %convert_element_type3A_86 = arith.extui %lt3A_85 : i1 to i32
      %cond3A_87 = arith.constant 0 : i32
      %cond3A_88 = arith.cmpi ne, %convert_element_type3A_86, %cond3A_87 : i32
      scf.if %cond3A_88 {
        %add3A_89 = arith.constant 1 : i32
        %add3A_90 = arith.addi %scan3A_50, %add3A_89 : i32
        %sub3A = arith.constant 1 : i32
        %sub3A_91 = arith.subi %sub3A, %select_n3A_59 : i32
        %dma_start3A_92 = arith.constant 0 : i32
        %dma_start3A_93 = arith.constant 0 : i32
        %dma_start3A_94 = tpu.memref_slice %arg8[%sub3A_91, %dma_start3A_92, %dma_start3A_93] : memref<2x2500x32xbf16, #tpu.memory_space<vmem>> -> memref<1x2500x32xbf16, #tpu.memory_space<vmem>>
        %dma_start3A_95 = tpu.memref_squeeze %dma_start3A_94 : memref<1x2500x32xbf16, #tpu.memory_space<vmem>> -> memref<2500x32xbf16, #tpu.memory_space<vmem>>
        %dma_start3A_96 = arith.constant 0 : i32
        %dma_start3A_97 = tpu.memref_slice %arg6[%add3A_90, %dma_start3A_96] : memref<4x2500xi32, #tpu.memory_space<vmem>> -> memref<1x2500xi32, #tpu.memory_space<vmem>>
        %dma_start3A_98 = tpu.memref_squeeze %dma_start3A_97 : memref<1x2500xi32, #tpu.memory_space<vmem>> -> memref<2500xi32, #tpu.memory_space<vmem>>
        %dma_start3A_99 = arith.constant 0 : i32
        %dma_start3A_100 = arith.constant 0 : i32
        %dma_start3A_101 = tpu.memref_slice %arg2[%dma_start3A_99, %dma_start3A_100] : memref<10000x32xbf16, #tpu.memory_space<hbm>> -> memref<10000x32xbf16, #tpu.memory_space<hbm>>
        tpu.enqueue_indirect_dma source(%dma_start3A_101 : memref<10000x32xbf16, #tpu.memory_space<hbm>>) target(%dma_start3A_95 : memref<2500x32xbf16, #tpu.memory_space<vmem>>) offsets(%dma_start3A_98 : memref<2500xi32, #tpu.memory_space<vmem>>) semaphore(%arg11 : memref<!tpu.dma_semaphore, #tpu.memory_space<semaphore_mem>>)
      } else {
      }
    }
    %scan3A_34 = arith.constant 4 : i32
    %dma_wait3A = arith.constant 1 : i32
    %dma_wait3A_35 = arith.constant 3 : i32
    %dma_wait3A_36 = arith.constant 0 : i32
    %dma_wait3A_37 = arith.constant 0 : i32
    %dma_wait3A_38 = tpu.memref_slice %arg8[%dma_wait3A, %dma_wait3A_36, %dma_wait3A_37] : memref<2x2500x32xbf16, #tpu.memory_space<vmem>> -> memref<1x2500x32xbf16, #tpu.memory_space<vmem>>
    %dma_wait3A_39 = tpu.memref_squeeze %dma_wait3A_38 : memref<1x2500x32xbf16, #tpu.memory_space<vmem>> -> memref<2500x32xbf16, #tpu.memory_space<vmem>>
    %dma_wait3A_40 = arith.constant 0 : i32
    %dma_wait3A_41 = tpu.memref_slice %arg7[%dma_wait3A_35, %dma_wait3A_40] : memref<4x2500xi32, #tpu.memory_space<vmem>> -> memref<1x2500xi32, #tpu.memory_space<vmem>>
    %dma_wait3A_42 = tpu.memref_squeeze %dma_wait3A_41 : memref<1x2500xi32, #tpu.memory_space<vmem>> -> memref<2500xi32, #tpu.memory_space<vmem>>
    %dma_wait3A_43 = arith.constant 0 : i32
    %dma_wait3A_44 = arith.constant 0 : i32
    %dma_wait3A_45 = tpu.memref_slice %arg10[%dma_wait3A_43, %dma_wait3A_44] : memref<10240x32xbf16, #tpu.memory_space<vmem_shared>> -> memref<10240x32xbf16, #tpu.memory_space<vmem_shared>>
    tpu.wait_indirect_dma semaphore(%arg12 : memref<!tpu.dma_semaphore, #tpu.memory_space<semaphore_mem>>) src(%dma_wait3A_39 : memref<2500x32xbf16, #tpu.memory_space<vmem>>) dst(%dma_wait3A_45 : memref<10240x32xbf16, #tpu.memory_space<vmem_shared>>)
    %barrier3A_46 = arith.constant 0 : index
    tpu.barrier barrier_id(%barrier3A_46)
    %mul3A_47 = arith.constant 10240 : i32
    %mul3A_48 = arith.muli %arg0, %mul3A_47 : i32
    %add3A_49 = arith.addi %mul3A_48, %mul3A_7 : i32
    "tpu.region"() ({
      %run_scoped3A = tpu.sem_alloc : memref<!tpu.dma_semaphore, #tpu.memory_space<semaphore_mem>>
      %dma_start3A_50 = arith.constant 0 : i32
      %dma_start3A_51 = tpu.memref_slice %arg5[%add3A_49, %dma_start3A_50] : memref<20480x32xbf16, #tpu.memory_space<hbm>> -> memref<640x32xbf16, #tpu.memory_space<hbm>>
      %dma_start3A_52 = arith.constant 0 : i32
      %dma_start3A_53 = tpu.memref_slice %arg10[%mul3A_7, %dma_start3A_52] : memref<10240x32xbf16, #tpu.memory_space<vmem_shared>> -> memref<640x32xbf16, #tpu.memory_space<vmem_shared>>
      tpu.enqueue_dma source(%dma_start3A_53 : memref<640x32xbf16, #tpu.memory_space<vmem_shared>>) target(%dma_start3A_51 : memref<640x32xbf16, #tpu.memory_space<hbm>>) target_semaphore(%run_scoped3A : memref<!tpu.dma_semaphore, #tpu.memory_space<semaphore_mem>>)
      %dma_wait3A_54 = arith.constant 0 : i32
      %dma_wait3A_55 = tpu.memref_slice %arg5[%add3A_49, %dma_wait3A_54] : memref<20480x32xbf16, #tpu.memory_space<hbm>> -> memref<640x32xbf16, #tpu.memory_space<hbm>>
      %dma_wait3A_56 = arith.constant 0 : i32
      %dma_wait3A_57 = tpu.memref_slice %arg10[%mul3A_7, %dma_wait3A_56] : memref<10240x32xbf16, #tpu.memory_space<vmem_shared>> -> memref<640x32xbf16, #tpu.memory_space<vmem_shared>>
      tpu.wait_dma2 semaphore(%run_scoped3A : memref<!tpu.dma_semaphore, #tpu.memory_space<semaphore_mem>>) src(%dma_wait3A_57 : memref<640x32xbf16, #tpu.memory_space<vmem_shared>>) dst(%dma_wait3A_55 : memref<640x32xbf16, #tpu.memory_space<hbm>>)
      tpu.yield
    }) : () -> ()
    return
  }
}

#map = affine_map<(d0, d1) -> (0, 0, 0)>
module attributes {stable_mosaic.version = 14 : i64} {
  func.func @agg_kernel(%arg0: i32, %arg1: i32, %arg2: memref<2x10000x64xbf16, #tpu.memory_space<hbm>>, %arg3: memref<16x20x1000xi32, #tpu.memory_space<hbm>>, %arg4: memref<16x20x1000xi32, #tpu.memory_space<hbm>>, %arg5: memref<2x10240x64xbf16, #tpu.memory_space<hbm>>, %arg6: memref<20x1000xi32, #tpu.memory_space<vmem>>, %arg7: memref<20x1000xi32, #tpu.memory_space<vmem>>, %arg8: memref<2x1000x64xbf16, #tpu.memory_space<vmem>>, %arg9: memref<128x64xbf16, #tpu.memory_space<vmem>>, %arg10: memref<10240x64xbf16, #tpu.memory_space<vmem_shared>>, %arg11: memref<!tpu.dma_semaphore, #tpu.memory_space<semaphore_mem>>, %arg12: memref<!tpu.dma_semaphore, #tpu.memory_space<semaphore_mem>>) attributes {dimension_semantics = [#tpu.dimension_semantics<core_parallel>, #tpu.dimension_semantics<subcore_parallel>], iteration_bounds = array<i64: 2, 16>, scalar_prefetch = 0 : i64, scratch_operands = 7 : i64, tpu.core_type = #tpu.core_type<sc_vector_subcore>, window_params = [{transform_indices = #map}, {transform_indices = #map}, {transform_indices = #map}, {transform_indices = #map}]} {
    "tpu.region"() ({
      %run_scoped3A = tpu.sem_alloc : memref<!tpu.dma_semaphore, #tpu.memory_space<semaphore_mem>>
      %dma_start3A_48 = arith.constant 0 : i32
      %dma_start3A_49 = arith.constant 0 : i32
      %dma_start3A_50 = tpu.memref_slice %arg3[%arg1, %dma_start3A_48, %dma_start3A_49] : memref<16x20x1000xi32, #tpu.memory_space<hbm>> -> memref<1x20x1000xi32, #tpu.memory_space<hbm>>
      %dma_start3A_51 = tpu.memref_squeeze %dma_start3A_50 : memref<1x20x1000xi32, #tpu.memory_space<hbm>> -> memref<20x1000xi32, #tpu.memory_space<hbm>>
      %dma_start3A_52 = arith.constant 0 : i32
      %dma_start3A_53 = arith.constant 0 : i32
      %dma_start3A_54 = tpu.memref_slice %arg3[%arg1, %dma_start3A_52, %dma_start3A_53] : memref<16x20x1000xi32, #tpu.memory_space<hbm>> -> memref<1x20x1000xi32, #tpu.memory_space<hbm>>
      %dma_start3A_55 = tpu.memref_squeeze %dma_start3A_54 : memref<1x20x1000xi32, #tpu.memory_space<hbm>> -> memref<20x1000xi32, #tpu.memory_space<hbm>>
      tpu.enqueue_dma source(%dma_start3A_55 : memref<20x1000xi32, #tpu.memory_space<hbm>>) target(%arg6 : memref<20x1000xi32, #tpu.memory_space<vmem>>) target_semaphore(%run_scoped3A : memref<!tpu.dma_semaphore, #tpu.memory_space<semaphore_mem>>)
      %dma_wait3A_56 = arith.constant 0 : i32
      %dma_wait3A_57 = arith.constant 0 : i32
      %dma_wait3A_58 = tpu.memref_slice %arg3[%arg1, %dma_wait3A_56, %dma_wait3A_57] : memref<16x20x1000xi32, #tpu.memory_space<hbm>> -> memref<1x20x1000xi32, #tpu.memory_space<hbm>>
      %dma_wait3A_59 = tpu.memref_squeeze %dma_wait3A_58 : memref<1x20x1000xi32, #tpu.memory_space<hbm>> -> memref<20x1000xi32, #tpu.memory_space<hbm>>
      %dma_wait3A_60 = arith.constant 0 : i32
      %dma_wait3A_61 = arith.constant 0 : i32
      %dma_wait3A_62 = tpu.memref_slice %arg3[%arg1, %dma_wait3A_60, %dma_wait3A_61] : memref<16x20x1000xi32, #tpu.memory_space<hbm>> -> memref<1x20x1000xi32, #tpu.memory_space<hbm>>
      %dma_wait3A_63 = tpu.memref_squeeze %dma_wait3A_62 : memref<1x20x1000xi32, #tpu.memory_space<hbm>> -> memref<20x1000xi32, #tpu.memory_space<hbm>>
      tpu.wait_dma2 semaphore(%run_scoped3A : memref<!tpu.dma_semaphore, #tpu.memory_space<semaphore_mem>>) src(%dma_wait3A_63 : memref<20x1000xi32, #tpu.memory_space<hbm>>) dst(%arg6 : memref<20x1000xi32, #tpu.memory_space<vmem>>)
      tpu.yield
    }) : () -> ()
    "tpu.region"() ({
      %run_scoped3A = tpu.sem_alloc : memref<!tpu.dma_semaphore, #tpu.memory_space<semaphore_mem>>
      %dma_start3A_48 = arith.constant 0 : i32
      %dma_start3A_49 = arith.constant 0 : i32
      %dma_start3A_50 = tpu.memref_slice %arg4[%arg1, %dma_start3A_48, %dma_start3A_49] : memref<16x20x1000xi32, #tpu.memory_space<hbm>> -> memref<1x20x1000xi32, #tpu.memory_space<hbm>>
      %dma_start3A_51 = tpu.memref_squeeze %dma_start3A_50 : memref<1x20x1000xi32, #tpu.memory_space<hbm>> -> memref<20x1000xi32, #tpu.memory_space<hbm>>
      %dma_start3A_52 = arith.constant 0 : i32
      %dma_start3A_53 = arith.constant 0 : i32
      %dma_start3A_54 = tpu.memref_slice %arg4[%arg1, %dma_start3A_52, %dma_start3A_53] : memref<16x20x1000xi32, #tpu.memory_space<hbm>> -> memref<1x20x1000xi32, #tpu.memory_space<hbm>>
      %dma_start3A_55 = tpu.memref_squeeze %dma_start3A_54 : memref<1x20x1000xi32, #tpu.memory_space<hbm>> -> memref<20x1000xi32, #tpu.memory_space<hbm>>
      tpu.enqueue_dma source(%dma_start3A_55 : memref<20x1000xi32, #tpu.memory_space<hbm>>) target(%arg7 : memref<20x1000xi32, #tpu.memory_space<vmem>>) target_semaphore(%run_scoped3A : memref<!tpu.dma_semaphore, #tpu.memory_space<semaphore_mem>>)
      %dma_wait3A_56 = arith.constant 0 : i32
      %dma_wait3A_57 = arith.constant 0 : i32
      %dma_wait3A_58 = tpu.memref_slice %arg4[%arg1, %dma_wait3A_56, %dma_wait3A_57] : memref<16x20x1000xi32, #tpu.memory_space<hbm>> -> memref<1x20x1000xi32, #tpu.memory_space<hbm>>
      %dma_wait3A_59 = tpu.memref_squeeze %dma_wait3A_58 : memref<1x20x1000xi32, #tpu.memory_space<hbm>> -> memref<20x1000xi32, #tpu.memory_space<hbm>>
      %dma_wait3A_60 = arith.constant 0 : i32
      %dma_wait3A_61 = arith.constant 0 : i32
      %dma_wait3A_62 = tpu.memref_slice %arg4[%arg1, %dma_wait3A_60, %dma_wait3A_61] : memref<16x20x1000xi32, #tpu.memory_space<hbm>> -> memref<1x20x1000xi32, #tpu.memory_space<hbm>>
      %dma_wait3A_63 = tpu.memref_squeeze %dma_wait3A_62 : memref<1x20x1000xi32, #tpu.memory_space<hbm>> -> memref<20x1000xi32, #tpu.memory_space<hbm>>
      tpu.wait_dma2 semaphore(%run_scoped3A : memref<!tpu.dma_semaphore, #tpu.memory_space<semaphore_mem>>) src(%dma_wait3A_63 : memref<20x1000xi32, #tpu.memory_space<hbm>>) dst(%arg7 : memref<20x1000xi32, #tpu.memory_space<vmem>>)
      tpu.yield
    }) : () -> ()
    %scan3A = arith.constant 0 : i32
    %scan3A_0 = arith.constant 0 : i32
    %scan3A_1 = arith.constant 256 : i32
    %scan3A_2 = arith.addi %scan3A_0, %scan3A_1 : i32
    %scan3A_3 = arith.constant 1 : i32
    scf.for %scan3A_48 = %scan3A_0 to %scan3A_2 step %scan3A_3  : i32 {
      %jit3A = arith.constant 2 : i32
      %div3A = arith.divsi %scan3A_48, %jit3A : i32
      %sign3A = arith.constant 0 : i32
      %sign3A_49 = arith.cmpi sgt, %scan3A_48, %sign3A : i32
      %sign3A_50 = arith.extui %sign3A_49 : i1 to i32
      %sign3A_51 = arith.constant 0 : i32
      %sign3A_52 = arith.cmpi slt, %scan3A_48, %sign3A_51 : i32
      %sign3A_53 = arith.extui %sign3A_52 : i1 to i32
      %sign3A_54 = arith.subi %sign3A_50, %sign3A_53 : i32
      %sign3A_55 = arith.constant 0 : i32
      %sign3A_56 = arith.cmpi sgt, %jit3A, %sign3A_55 : i32
      %sign3A_57 = arith.extui %sign3A_56 : i1 to i32
      %sign3A_58 = arith.constant 0 : i32
      %sign3A_59 = arith.cmpi slt, %jit3A, %sign3A_58 : i32
      %sign3A_60 = arith.extui %sign3A_59 : i1 to i32
      %sign3A_61 = arith.subi %sign3A_57, %sign3A_60 : i32
      %ne3A = arith.cmpi ne, %sign3A_54, %sign3A_61 : i32
      %rem3A = arith.remsi %scan3A_48, %jit3A : i32
      %ne3A_62 = arith.constant 0 : i32
      %ne3A_63 = arith.cmpi ne, %rem3A, %ne3A_62 : i32
      %and3A = arith.andi %ne3A, %ne3A_63 : i1
      %sub3A = arith.constant 1 : i32
      %sub3A_64 = arith.subi %div3A, %sub3A : i32
      %select_n3A = arith.select %and3A, %sub3A_64, %div3A : i32
      %jit3A_65 = arith.constant 2 : i32
      %eq3A = arith.constant 0 : i32
      %eq3A_66 = arith.cmpi eq, %jit3A_65, %eq3A : i32
      %jit3A_67 = arith.constant 1 : i32
      %select_n3A_68 = arith.select %eq3A_66, %jit3A_67, %jit3A_65 : i32
      %rem3A_69 = arith.remsi %scan3A_48, %select_n3A_68 : i32
      %ne3A_70 = arith.constant 0 : i32
      %ne3A_71 = arith.cmpi ne, %rem3A_69, %ne3A_70 : i32
      %lt3A = arith.constant 0 : i32
      %lt3A_72 = arith.cmpi slt, %rem3A_69, %lt3A : i32
      %lt3A_73 = arith.constant 0 : i32
      %lt3A_74 = arith.cmpi slt, %select_n3A_68, %lt3A_73 : i32
      %ne3A_75 = arith.xori %lt3A_72, %lt3A_74 : i1
      %and3A_76 = arith.andi %ne3A_75, %ne3A_71 : i1
      %add3A_77 = arith.addi %rem3A_69, %select_n3A_68 : i32
      %select_n3A_78 = arith.select %and3A_76, %add3A_77, %rem3A_69 : i32
      %mul3A_79 = arith.constant 32 : i32
      %mul3A_80 = arith.muli %select_n3A_78, %mul3A_79 : i32
      %broadcast_in_dim3A = arith.constant 0.000000e+00 : bf16
      %broadcast_in_dim3A_81 = vector.broadcast %broadcast_in_dim3A : bf16 to vector<32xbf16>
      %swap3A = arith.index_cast %select_n3A : i32 to index
      %swap3A_82 = arith.index_cast %mul3A_80 : i32 to index
      %swap3A_83 = tpu.vector_load %arg9[%swap3A, %swap3A_82] {strides = array<i32>} : memref<128x64xbf16, #tpu.memory_space<vmem>>, vector<1x32xbf16>,
      %swap3A_84 = vector.shape_cast %swap3A_83 : vector<1x32xbf16> to vector<32xbf16>
      %swap3A_85 = vector.shape_cast %broadcast_in_dim3A_81 : vector<32xbf16> to vector<1x32xbf16>
      tpu.vector_store %arg9[%swap3A, %swap3A_82], %swap3A_85 {strides = array<i32>} : memref<128x64xbf16, #tpu.memory_space<vmem>>, vector<1x32xbf16>,
    }
    %scan3A_4 = arith.constant 256 : i32
    %mul3A = arith.constant 640 : i32
    %mul3A_5 = arith.muli %arg1, %mul3A : i32
    %add3A = arith.constant 0 : i32
    %add3A_6 = arith.addi %mul3A_5, %add3A : i32
    "tpu.region"() ({
      %run_scoped3A = tpu.sem_alloc : memref<!tpu.dma_semaphore, #tpu.memory_space<semaphore_mem>>
      %dma_start3A_48 = arith.constant 0 : i32
      %dma_start3A_49 = tpu.memref_slice %arg10[%add3A_6, %dma_start3A_48] : memref<10240x64xbf16, #tpu.memory_space<vmem_shared>> -> memref<128x64xbf16, #tpu.memory_space<vmem_shared>>
      %dma_start3A_50 = arith.constant 0 : i32
      %dma_start3A_51 = tpu.memref_slice %arg10[%add3A_6, %dma_start3A_50] : memref<10240x64xbf16, #tpu.memory_space<vmem_shared>> -> memref<128x64xbf16, #tpu.memory_space<vmem_shared>>
      tpu.enqueue_dma source(%arg9 : memref<128x64xbf16, #tpu.memory_space<vmem>>) target(%dma_start3A_51 : memref<128x64xbf16, #tpu.memory_space<vmem_shared>>) target_semaphore(%run_scoped3A : memref<!tpu.dma_semaphore, #tpu.memory_space<semaphore_mem>>)
      %dma_wait3A_52 = arith.constant 0 : i32
      %dma_wait3A_53 = tpu.memref_slice %arg10[%add3A_6, %dma_wait3A_52] : memref<10240x64xbf16, #tpu.memory_space<vmem_shared>> -> memref<128x64xbf16, #tpu.memory_space<vmem_shared>>
      %dma_wait3A_54 = arith.constant 0 : i32
      %dma_wait3A_55 = tpu.memref_slice %arg10[%add3A_6, %dma_wait3A_54] : memref<10240x64xbf16, #tpu.memory_space<vmem_shared>> -> memref<128x64xbf16, #tpu.memory_space<vmem_shared>>
      tpu.wait_dma2 semaphore(%run_scoped3A : memref<!tpu.dma_semaphore, #tpu.memory_space<semaphore_mem>>) src(%arg9 : memref<128x64xbf16, #tpu.memory_space<vmem>>) dst(%dma_wait3A_55 : memref<128x64xbf16, #tpu.memory_space<vmem_shared>>)
      tpu.yield
    }) : () -> ()
    %add3A_7 = arith.constant 128 : i32
    %add3A_8 = arith.addi %mul3A_5, %add3A_7 : i32
    "tpu.region"() ({
      %run_scoped3A = tpu.sem_alloc : memref<!tpu.dma_semaphore, #tpu.memory_space<semaphore_mem>>
      %dma_start3A_48 = arith.constant 0 : i32
      %dma_start3A_49 = tpu.memref_slice %arg10[%add3A_8, %dma_start3A_48] : memref<10240x64xbf16, #tpu.memory_space<vmem_shared>> -> memref<128x64xbf16, #tpu.memory_space<vmem_shared>>
      %dma_start3A_50 = arith.constant 0 : i32
      %dma_start3A_51 = tpu.memref_slice %arg10[%add3A_8, %dma_start3A_50] : memref<10240x64xbf16, #tpu.memory_space<vmem_shared>> -> memref<128x64xbf16, #tpu.memory_space<vmem_shared>>
      tpu.enqueue_dma source(%arg9 : memref<128x64xbf16, #tpu.memory_space<vmem>>) target(%dma_start3A_51 : memref<128x64xbf16, #tpu.memory_space<vmem_shared>>) target_semaphore(%run_scoped3A : memref<!tpu.dma_semaphore, #tpu.memory_space<semaphore_mem>>)
      %dma_wait3A_52 = arith.constant 0 : i32
      %dma_wait3A_53 = tpu.memref_slice %arg10[%add3A_8, %dma_wait3A_52] : memref<10240x64xbf16, #tpu.memory_space<vmem_shared>> -> memref<128x64xbf16, #tpu.memory_space<vmem_shared>>
      %dma_wait3A_54 = arith.constant 0 : i32
      %dma_wait3A_55 = tpu.memref_slice %arg10[%add3A_8, %dma_wait3A_54] : memref<10240x64xbf16, #tpu.memory_space<vmem_shared>> -> memref<128x64xbf16, #tpu.memory_space<vmem_shared>>
      tpu.wait_dma2 semaphore(%run_scoped3A : memref<!tpu.dma_semaphore, #tpu.memory_space<semaphore_mem>>) src(%arg9 : memref<128x64xbf16, #tpu.memory_space<vmem>>) dst(%dma_wait3A_55 : memref<128x64xbf16, #tpu.memory_space<vmem_shared>>)
      tpu.yield
    }) : () -> ()
    %add3A_9 = arith.constant 256 : i32
    %add3A_10 = arith.addi %mul3A_5, %add3A_9 : i32
    "tpu.region"() ({
      %run_scoped3A = tpu.sem_alloc : memref<!tpu.dma_semaphore, #tpu.memory_space<semaphore_mem>>
      %dma_start3A_48 = arith.constant 0 : i32
      %dma_start3A_49 = tpu.memref_slice %arg10[%add3A_10, %dma_start3A_48] : memref<10240x64xbf16, #tpu.memory_space<vmem_shared>> -> memref<128x64xbf16, #tpu.memory_space<vmem_shared>>
      %dma_start3A_50 = arith.constant 0 : i32
      %dma_start3A_51 = tpu.memref_slice %arg10[%add3A_10, %dma_start3A_50] : memref<10240x64xbf16, #tpu.memory_space<vmem_shared>> -> memref<128x64xbf16, #tpu.memory_space<vmem_shared>>
      tpu.enqueue_dma source(%arg9 : memref<128x64xbf16, #tpu.memory_space<vmem>>) target(%dma_start3A_51 : memref<128x64xbf16, #tpu.memory_space<vmem_shared>>) target_semaphore(%run_scoped3A : memref<!tpu.dma_semaphore, #tpu.memory_space<semaphore_mem>>)
      %dma_wait3A_52 = arith.constant 0 : i32
      %dma_wait3A_53 = tpu.memref_slice %arg10[%add3A_10, %dma_wait3A_52] : memref<10240x64xbf16, #tpu.memory_space<vmem_shared>> -> memref<128x64xbf16, #tpu.memory_space<vmem_shared>>
      %dma_wait3A_54 = arith.constant 0 : i32
      %dma_wait3A_55 = tpu.memref_slice %arg10[%add3A_10, %dma_wait3A_54] : memref<10240x64xbf16, #tpu.memory_space<vmem_shared>> -> memref<128x64xbf16, #tpu.memory_space<vmem_shared>>
      tpu.wait_dma2 semaphore(%run_scoped3A : memref<!tpu.dma_semaphore, #tpu.memory_space<semaphore_mem>>) src(%arg9 : memref<128x64xbf16, #tpu.memory_space<vmem>>) dst(%dma_wait3A_55 : memref<128x64xbf16, #tpu.memory_space<vmem_shared>>)
      tpu.yield
    }) : () -> ()
    %add3A_11 = arith.constant 384 : i32
    %add3A_12 = arith.addi %mul3A_5, %add3A_11 : i32
    "tpu.region"() ({
      %run_scoped3A = tpu.sem_alloc : memref<!tpu.dma_semaphore, #tpu.memory_space<semaphore_mem>>
      %dma_start3A_48 = arith.constant 0 : i32
      %dma_start3A_49 = tpu.memref_slice %arg10[%add3A_12, %dma_start3A_48] : memref<10240x64xbf16, #tpu.memory_space<vmem_shared>> -> memref<128x64xbf16, #tpu.memory_space<vmem_shared>>
      %dma_start3A_50 = arith.constant 0 : i32
      %dma_start3A_51 = tpu.memref_slice %arg10[%add3A_12, %dma_start3A_50] : memref<10240x64xbf16, #tpu.memory_space<vmem_shared>> -> memref<128x64xbf16, #tpu.memory_space<vmem_shared>>
      tpu.enqueue_dma source(%arg9 : memref<128x64xbf16, #tpu.memory_space<vmem>>) target(%dma_start3A_51 : memref<128x64xbf16, #tpu.memory_space<vmem_shared>>) target_semaphore(%run_scoped3A : memref<!tpu.dma_semaphore, #tpu.memory_space<semaphore_mem>>)
      %dma_wait3A_52 = arith.constant 0 : i32
      %dma_wait3A_53 = tpu.memref_slice %arg10[%add3A_12, %dma_wait3A_52] : memref<10240x64xbf16, #tpu.memory_space<vmem_shared>> -> memref<128x64xbf16, #tpu.memory_space<vmem_shared>>
      %dma_wait3A_54 = arith.constant 0 : i32
      %dma_wait3A_55 = tpu.memref_slice %arg10[%add3A_12, %dma_wait3A_54] : memref<10240x64xbf16, #tpu.memory_space<vmem_shared>> -> memref<128x64xbf16, #tpu.memory_space<vmem_shared>>
      tpu.wait_dma2 semaphore(%run_scoped3A : memref<!tpu.dma_semaphore, #tpu.memory_space<semaphore_mem>>) src(%arg9 : memref<128x64xbf16, #tpu.memory_space<vmem>>) dst(%dma_wait3A_55 : memref<128x64xbf16, #tpu.memory_space<vmem_shared>>)
      tpu.yield
    }) : () -> ()
    %add3A_13 = arith.constant 512 : i32
    %add3A_14 = arith.addi %mul3A_5, %add3A_13 : i32
    "tpu.region"() ({
      %run_scoped3A = tpu.sem_alloc : memref<!tpu.dma_semaphore, #tpu.memory_space<semaphore_mem>>
      %dma_start3A_48 = arith.constant 0 : i32
      %dma_start3A_49 = tpu.memref_slice %arg10[%add3A_14, %dma_start3A_48] : memref<10240x64xbf16, #tpu.memory_space<vmem_shared>> -> memref<128x64xbf16, #tpu.memory_space<vmem_shared>>
      %dma_start3A_50 = arith.constant 0 : i32
      %dma_start3A_51 = tpu.memref_slice %arg10[%add3A_14, %dma_start3A_50] : memref<10240x64xbf16, #tpu.memory_space<vmem_shared>> -> memref<128x64xbf16, #tpu.memory_space<vmem_shared>>
      tpu.enqueue_dma source(%arg9 : memref<128x64xbf16, #tpu.memory_space<vmem>>) target(%dma_start3A_51 : memref<128x64xbf16, #tpu.memory_space<vmem_shared>>) target_semaphore(%run_scoped3A : memref<!tpu.dma_semaphore, #tpu.memory_space<semaphore_mem>>)
      %dma_wait3A_52 = arith.constant 0 : i32
      %dma_wait3A_53 = tpu.memref_slice %arg10[%add3A_14, %dma_wait3A_52] : memref<10240x64xbf16, #tpu.memory_space<vmem_shared>> -> memref<128x64xbf16, #tpu.memory_space<vmem_shared>>
      %dma_wait3A_54 = arith.constant 0 : i32
      %dma_wait3A_55 = tpu.memref_slice %arg10[%add3A_14, %dma_wait3A_54] : memref<10240x64xbf16, #tpu.memory_space<vmem_shared>> -> memref<128x64xbf16, #tpu.memory_space<vmem_shared>>
      tpu.wait_dma2 semaphore(%run_scoped3A : memref<!tpu.dma_semaphore, #tpu.memory_space<semaphore_mem>>) src(%arg9 : memref<128x64xbf16, #tpu.memory_space<vmem>>) dst(%dma_wait3A_55 : memref<128x64xbf16, #tpu.memory_space<vmem_shared>>)
      tpu.yield
    }) : () -> ()
    %barrier3A = arith.constant 0 : index
    tpu.barrier barrier_id(%barrier3A)
    %dma_start3A = arith.constant 0 : i32
    %dma_start3A_15 = arith.constant 0 : i32
    %dma_start3A_16 = arith.constant 0 : i32
    %dma_start3A_17 = arith.constant 0 : i32
    %dma_start3A_18 = tpu.memref_slice %arg8[%dma_start3A_15, %dma_start3A_16, %dma_start3A_17] : memref<2x1000x64xbf16, #tpu.memory_space<vmem>> -> memref<1x1000x64xbf16, #tpu.memory_space<vmem>>
    %dma_start3A_19 = tpu.memref_squeeze %dma_start3A_18 : memref<1x1000x64xbf16, #tpu.memory_space<vmem>> -> memref<1000x64xbf16, #tpu.memory_space<vmem>>
    %dma_start3A_20 = arith.constant 0 : i32
    %dma_start3A_21 = tpu.memref_slice %arg6[%dma_start3A, %dma_start3A_20] : memref<20x1000xi32, #tpu.memory_space<vmem>> -> memref<1x1000xi32, #tpu.memory_space<vmem>>
    %dma_start3A_22 = tpu.memref_squeeze %dma_start3A_21 : memref<1x1000xi32, #tpu.memory_space<vmem>> -> memref<1000xi32, #tpu.memory_space<vmem>>
    %dma_start3A_23 = arith.constant 0 : i32
    %dma_start3A_24 = arith.constant 0 : i32
    %dma_start3A_25 = tpu.memref_slice %arg2[%arg0, %dma_start3A_23, %dma_start3A_24] : memref<2x10000x64xbf16, #tpu.memory_space<hbm>> -> memref<1x10000x64xbf16, #tpu.memory_space<hbm>>
    %dma_start3A_26 = tpu.memref_squeeze %dma_start3A_25 : memref<1x10000x64xbf16, #tpu.memory_space<hbm>> -> memref<10000x64xbf16, #tpu.memory_space<hbm>>
    %dma_start3A_27 = arith.constant 0 : i32
    %dma_start3A_28 = arith.constant 0 : i32
    %dma_start3A_29 = tpu.memref_slice %dma_start3A_26[%dma_start3A_27, %dma_start3A_28] : memref<10000x64xbf16, #tpu.memory_space<hbm>> -> memref<10000x64xbf16, #tpu.memory_space<hbm>>
    tpu.enqueue_indirect_dma source(%dma_start3A_29 : memref<10000x64xbf16, #tpu.memory_space<hbm>>) target(%dma_start3A_19 : memref<1000x64xbf16, #tpu.memory_space<vmem>>) offsets(%dma_start3A_22 : memref<1000xi32, #tpu.memory_space<vmem>>) semaphore(%arg11 : memref<!tpu.dma_semaphore, #tpu.memory_space<semaphore_mem>>)
    %scan3A_30 = arith.constant 0 : i32
    %scan3A_31 = arith.constant 0 : i32
    %scan3A_32 = arith.constant 20 : i32
    %scan3A_33 = arith.addi %scan3A_31, %scan3A_32 : i32
    %scan3A_34 = arith.constant 1 : i32
    scf.for %scan3A_48 = %scan3A_31 to %scan3A_33 step %scan3A_34  : i32 {
      %jit3A = arith.constant 2 : i32
      %eq3A = arith.constant 0 : i32
      %eq3A_49 = arith.cmpi eq, %jit3A, %eq3A : i32
      %jit3A_50 = arith.constant 1 : i32
      %select_n3A = arith.select %eq3A_49, %jit3A_50, %jit3A : i32
      %rem3A = arith.remsi %scan3A_48, %select_n3A : i32
      %ne3A = arith.constant 0 : i32
      %ne3A_51 = arith.cmpi ne, %rem3A, %ne3A : i32
      %lt3A = arith.constant 0 : i32
      %lt3A_52 = arith.cmpi slt, %rem3A, %lt3A : i32
      %lt3A_53 = arith.constant 0 : i32
      %lt3A_54 = arith.cmpi slt, %select_n3A, %lt3A_53 : i32
      %ne3A_55 = arith.xori %lt3A_52, %lt3A_54 : i1
      %and3A = arith.andi %ne3A_55, %ne3A_51 : i1
      %add3A_56 = arith.addi %rem3A, %select_n3A : i32
      %select_n3A_57 = arith.select %and3A, %add3A_56, %rem3A : i32
      %dma_wait3A_58 = arith.constant 0 : i32
      %dma_wait3A_59 = arith.constant 0 : i32
      %dma_wait3A_60 = tpu.memref_slice %arg8[%select_n3A_57, %dma_wait3A_58, %dma_wait3A_59] : memref<2x1000x64xbf16, #tpu.memory_space<vmem>> -> memref<1x1000x64xbf16, #tpu.memory_space<vmem>>
      %dma_wait3A_61 = tpu.memref_squeeze %dma_wait3A_60 : memref<1x1000x64xbf16, #tpu.memory_space<vmem>> -> memref<1000x64xbf16, #tpu.memory_space<vmem>>
      %dma_wait3A_62 = arith.constant 0 : i32
      %dma_wait3A_63 = tpu.memref_slice %arg6[%scan3A_48, %dma_wait3A_62] : memref<20x1000xi32, #tpu.memory_space<vmem>> -> memref<1x1000xi32, #tpu.memory_space<vmem>>
      %dma_wait3A_64 = tpu.memref_squeeze %dma_wait3A_63 : memref<1x1000xi32, #tpu.memory_space<vmem>> -> memref<1000xi32, #tpu.memory_space<vmem>>
      %dma_wait3A_65 = arith.constant 0 : i32
      %dma_wait3A_66 = arith.constant 0 : i32
      %dma_wait3A_67 = tpu.memref_slice %arg2[%arg0, %dma_wait3A_65, %dma_wait3A_66] : memref<2x10000x64xbf16, #tpu.memory_space<hbm>> -> memref<1x10000x64xbf16, #tpu.memory_space<hbm>>
      %dma_wait3A_68 = tpu.memref_squeeze %dma_wait3A_67 : memref<1x10000x64xbf16, #tpu.memory_space<hbm>> -> memref<10000x64xbf16, #tpu.memory_space<hbm>>
      %dma_wait3A_69 = arith.constant 0 : i32
      %dma_wait3A_70 = arith.constant 0 : i32
      %dma_wait3A_71 = tpu.memref_slice %dma_wait3A_68[%dma_wait3A_69, %dma_wait3A_70] : memref<10000x64xbf16, #tpu.memory_space<hbm>> -> memref<10000x64xbf16, #tpu.memory_space<hbm>>
      tpu.wait_indirect_dma semaphore(%arg11 : memref<!tpu.dma_semaphore, #tpu.memory_space<semaphore_mem>>) src(%dma_wait3A_71 : memref<10000x64xbf16, #tpu.memory_space<hbm>>) dst(%dma_wait3A_61 : memref<1000x64xbf16, #tpu.memory_space<vmem>>)
      %dma_start3A_72 = arith.constant 0 : i32
      %dma_start3A_73 = arith.constant 0 : i32
      %dma_start3A_74 = tpu.memref_slice %arg8[%select_n3A_57, %dma_start3A_72, %dma_start3A_73] : memref<2x1000x64xbf16, #tpu.memory_space<vmem>> -> memref<1x1000x64xbf16, #tpu.memory_space<vmem>>
      %dma_start3A_75 = tpu.memref_squeeze %dma_start3A_74 : memref<1x1000x64xbf16, #tpu.memory_space<vmem>> -> memref<1000x64xbf16, #tpu.memory_space<vmem>>
      %dma_start3A_76 = arith.constant 0 : i32
      %dma_start3A_77 = tpu.memref_slice %arg7[%scan3A_48, %dma_start3A_76] : memref<20x1000xi32, #tpu.memory_space<vmem>> -> memref<1x1000xi32, #tpu.memory_space<vmem>>
      %dma_start3A_78 = tpu.memref_squeeze %dma_start3A_77 : memref<1x1000xi32, #tpu.memory_space<vmem>> -> memref<1000xi32, #tpu.memory_space<vmem>>
      %dma_start3A_79 = arith.constant 0 : i32
      %dma_start3A_80 = arith.constant 0 : i32
      %dma_start3A_81 = tpu.memref_slice %arg10[%dma_start3A_79, %dma_start3A_80] : memref<10240x64xbf16, #tpu.memory_space<vmem_shared>> -> memref<10240x64xbf16, #tpu.memory_space<vmem_shared>>
      tpu.enqueue_indirect_dma source(%dma_start3A_75 : memref<1000x64xbf16, #tpu.memory_space<vmem>>) target(%dma_start3A_81 : memref<10240x64xbf16, #tpu.memory_space<vmem_shared>>) offsets(%dma_start3A_78 : memref<1000xi32, #tpu.memory_space<vmem>>) semaphore(%arg12 : memref<!tpu.dma_semaphore, #tpu.memory_space<semaphore_mem>>) {add = true}
      %ge3A = arith.constant 1 : i32
      %ge3A_82 = arith.cmpi sge, %scan3A_48, %ge3A : i32
      %convert_element_type3A = arith.extui %ge3A_82 : i1 to i32
      %cond3A = arith.constant 0 : i32
      %cond3A_83 = arith.cmpi ne, %convert_element_type3A, %cond3A : i32
      scf.if %cond3A_83 {
        %sub3A = arith.constant 1 : i32
        %sub3A_91 = arith.subi %sub3A, %select_n3A_57 : i32
        %sub3A_92 = arith.constant 1 : i32
        %sub3A_93 = arith.subi %scan3A_48, %sub3A_92 : i32
        %dma_wait3A_94 = arith.constant 0 : i32
        %dma_wait3A_95 = arith.constant 0 : i32
        %dma_wait3A_96 = tpu.memref_slice %arg8[%sub3A_91, %dma_wait3A_94, %dma_wait3A_95] : memref<2x1000x64xbf16, #tpu.memory_space<vmem>> -> memref<1x1000x64xbf16, #tpu.memory_space<vmem>>
        %dma_wait3A_97 = tpu.memref_squeeze %dma_wait3A_96 : memref<1x1000x64xbf16, #tpu.memory_space<vmem>> -> memref<1000x64xbf16, #tpu.memory_space<vmem>>
        %dma_wait3A_98 = arith.constant 0 : i32
        %dma_wait3A_99 = tpu.memref_slice %arg7[%sub3A_93, %dma_wait3A_98] : memref<20x1000xi32, #tpu.memory_space<vmem>> -> memref<1x1000xi32, #tpu.memory_space<vmem>>
        %dma_wait3A_100 = tpu.memref_squeeze %dma_wait3A_99 : memref<1x1000xi32, #tpu.memory_space<vmem>> -> memref<1000xi32, #tpu.memory_space<vmem>>
        %dma_wait3A_101 = arith.constant 0 : i32
        %dma_wait3A_102 = arith.constant 0 : i32
        %dma_wait3A_103 = tpu.memref_slice %arg10[%dma_wait3A_101, %dma_wait3A_102] : memref<10240x64xbf16, #tpu.memory_space<vmem_shared>> -> memref<10240x64xbf16, #tpu.memory_space<vmem_shared>>
        tpu.wait_indirect_dma semaphore(%arg12 : memref<!tpu.dma_semaphore, #tpu.memory_space<semaphore_mem>>) src(%dma_wait3A_97 : memref<1000x64xbf16, #tpu.memory_space<vmem>>) dst(%dma_wait3A_103 : memref<10240x64xbf16, #tpu.memory_space<vmem_shared>>)
      } else {
      }
      %add3A_84 = arith.constant 1 : i32
      %add3A_85 = arith.addi %scan3A_48, %add3A_84 : i32
      %lt3A_86 = arith.constant 20 : i32
      %lt3A_87 = arith.cmpi slt, %add3A_85, %lt3A_86 : i32
      %convert_element_type3A_88 = arith.extui %lt3A_87 : i1 to i32
      %cond3A_89 = arith.constant 0 : i32
      %cond3A_90 = arith.cmpi ne, %convert_element_type3A_88, %cond3A_89 : i32
      scf.if %cond3A_90 {
        %add3A_91 = arith.constant 1 : i32
        %add3A_92 = arith.addi %scan3A_48, %add3A_91 : i32
        %sub3A = arith.constant 1 : i32
        %sub3A_93 = arith.subi %sub3A, %select_n3A_57 : i32
        %dma_start3A_94 = arith.constant 0 : i32
        %dma_start3A_95 = arith.constant 0 : i32
        %dma_start3A_96 = tpu.memref_slice %arg8[%sub3A_93, %dma_start3A_94, %dma_start3A_95] : memref<2x1000x64xbf16, #tpu.memory_space<vmem>> -> memref<1x1000x64xbf16, #tpu.memory_space<vmem>>
        %dma_start3A_97 = tpu.memref_squeeze %dma_start3A_96 : memref<1x1000x64xbf16, #tpu.memory_space<vmem>> -> memref<1000x64xbf16, #tpu.memory_space<vmem>>
        %dma_start3A_98 = arith.constant 0 : i32
        %dma_start3A_99 = tpu.memref_slice %arg6[%add3A_92, %dma_start3A_98] : memref<20x1000xi32, #tpu.memory_space<vmem>> -> memref<1x1000xi32, #tpu.memory_space<vmem>>
        %dma_start3A_100 = tpu.memref_squeeze %dma_start3A_99 : memref<1x1000xi32, #tpu.memory_space<vmem>> -> memref<1000xi32, #tpu.memory_space<vmem>>
        %dma_start3A_101 = arith.constant 0 : i32
        %dma_start3A_102 = arith.constant 0 : i32
        %dma_start3A_103 = tpu.memref_slice %arg2[%arg0, %dma_start3A_101, %dma_start3A_102] : memref<2x10000x64xbf16, #tpu.memory_space<hbm>> -> memref<1x10000x64xbf16, #tpu.memory_space<hbm>>
        %dma_start3A_104 = tpu.memref_squeeze %dma_start3A_103 : memref<1x10000x64xbf16, #tpu.memory_space<hbm>> -> memref<10000x64xbf16, #tpu.memory_space<hbm>>
        %dma_start3A_105 = arith.constant 0 : i32
        %dma_start3A_106 = arith.constant 0 : i32
        %dma_start3A_107 = tpu.memref_slice %dma_start3A_104[%dma_start3A_105, %dma_start3A_106] : memref<10000x64xbf16, #tpu.memory_space<hbm>> -> memref<10000x64xbf16, #tpu.memory_space<hbm>>
        tpu.enqueue_indirect_dma source(%dma_start3A_107 : memref<10000x64xbf16, #tpu.memory_space<hbm>>) target(%dma_start3A_97 : memref<1000x64xbf16, #tpu.memory_space<vmem>>) offsets(%dma_start3A_100 : memref<1000xi32, #tpu.memory_space<vmem>>) semaphore(%arg11 : memref<!tpu.dma_semaphore, #tpu.memory_space<semaphore_mem>>)
      } else {
      }
    }
    %scan3A_35 = arith.constant 20 : i32
    %dma_wait3A = arith.constant 1 : i32
    %dma_wait3A_36 = arith.constant 19 : i32
    %dma_wait3A_37 = arith.constant 0 : i32
    %dma_wait3A_38 = arith.constant 0 : i32
    %dma_wait3A_39 = tpu.memref_slice %arg8[%dma_wait3A, %dma_wait3A_37, %dma_wait3A_38] : memref<2x1000x64xbf16, #tpu.memory_space<vmem>> -> memref<1x1000x64xbf16, #tpu.memory_space<vmem>>
    %dma_wait3A_40 = tpu.memref_squeeze %dma_wait3A_39 : memref<1x1000x64xbf16, #tpu.memory_space<vmem>> -> memref<1000x64xbf16, #tpu.memory_space<vmem>>
    %dma_wait3A_41 = arith.constant 0 : i32
    %dma_wait3A_42 = tpu.memref_slice %arg7[%dma_wait3A_36, %dma_wait3A_41] : memref<20x1000xi32, #tpu.memory_space<vmem>> -> memref<1x1000xi32, #tpu.memory_space<vmem>>
    %dma_wait3A_43 = tpu.memref_squeeze %dma_wait3A_42 : memref<1x1000xi32, #tpu.memory_space<vmem>> -> memref<1000xi32, #tpu.memory_space<vmem>>
    %dma_wait3A_44 = arith.constant 0 : i32
    %dma_wait3A_45 = arith.constant 0 : i32
    %dma_wait3A_46 = tpu.memref_slice %arg10[%dma_wait3A_44, %dma_wait3A_45] : memref<10240x64xbf16, #tpu.memory_space<vmem_shared>> -> memref<10240x64xbf16, #tpu.memory_space<vmem_shared>>
    tpu.wait_indirect_dma semaphore(%arg12 : memref<!tpu.dma_semaphore, #tpu.memory_space<semaphore_mem>>) src(%dma_wait3A_40 : memref<1000x64xbf16, #tpu.memory_space<vmem>>) dst(%dma_wait3A_46 : memref<10240x64xbf16, #tpu.memory_space<vmem_shared>>)
    %barrier3A_47 = arith.constant 0 : index
    tpu.barrier barrier_id(%barrier3A_47)
    "tpu.region"() ({
      %run_scoped3A = tpu.sem_alloc : memref<!tpu.dma_semaphore, #tpu.memory_space<semaphore_mem>>
      %dma_start3A_48 = arith.constant 0 : i32
      %dma_start3A_49 = arith.constant 0 : i32
      %dma_start3A_50 = tpu.memref_slice %arg5[%arg0, %dma_start3A_48, %dma_start3A_49] : memref<2x10240x64xbf16, #tpu.memory_space<hbm>> -> memref<1x10240x64xbf16, #tpu.memory_space<hbm>>
      %dma_start3A_51 = tpu.memref_squeeze %dma_start3A_50 : memref<1x10240x64xbf16, #tpu.memory_space<hbm>> -> memref<10240x64xbf16, #tpu.memory_space<hbm>>
      %dma_start3A_52 = arith.constant 0 : i32
      %dma_start3A_53 = tpu.memref_slice %dma_start3A_51[%mul3A_5, %dma_start3A_52] : memref<10240x64xbf16, #tpu.memory_space<hbm>> -> memref<640x64xbf16, #tpu.memory_space<hbm>>
      %dma_start3A_54 = arith.constant 0 : i32
      %dma_start3A_55 = tpu.memref_slice %arg10[%mul3A_5, %dma_start3A_54] : memref<10240x64xbf16, #tpu.memory_space<vmem_shared>> -> memref<640x64xbf16, #tpu.memory_space<vmem_shared>>
      tpu.enqueue_dma source(%dma_start3A_55 : memref<640x64xbf16, #tpu.memory_space<vmem_shared>>) target(%dma_start3A_53 : memref<640x64xbf16, #tpu.memory_space<hbm>>) target_semaphore(%run_scoped3A : memref<!tpu.dma_semaphore, #tpu.memory_space<semaphore_mem>>)
      %dma_wait3A_56 = arith.constant 0 : i32
      %dma_wait3A_57 = arith.constant 0 : i32
      %dma_wait3A_58 = tpu.memref_slice %arg5[%arg0, %dma_wait3A_56, %dma_wait3A_57] : memref<2x10240x64xbf16, #tpu.memory_space<hbm>> -> memref<1x10240x64xbf16, #tpu.memory_space<hbm>>
      %dma_wait3A_59 = tpu.memref_squeeze %dma_wait3A_58 : memref<1x10240x64xbf16, #tpu.memory_space<hbm>> -> memref<10240x64xbf16, #tpu.memory_space<hbm>>
      %dma_wait3A_60 = arith.constant 0 : i32
      %dma_wait3A_61 = tpu.memref_slice %dma_wait3A_59[%mul3A_5, %dma_wait3A_60] : memref<10240x64xbf16, #tpu.memory_space<hbm>> -> memref<640x64xbf16, #tpu.memory_space<hbm>>
      %dma_wait3A_62 = arith.constant 0 : i32
      %dma_wait3A_63 = tpu.memref_slice %arg10[%mul3A_5, %dma_wait3A_62] : memref<10240x64xbf16, #tpu.memory_space<vmem_shared>> -> memref<640x64xbf16, #tpu.memory_space<vmem_shared>>
      tpu.wait_dma2 semaphore(%run_scoped3A : memref<!tpu.dma_semaphore, #tpu.memory_space<semaphore_mem>>) src(%dma_wait3A_63 : memref<640x64xbf16, #tpu.memory_space<vmem_shared>>) dst(%dma_wait3A_61 : memref<640x64xbf16, #tpu.memory_space<hbm>>)
      tpu.yield
    }) : () -> ()
    return
  }
}

#map = affine_map<(d0, d1) -> (0, 0)>
#map1 = affine_map<(d0, d1) -> (0, 0, 0)>
module attributes {stable_mosaic.version = 14 : i64} {
  func.func @agg_kernel(%arg0: i32, %arg1: i32, %arg2: memref<10000x16xbf16, #tpu.memory_space<hbm>>, %arg3: memref<32x4x2500xi32, #tpu.memory_space<hbm>>, %arg4: memref<32x4x2500xi32, #tpu.memory_space<hbm>>, %arg5: memref<20480x16xbf16, #tpu.memory_space<hbm>>, %arg6: memref<4x2500xi32, #tpu.memory_space<vmem>>, %arg7: memref<4x2500xi32, #tpu.memory_space<vmem>>, %arg8: memref<2x2500x16xbf16, #tpu.memory_space<vmem>>, %arg9: memref<128x16xbf16, #tpu.memory_space<vmem>>, %arg10: memref<10240x16xbf16, #tpu.memory_space<vmem_shared>>, %arg11: memref<!tpu.dma_semaphore, #tpu.memory_space<semaphore_mem>>, %arg12: memref<!tpu.dma_semaphore, #tpu.memory_space<semaphore_mem>>) attributes {dimension_semantics = [#tpu.dimension_semantics<core_parallel>, #tpu.dimension_semantics<subcore_parallel>], iteration_bounds = array<i64: 2, 16>, scalar_prefetch = 0 : i64, scratch_operands = 7 : i64, tpu.core_type = #tpu.core_type<sc_vector_subcore>, window_params = [{transform_indices = #map}, {transform_indices = #map1}, {transform_indices = #map1}, {transform_indices = #map}]} {
    %mul3A = arith.constant 2 : i32
    %mul3A_0 = arith.muli %arg1, %mul3A : i32
    %add3A = arith.addi %mul3A_0, %arg0 : i32
    "tpu.region"() ({
      %run_scoped3A = tpu.sem_alloc : memref<!tpu.dma_semaphore, #tpu.memory_space<semaphore_mem>>
      %dma_start3A_49 = arith.constant 0 : i32
      %dma_start3A_50 = arith.constant 0 : i32
      %dma_start3A_51 = tpu.memref_slice %arg3[%add3A, %dma_start3A_49, %dma_start3A_50] : memref<32x4x2500xi32, #tpu.memory_space<hbm>> -> memref<1x4x2500xi32, #tpu.memory_space<hbm>>
      %dma_start3A_52 = tpu.memref_squeeze %dma_start3A_51 : memref<1x4x2500xi32, #tpu.memory_space<hbm>> -> memref<4x2500xi32, #tpu.memory_space<hbm>>
      %dma_start3A_53 = arith.constant 0 : i32
      %dma_start3A_54 = arith.constant 0 : i32
      %dma_start3A_55 = tpu.memref_slice %arg3[%add3A, %dma_start3A_53, %dma_start3A_54] : memref<32x4x2500xi32, #tpu.memory_space<hbm>> -> memref<1x4x2500xi32, #tpu.memory_space<hbm>>
      %dma_start3A_56 = tpu.memref_squeeze %dma_start3A_55 : memref<1x4x2500xi32, #tpu.memory_space<hbm>> -> memref<4x2500xi32, #tpu.memory_space<hbm>>
      tpu.enqueue_dma source(%dma_start3A_56 : memref<4x2500xi32, #tpu.memory_space<hbm>>) target(%arg6 : memref<4x2500xi32, #tpu.memory_space<vmem>>) target_semaphore(%run_scoped3A : memref<!tpu.dma_semaphore, #tpu.memory_space<semaphore_mem>>)
      %dma_wait3A_57 = arith.constant 0 : i32
      %dma_wait3A_58 = arith.constant 0 : i32
      %dma_wait3A_59 = tpu.memref_slice %arg3[%add3A, %dma_wait3A_57, %dma_wait3A_58] : memref<32x4x2500xi32, #tpu.memory_space<hbm>> -> memref<1x4x2500xi32, #tpu.memory_space<hbm>>
      %dma_wait3A_60 = tpu.memref_squeeze %dma_wait3A_59 : memref<1x4x2500xi32, #tpu.memory_space<hbm>> -> memref<4x2500xi32, #tpu.memory_space<hbm>>
      %dma_wait3A_61 = arith.constant 0 : i32
      %dma_wait3A_62 = arith.constant 0 : i32
      %dma_wait3A_63 = tpu.memref_slice %arg3[%add3A, %dma_wait3A_61, %dma_wait3A_62] : memref<32x4x2500xi32, #tpu.memory_space<hbm>> -> memref<1x4x2500xi32, #tpu.memory_space<hbm>>
      %dma_wait3A_64 = tpu.memref_squeeze %dma_wait3A_63 : memref<1x4x2500xi32, #tpu.memory_space<hbm>> -> memref<4x2500xi32, #tpu.memory_space<hbm>>
      tpu.wait_dma2 semaphore(%run_scoped3A : memref<!tpu.dma_semaphore, #tpu.memory_space<semaphore_mem>>) src(%dma_wait3A_64 : memref<4x2500xi32, #tpu.memory_space<hbm>>) dst(%arg6 : memref<4x2500xi32, #tpu.memory_space<vmem>>)
      tpu.yield
    }) : () -> ()
    "tpu.region"() ({
      %run_scoped3A = tpu.sem_alloc : memref<!tpu.dma_semaphore, #tpu.memory_space<semaphore_mem>>
      %dma_start3A_49 = arith.constant 0 : i32
      %dma_start3A_50 = arith.constant 0 : i32
      %dma_start3A_51 = tpu.memref_slice %arg4[%add3A, %dma_start3A_49, %dma_start3A_50] : memref<32x4x2500xi32, #tpu.memory_space<hbm>> -> memref<1x4x2500xi32, #tpu.memory_space<hbm>>
      %dma_start3A_52 = tpu.memref_squeeze %dma_start3A_51 : memref<1x4x2500xi32, #tpu.memory_space<hbm>> -> memref<4x2500xi32, #tpu.memory_space<hbm>>
      %dma_start3A_53 = arith.constant 0 : i32
      %dma_start3A_54 = arith.constant 0 : i32
      %dma_start3A_55 = tpu.memref_slice %arg4[%add3A, %dma_start3A_53, %dma_start3A_54] : memref<32x4x2500xi32, #tpu.memory_space<hbm>> -> memref<1x4x2500xi32, #tpu.memory_space<hbm>>
      %dma_start3A_56 = tpu.memref_squeeze %dma_start3A_55 : memref<1x4x2500xi32, #tpu.memory_space<hbm>> -> memref<4x2500xi32, #tpu.memory_space<hbm>>
      tpu.enqueue_dma source(%dma_start3A_56 : memref<4x2500xi32, #tpu.memory_space<hbm>>) target(%arg7 : memref<4x2500xi32, #tpu.memory_space<vmem>>) target_semaphore(%run_scoped3A : memref<!tpu.dma_semaphore, #tpu.memory_space<semaphore_mem>>)
      %dma_wait3A_57 = arith.constant 0 : i32
      %dma_wait3A_58 = arith.constant 0 : i32
      %dma_wait3A_59 = tpu.memref_slice %arg4[%add3A, %dma_wait3A_57, %dma_wait3A_58] : memref<32x4x2500xi32, #tpu.memory_space<hbm>> -> memref<1x4x2500xi32, #tpu.memory_space<hbm>>
      %dma_wait3A_60 = tpu.memref_squeeze %dma_wait3A_59 : memref<1x4x2500xi32, #tpu.memory_space<hbm>> -> memref<4x2500xi32, #tpu.memory_space<hbm>>
      %dma_wait3A_61 = arith.constant 0 : i32
      %dma_wait3A_62 = arith.constant 0 : i32
      %dma_wait3A_63 = tpu.memref_slice %arg4[%add3A, %dma_wait3A_61, %dma_wait3A_62] : memref<32x4x2500xi32, #tpu.memory_space<hbm>> -> memref<1x4x2500xi32, #tpu.memory_space<hbm>>
      %dma_wait3A_64 = tpu.memref_squeeze %dma_wait3A_63 : memref<1x4x2500xi32, #tpu.memory_space<hbm>> -> memref<4x2500xi32, #tpu.memory_space<hbm>>
      tpu.wait_dma2 semaphore(%run_scoped3A : memref<!tpu.dma_semaphore, #tpu.memory_space<semaphore_mem>>) src(%dma_wait3A_64 : memref<4x2500xi32, #tpu.memory_space<hbm>>) dst(%arg7 : memref<4x2500xi32, #tpu.memory_space<vmem>>)
      tpu.yield
    }) : () -> ()
    %scan3A = arith.constant 0 : i32
    %scan3A_1 = arith.constant 0 : i32
    %scan3A_2 = arith.constant 0 : i32
    %scan3A_3 = arith.addi %scan3A_1, %scan3A_2 : i32
    %scan3A_4 = arith.constant 0 : i32
    %mul3A_5 = arith.constant 640 : i32
    %mul3A_6 = arith.muli %arg1, %mul3A_5 : i32
    %add3A_7 = arith.constant 0 : i32
    %add3A_8 = arith.addi %mul3A_6, %add3A_7 : i32
    "tpu.region"() ({
      %run_scoped3A = tpu.sem_alloc : memref<!tpu.dma_semaphore, #tpu.memory_space<semaphore_mem>>
      %dma_start3A_49 = arith.constant 0 : i32
      %dma_start3A_50 = tpu.memref_slice %arg10[%add3A_8, %dma_start3A_49] : memref<10240x16xbf16, #tpu.memory_space<vmem_shared>> -> memref<128x16xbf16, #tpu.memory_space<vmem_shared>>
      %dma_start3A_51 = arith.constant 0 : i32
      %dma_start3A_52 = tpu.memref_slice %arg10[%add3A_8, %dma_start3A_51] : memref<10240x16xbf16, #tpu.memory_space<vmem_shared>> -> memref<128x16xbf16, #tpu.memory_space<vmem_shared>>
      tpu.enqueue_dma source(%arg9 : memref<128x16xbf16, #tpu.memory_space<vmem>>) target(%dma_start3A_52 : memref<128x16xbf16, #tpu.memory_space<vmem_shared>>) target_semaphore(%run_scoped3A : memref<!tpu.dma_semaphore, #tpu.memory_space<semaphore_mem>>)
      %dma_wait3A_53 = arith.constant 0 : i32
      %dma_wait3A_54 = tpu.memref_slice %arg10[%add3A_8, %dma_wait3A_53] : memref<10240x16xbf16, #tpu.memory_space<vmem_shared>> -> memref<128x16xbf16, #tpu.memory_space<vmem_shared>>
      %dma_wait3A_55 = arith.constant 0 : i32
      %dma_wait3A_56 = tpu.memref_slice %arg10[%add3A_8, %dma_wait3A_55] : memref<10240x16xbf16, #tpu.memory_space<vmem_shared>> -> memref<128x16xbf16, #tpu.memory_space<vmem_shared>>
      tpu.wait_dma2 semaphore(%run_scoped3A : memref<!tpu.dma_semaphore, #tpu.memory_space<semaphore_mem>>) src(%arg9 : memref<128x16xbf16, #tpu.memory_space<vmem>>) dst(%dma_wait3A_56 : memref<128x16xbf16, #tpu.memory_space<vmem_shared>>)
      tpu.yield
    }) : () -> ()
    %add3A_9 = arith.constant 128 : i32
    %add3A_10 = arith.addi %mul3A_6, %add3A_9 : i32
    "tpu.region"() ({
      %run_scoped3A = tpu.sem_alloc : memref<!tpu.dma_semaphore, #tpu.memory_space<semaphore_mem>>
      %dma_start3A_49 = arith.constant 0 : i32
      %dma_start3A_50 = tpu.memref_slice %arg10[%add3A_10, %dma_start3A_49] : memref<10240x16xbf16, #tpu.memory_space<vmem_shared>> -> memref<128x16xbf16, #tpu.memory_space<vmem_shared>>
      %dma_start3A_51 = arith.constant 0 : i32
      %dma_start3A_52 = tpu.memref_slice %arg10[%add3A_10, %dma_start3A_51] : memref<10240x16xbf16, #tpu.memory_space<vmem_shared>> -> memref<128x16xbf16, #tpu.memory_space<vmem_shared>>
      tpu.enqueue_dma source(%arg9 : memref<128x16xbf16, #tpu.memory_space<vmem>>) target(%dma_start3A_52 : memref<128x16xbf16, #tpu.memory_space<vmem_shared>>) target_semaphore(%run_scoped3A : memref<!tpu.dma_semaphore, #tpu.memory_space<semaphore_mem>>)
      %dma_wait3A_53 = arith.constant 0 : i32
      %dma_wait3A_54 = tpu.memref_slice %arg10[%add3A_10, %dma_wait3A_53] : memref<10240x16xbf16, #tpu.memory_space<vmem_shared>> -> memref<128x16xbf16, #tpu.memory_space<vmem_shared>>
      %dma_wait3A_55 = arith.constant 0 : i32
      %dma_wait3A_56 = tpu.memref_slice %arg10[%add3A_10, %dma_wait3A_55] : memref<10240x16xbf16, #tpu.memory_space<vmem_shared>> -> memref<128x16xbf16, #tpu.memory_space<vmem_shared>>
      tpu.wait_dma2 semaphore(%run_scoped3A : memref<!tpu.dma_semaphore, #tpu.memory_space<semaphore_mem>>) src(%arg9 : memref<128x16xbf16, #tpu.memory_space<vmem>>) dst(%dma_wait3A_56 : memref<128x16xbf16, #tpu.memory_space<vmem_shared>>)
      tpu.yield
    }) : () -> ()
    %add3A_11 = arith.constant 256 : i32
    %add3A_12 = arith.addi %mul3A_6, %add3A_11 : i32
    "tpu.region"() ({
      %run_scoped3A = tpu.sem_alloc : memref<!tpu.dma_semaphore, #tpu.memory_space<semaphore_mem>>
      %dma_start3A_49 = arith.constant 0 : i32
      %dma_start3A_50 = tpu.memref_slice %arg10[%add3A_12, %dma_start3A_49] : memref<10240x16xbf16, #tpu.memory_space<vmem_shared>> -> memref<128x16xbf16, #tpu.memory_space<vmem_shared>>
      %dma_start3A_51 = arith.constant 0 : i32
      %dma_start3A_52 = tpu.memref_slice %arg10[%add3A_12, %dma_start3A_51] : memref<10240x16xbf16, #tpu.memory_space<vmem_shared>> -> memref<128x16xbf16, #tpu.memory_space<vmem_shared>>
      tpu.enqueue_dma source(%arg9 : memref<128x16xbf16, #tpu.memory_space<vmem>>) target(%dma_start3A_52 : memref<128x16xbf16, #tpu.memory_space<vmem_shared>>) target_semaphore(%run_scoped3A : memref<!tpu.dma_semaphore, #tpu.memory_space<semaphore_mem>>)
      %dma_wait3A_53 = arith.constant 0 : i32
      %dma_wait3A_54 = tpu.memref_slice %arg10[%add3A_12, %dma_wait3A_53] : memref<10240x16xbf16, #tpu.memory_space<vmem_shared>> -> memref<128x16xbf16, #tpu.memory_space<vmem_shared>>
      %dma_wait3A_55 = arith.constant 0 : i32
      %dma_wait3A_56 = tpu.memref_slice %arg10[%add3A_12, %dma_wait3A_55] : memref<10240x16xbf16, #tpu.memory_space<vmem_shared>> -> memref<128x16xbf16, #tpu.memory_space<vmem_shared>>
      tpu.wait_dma2 semaphore(%run_scoped3A : memref<!tpu.dma_semaphore, #tpu.memory_space<semaphore_mem>>) src(%arg9 : memref<128x16xbf16, #tpu.memory_space<vmem>>) dst(%dma_wait3A_56 : memref<128x16xbf16, #tpu.memory_space<vmem_shared>>)
      tpu.yield
    }) : () -> ()
    %add3A_13 = arith.constant 384 : i32
    %add3A_14 = arith.addi %mul3A_6, %add3A_13 : i32
    "tpu.region"() ({
      %run_scoped3A = tpu.sem_alloc : memref<!tpu.dma_semaphore, #tpu.memory_space<semaphore_mem>>
      %dma_start3A_49 = arith.constant 0 : i32
      %dma_start3A_50 = tpu.memref_slice %arg10[%add3A_14, %dma_start3A_49] : memref<10240x16xbf16, #tpu.memory_space<vmem_shared>> -> memref<128x16xbf16, #tpu.memory_space<vmem_shared>>
      %dma_start3A_51 = arith.constant 0 : i32
      %dma_start3A_52 = tpu.memref_slice %arg10[%add3A_14, %dma_start3A_51] : memref<10240x16xbf16, #tpu.memory_space<vmem_shared>> -> memref<128x16xbf16, #tpu.memory_space<vmem_shared>>
      tpu.enqueue_dma source(%arg9 : memref<128x16xbf16, #tpu.memory_space<vmem>>) target(%dma_start3A_52 : memref<128x16xbf16, #tpu.memory_space<vmem_shared>>) target_semaphore(%run_scoped3A : memref<!tpu.dma_semaphore, #tpu.memory_space<semaphore_mem>>)
      %dma_wait3A_53 = arith.constant 0 : i32
      %dma_wait3A_54 = tpu.memref_slice %arg10[%add3A_14, %dma_wait3A_53] : memref<10240x16xbf16, #tpu.memory_space<vmem_shared>> -> memref<128x16xbf16, #tpu.memory_space<vmem_shared>>
      %dma_wait3A_55 = arith.constant 0 : i32
      %dma_wait3A_56 = tpu.memref_slice %arg10[%add3A_14, %dma_wait3A_55] : memref<10240x16xbf16, #tpu.memory_space<vmem_shared>> -> memref<128x16xbf16, #tpu.memory_space<vmem_shared>>
      tpu.wait_dma2 semaphore(%run_scoped3A : memref<!tpu.dma_semaphore, #tpu.memory_space<semaphore_mem>>) src(%arg9 : memref<128x16xbf16, #tpu.memory_space<vmem>>) dst(%dma_wait3A_56 : memref<128x16xbf16, #tpu.memory_space<vmem_shared>>)
      tpu.yield
    }) : () -> ()
    %add3A_15 = arith.constant 512 : i32
    %add3A_16 = arith.addi %mul3A_6, %add3A_15 : i32
    "tpu.region"() ({
      %run_scoped3A = tpu.sem_alloc : memref<!tpu.dma_semaphore, #tpu.memory_space<semaphore_mem>>
      %dma_start3A_49 = arith.constant 0 : i32
      %dma_start3A_50 = tpu.memref_slice %arg10[%add3A_16, %dma_start3A_49] : memref<10240x16xbf16, #tpu.memory_space<vmem_shared>> -> memref<128x16xbf16, #tpu.memory_space<vmem_shared>>
      %dma_start3A_51 = arith.constant 0 : i32
      %dma_start3A_52 = tpu.memref_slice %arg10[%add3A_16, %dma_start3A_51] : memref<10240x16xbf16, #tpu.memory_space<vmem_shared>> -> memref<128x16xbf16, #tpu.memory_space<vmem_shared>>
      tpu.enqueue_dma source(%arg9 : memref<128x16xbf16, #tpu.memory_space<vmem>>) target(%dma_start3A_52 : memref<128x16xbf16, #tpu.memory_space<vmem_shared>>) target_semaphore(%run_scoped3A : memref<!tpu.dma_semaphore, #tpu.memory_space<semaphore_mem>>)
      %dma_wait3A_53 = arith.constant 0 : i32
      %dma_wait3A_54 = tpu.memref_slice %arg10[%add3A_16, %dma_wait3A_53] : memref<10240x16xbf16, #tpu.memory_space<vmem_shared>> -> memref<128x16xbf16, #tpu.memory_space<vmem_shared>>
      %dma_wait3A_55 = arith.constant 0 : i32
      %dma_wait3A_56 = tpu.memref_slice %arg10[%add3A_16, %dma_wait3A_55] : memref<10240x16xbf16, #tpu.memory_space<vmem_shared>> -> memref<128x16xbf16, #tpu.memory_space<vmem_shared>>
      tpu.wait_dma2 semaphore(%run_scoped3A : memref<!tpu.dma_semaphore, #tpu.memory_space<semaphore_mem>>) src(%arg9 : memref<128x16xbf16, #tpu.memory_space<vmem>>) dst(%dma_wait3A_56 : memref<128x16xbf16, #tpu.memory_space<vmem_shared>>)
      tpu.yield
    }) : () -> ()
    %barrier3A = arith.constant 0 : index
    tpu.barrier barrier_id(%barrier3A)
    %dma_start3A = arith.constant 0 : i32
    %dma_start3A_17 = arith.constant 0 : i32
    %dma_start3A_18 = arith.constant 0 : i32
    %dma_start3A_19 = arith.constant 0 : i32
    %dma_start3A_20 = tpu.memref_slice %arg8[%dma_start3A_17, %dma_start3A_18, %dma_start3A_19] : memref<2x2500x16xbf16, #tpu.memory_space<vmem>> -> memref<1x2500x16xbf16, #tpu.memory_space<vmem>>
    %dma_start3A_21 = tpu.memref_squeeze %dma_start3A_20 : memref<1x2500x16xbf16, #tpu.memory_space<vmem>> -> memref<2500x16xbf16, #tpu.memory_space<vmem>>
    %dma_start3A_22 = arith.constant 0 : i32
    %dma_start3A_23 = tpu.memref_slice %arg6[%dma_start3A, %dma_start3A_22] : memref<4x2500xi32, #tpu.memory_space<vmem>> -> memref<1x2500xi32, #tpu.memory_space<vmem>>
    %dma_start3A_24 = tpu.memref_squeeze %dma_start3A_23 : memref<1x2500xi32, #tpu.memory_space<vmem>> -> memref<2500xi32, #tpu.memory_space<vmem>>
    %dma_start3A_25 = arith.constant 0 : i32
    %dma_start3A_26 = arith.constant 0 : i32
    %dma_start3A_27 = tpu.memref_slice %arg2[%dma_start3A_25, %dma_start3A_26] : memref<10000x16xbf16, #tpu.memory_space<hbm>> -> memref<10000x16xbf16, #tpu.memory_space<hbm>>
    tpu.enqueue_indirect_dma source(%dma_start3A_27 : memref<10000x16xbf16, #tpu.memory_space<hbm>>) target(%dma_start3A_21 : memref<2500x16xbf16, #tpu.memory_space<vmem>>) offsets(%dma_start3A_24 : memref<2500xi32, #tpu.memory_space<vmem>>) semaphore(%arg11 : memref<!tpu.dma_semaphore, #tpu.memory_space<semaphore_mem>>)
    %scan3A_28 = arith.constant 0 : i32
    %scan3A_29 = arith.constant 0 : i32
    %scan3A_30 = arith.constant 4 : i32
    %scan3A_31 = arith.addi %scan3A_29, %scan3A_30 : i32
    %scan3A_32 = arith.constant 1 : i32
    scf.for %scan3A_49 = %scan3A_29 to %scan3A_31 step %scan3A_32  : i32 {
      %jit3A = arith.constant 2 : i32
      %eq3A = arith.constant 0 : i32
      %eq3A_50 = arith.cmpi eq, %jit3A, %eq3A : i32
      %jit3A_51 = arith.constant 1 : i32
      %select_n3A = arith.select %eq3A_50, %jit3A_51, %jit3A : i32
      %rem3A = arith.remsi %scan3A_49, %select_n3A : i32
      %ne3A = arith.constant 0 : i32
      %ne3A_52 = arith.cmpi ne, %rem3A, %ne3A : i32
      %lt3A = arith.constant 0 : i32
      %lt3A_53 = arith.cmpi slt, %rem3A, %lt3A : i32
      %lt3A_54 = arith.constant 0 : i32
      %lt3A_55 = arith.cmpi slt, %select_n3A, %lt3A_54 : i32
      %ne3A_56 = arith.xori %lt3A_53, %lt3A_55 : i1
      %and3A = arith.andi %ne3A_56, %ne3A_52 : i1
      %add3A_57 = arith.addi %rem3A, %select_n3A : i32
      %select_n3A_58 = arith.select %and3A, %add3A_57, %rem3A : i32
      %dma_wait3A_59 = arith.constant 0 : i32
      %dma_wait3A_60 = arith.constant 0 : i32
      %dma_wait3A_61 = tpu.memref_slice %arg8[%select_n3A_58, %dma_wait3A_59, %dma_wait3A_60] : memref<2x2500x16xbf16, #tpu.memory_space<vmem>> -> memref<1x2500x16xbf16, #tpu.memory_space<vmem>>
      %dma_wait3A_62 = tpu.memref_squeeze %dma_wait3A_61 : memref<1x2500x16xbf16, #tpu.memory_space<vmem>> -> memref<2500x16xbf16, #tpu.memory_space<vmem>>
      %dma_wait3A_63 = arith.constant 0 : i32
      %dma_wait3A_64 = tpu.memref_slice %arg6[%scan3A_49, %dma_wait3A_63] : memref<4x2500xi32, #tpu.memory_space<vmem>> -> memref<1x2500xi32, #tpu.memory_space<vmem>>
      %dma_wait3A_65 = tpu.memref_squeeze %dma_wait3A_64 : memref<1x2500xi32, #tpu.memory_space<vmem>> -> memref<2500xi32, #tpu.memory_space<vmem>>
      %dma_wait3A_66 = arith.constant 0 : i32
      %dma_wait3A_67 = arith.constant 0 : i32
      %dma_wait3A_68 = tpu.memref_slice %arg2[%dma_wait3A_66, %dma_wait3A_67] : memref<10000x16xbf16, #tpu.memory_space<hbm>> -> memref<10000x16xbf16, #tpu.memory_space<hbm>>
      tpu.wait_indirect_dma semaphore(%arg11 : memref<!tpu.dma_semaphore, #tpu.memory_space<semaphore_mem>>) src(%dma_wait3A_68 : memref<10000x16xbf16, #tpu.memory_space<hbm>>) dst(%dma_wait3A_62 : memref<2500x16xbf16, #tpu.memory_space<vmem>>)
      %dma_start3A_69 = arith.constant 0 : i32
      %dma_start3A_70 = arith.constant 0 : i32
      %dma_start3A_71 = tpu.memref_slice %arg8[%select_n3A_58, %dma_start3A_69, %dma_start3A_70] : memref<2x2500x16xbf16, #tpu.memory_space<vmem>> -> memref<1x2500x16xbf16, #tpu.memory_space<vmem>>
      %dma_start3A_72 = tpu.memref_squeeze %dma_start3A_71 : memref<1x2500x16xbf16, #tpu.memory_space<vmem>> -> memref<2500x16xbf16, #tpu.memory_space<vmem>>
      %dma_start3A_73 = arith.constant 0 : i32
      %dma_start3A_74 = tpu.memref_slice %arg7[%scan3A_49, %dma_start3A_73] : memref<4x2500xi32, #tpu.memory_space<vmem>> -> memref<1x2500xi32, #tpu.memory_space<vmem>>
      %dma_start3A_75 = tpu.memref_squeeze %dma_start3A_74 : memref<1x2500xi32, #tpu.memory_space<vmem>> -> memref<2500xi32, #tpu.memory_space<vmem>>
      %dma_start3A_76 = arith.constant 0 : i32
      %dma_start3A_77 = arith.constant 0 : i32
      %dma_start3A_78 = tpu.memref_slice %arg10[%dma_start3A_76, %dma_start3A_77] : memref<10240x16xbf16, #tpu.memory_space<vmem_shared>> -> memref<10240x16xbf16, #tpu.memory_space<vmem_shared>>
      tpu.enqueue_indirect_dma source(%dma_start3A_72 : memref<2500x16xbf16, #tpu.memory_space<vmem>>) target(%dma_start3A_78 : memref<10240x16xbf16, #tpu.memory_space<vmem_shared>>) offsets(%dma_start3A_75 : memref<2500xi32, #tpu.memory_space<vmem>>) semaphore(%arg12 : memref<!tpu.dma_semaphore, #tpu.memory_space<semaphore_mem>>) {add = true}
      %ge3A = arith.constant 1 : i32
      %ge3A_79 = arith.cmpi sge, %scan3A_49, %ge3A : i32
      %convert_element_type3A = arith.extui %ge3A_79 : i1 to i32
      %cond3A = arith.constant 0 : i32
      %cond3A_80 = arith.cmpi ne, %convert_element_type3A, %cond3A : i32
      scf.if %cond3A_80 {
        %sub3A = arith.constant 1 : i32
        %sub3A_88 = arith.subi %sub3A, %select_n3A_58 : i32
        %sub3A_89 = arith.constant 1 : i32
        %sub3A_90 = arith.subi %scan3A_49, %sub3A_89 : i32
        %dma_wait3A_91 = arith.constant 0 : i32
        %dma_wait3A_92 = arith.constant 0 : i32
        %dma_wait3A_93 = tpu.memref_slice %arg8[%sub3A_88, %dma_wait3A_91, %dma_wait3A_92] : memref<2x2500x16xbf16, #tpu.memory_space<vmem>> -> memref<1x2500x16xbf16, #tpu.memory_space<vmem>>
        %dma_wait3A_94 = tpu.memref_squeeze %dma_wait3A_93 : memref<1x2500x16xbf16, #tpu.memory_space<vmem>> -> memref<2500x16xbf16, #tpu.memory_space<vmem>>
        %dma_wait3A_95 = arith.constant 0 : i32
        %dma_wait3A_96 = tpu.memref_slice %arg7[%sub3A_90, %dma_wait3A_95] : memref<4x2500xi32, #tpu.memory_space<vmem>> -> memref<1x2500xi32, #tpu.memory_space<vmem>>
        %dma_wait3A_97 = tpu.memref_squeeze %dma_wait3A_96 : memref<1x2500xi32, #tpu.memory_space<vmem>> -> memref<2500xi32, #tpu.memory_space<vmem>>
        %dma_wait3A_98 = arith.constant 0 : i32
        %dma_wait3A_99 = arith.constant 0 : i32
        %dma_wait3A_100 = tpu.memref_slice %arg10[%dma_wait3A_98, %dma_wait3A_99] : memref<10240x16xbf16, #tpu.memory_space<vmem_shared>> -> memref<10240x16xbf16, #tpu.memory_space<vmem_shared>>
        tpu.wait_indirect_dma semaphore(%arg12 : memref<!tpu.dma_semaphore, #tpu.memory_space<semaphore_mem>>) src(%dma_wait3A_94 : memref<2500x16xbf16, #tpu.memory_space<vmem>>) dst(%dma_wait3A_100 : memref<10240x16xbf16, #tpu.memory_space<vmem_shared>>)
      } else {
      }
      %add3A_81 = arith.constant 1 : i32
      %add3A_82 = arith.addi %scan3A_49, %add3A_81 : i32
      %lt3A_83 = arith.constant 4 : i32
      %lt3A_84 = arith.cmpi slt, %add3A_82, %lt3A_83 : i32
      %convert_element_type3A_85 = arith.extui %lt3A_84 : i1 to i32
      %cond3A_86 = arith.constant 0 : i32
      %cond3A_87 = arith.cmpi ne, %convert_element_type3A_85, %cond3A_86 : i32
      scf.if %cond3A_87 {
        %add3A_88 = arith.constant 1 : i32
        %add3A_89 = arith.addi %scan3A_49, %add3A_88 : i32
        %sub3A = arith.constant 1 : i32
        %sub3A_90 = arith.subi %sub3A, %select_n3A_58 : i32
        %dma_start3A_91 = arith.constant 0 : i32
        %dma_start3A_92 = arith.constant 0 : i32
        %dma_start3A_93 = tpu.memref_slice %arg8[%sub3A_90, %dma_start3A_91, %dma_start3A_92] : memref<2x2500x16xbf16, #tpu.memory_space<vmem>> -> memref<1x2500x16xbf16, #tpu.memory_space<vmem>>
        %dma_start3A_94 = tpu.memref_squeeze %dma_start3A_93 : memref<1x2500x16xbf16, #tpu.memory_space<vmem>> -> memref<2500x16xbf16, #tpu.memory_space<vmem>>
        %dma_start3A_95 = arith.constant 0 : i32
        %dma_start3A_96 = tpu.memref_slice %arg6[%add3A_89, %dma_start3A_95] : memref<4x2500xi32, #tpu.memory_space<vmem>> -> memref<1x2500xi32, #tpu.memory_space<vmem>>
        %dma_start3A_97 = tpu.memref_squeeze %dma_start3A_96 : memref<1x2500xi32, #tpu.memory_space<vmem>> -> memref<2500xi32, #tpu.memory_space<vmem>>
        %dma_start3A_98 = arith.constant 0 : i32
        %dma_start3A_99 = arith.constant 0 : i32
        %dma_start3A_100 = tpu.memref_slice %arg2[%dma_start3A_98, %dma_start3A_99] : memref<10000x16xbf16, #tpu.memory_space<hbm>> -> memref<10000x16xbf16, #tpu.memory_space<hbm>>
        tpu.enqueue_indirect_dma source(%dma_start3A_100 : memref<10000x16xbf16, #tpu.memory_space<hbm>>) target(%dma_start3A_94 : memref<2500x16xbf16, #tpu.memory_space<vmem>>) offsets(%dma_start3A_97 : memref<2500xi32, #tpu.memory_space<vmem>>) semaphore(%arg11 : memref<!tpu.dma_semaphore, #tpu.memory_space<semaphore_mem>>)
      } else {
      }
    }
    %scan3A_33 = arith.constant 4 : i32
    %dma_wait3A = arith.constant 1 : i32
    %dma_wait3A_34 = arith.constant 3 : i32
    %dma_wait3A_35 = arith.constant 0 : i32
    %dma_wait3A_36 = arith.constant 0 : i32
    %dma_wait3A_37 = tpu.memref_slice %arg8[%dma_wait3A, %dma_wait3A_35, %dma_wait3A_36] : memref<2x2500x16xbf16, #tpu.memory_space<vmem>> -> memref<1x2500x16xbf16, #tpu.memory_space<vmem>>
    %dma_wait3A_38 = tpu.memref_squeeze %dma_wait3A_37 : memref<1x2500x16xbf16, #tpu.memory_space<vmem>> -> memref<2500x16xbf16, #tpu.memory_space<vmem>>
    %dma_wait3A_39 = arith.constant 0 : i32
    %dma_wait3A_40 = tpu.memref_slice %arg7[%dma_wait3A_34, %dma_wait3A_39] : memref<4x2500xi32, #tpu.memory_space<vmem>> -> memref<1x2500xi32, #tpu.memory_space<vmem>>
    %dma_wait3A_41 = tpu.memref_squeeze %dma_wait3A_40 : memref<1x2500xi32, #tpu.memory_space<vmem>> -> memref<2500xi32, #tpu.memory_space<vmem>>
    %dma_wait3A_42 = arith.constant 0 : i32
    %dma_wait3A_43 = arith.constant 0 : i32
    %dma_wait3A_44 = tpu.memref_slice %arg10[%dma_wait3A_42, %dma_wait3A_43] : memref<10240x16xbf16, #tpu.memory_space<vmem_shared>> -> memref<10240x16xbf16, #tpu.memory_space<vmem_shared>>
    tpu.wait_indirect_dma semaphore(%arg12 : memref<!tpu.dma_semaphore, #tpu.memory_space<semaphore_mem>>) src(%dma_wait3A_38 : memref<2500x16xbf16, #tpu.memory_space<vmem>>) dst(%dma_wait3A_44 : memref<10240x16xbf16, #tpu.memory_space<vmem_shared>>)
    %barrier3A_45 = arith.constant 0 : index
    tpu.barrier barrier_id(%barrier3A_45)
    %mul3A_46 = arith.constant 10240 : i32
    %mul3A_47 = arith.muli %arg0, %mul3A_46 : i32
    %add3A_48 = arith.addi %mul3A_47, %mul3A_6 : i32
    "tpu.region"() ({
      %run_scoped3A = tpu.sem_alloc : memref<!tpu.dma_semaphore, #tpu.memory_space<semaphore_mem>>
      %dma_start3A_49 = arith.constant 0 : i32
      %dma_start3A_50 = tpu.memref_slice %arg5[%add3A_48, %dma_start3A_49] : memref<20480x16xbf16, #tpu.memory_space<hbm>> -> memref<640x16xbf16, #tpu.memory_space<hbm>>
      %dma_start3A_51 = arith.constant 0 : i32
      %dma_start3A_52 = tpu.memref_slice %arg10[%mul3A_6, %dma_start3A_51] : memref<10240x16xbf16, #tpu.memory_space<vmem_shared>> -> memref<640x16xbf16, #tpu.memory_space<vmem_shared>>
      tpu.enqueue_dma source(%dma_start3A_52 : memref<640x16xbf16, #tpu.memory_space<vmem_shared>>) target(%dma_start3A_50 : memref<640x16xbf16, #tpu.memory_space<hbm>>) target_semaphore(%run_scoped3A : memref<!tpu.dma_semaphore, #tpu.memory_space<semaphore_mem>>)
      %dma_wait3A_53 = arith.constant 0 : i32
      %dma_wait3A_54 = tpu.memref_slice %arg5[%add3A_48, %dma_wait3A_53] : memref<20480x16xbf16, #tpu.memory_space<hbm>> -> memref<640x16xbf16, #tpu.memory_space<hbm>>
      %dma_wait3A_55 = arith.constant 0 : i32
      %dma_wait3A_56 = tpu.memref_slice %arg10[%mul3A_6, %dma_wait3A_55] : memref<10240x16xbf16, #tpu.memory_space<vmem_shared>> -> memref<640x16xbf16, #tpu.memory_space<vmem_shared>>
      tpu.wait_dma2 semaphore(%run_scoped3A : memref<!tpu.dma_semaphore, #tpu.memory_space<semaphore_mem>>) src(%dma_wait3A_56 : memref<640x16xbf16, #tpu.memory_space<vmem_shared>>) dst(%dma_wait3A_54 : memref<640x16xbf16, #tpu.memory_space<hbm>>)
      tpu.yield
    }) : () -> ()
    return
  }
}

#map = affine_map<(d0, d1) -> (0, 0)>
#map1 = affine_map<(d0, d1) -> (0, 0, 0)>
module attributes {stable_mosaic.version = 14 : i64} {
  func.func @agg_kernel(%arg0: i32, %arg1: i32, %arg2: memref<10000x16xbf16, #tpu.memory_space<hbm>>, %arg3: memref<32x4x2500xi32, #tpu.memory_space<hbm>>, %arg4: memref<32x4x2500xi32, #tpu.memory_space<hbm>>, %arg5: memref<20480x16xbf16, #tpu.memory_space<hbm>>, %arg6: memref<4x2500xi32, #tpu.memory_space<vmem>>, %arg7: memref<4x2500xi32, #tpu.memory_space<vmem>>, %arg8: memref<2x2500x16xbf16, #tpu.memory_space<vmem>>, %arg9: memref<128x16xbf16, #tpu.memory_space<vmem>>, %arg10: memref<10240x16xbf16, #tpu.memory_space<vmem_shared>>, %arg11: memref<!tpu.dma_semaphore, #tpu.memory_space<semaphore_mem>>, %arg12: memref<!tpu.dma_semaphore, #tpu.memory_space<semaphore_mem>>) attributes {dimension_semantics = [#tpu.dimension_semantics<core_parallel>, #tpu.dimension_semantics<subcore_parallel>], iteration_bounds = array<i64: 2, 16>, scalar_prefetch = 0 : i64, scratch_operands = 7 : i64, tpu.core_type = #tpu.core_type<sc_vector_subcore>, window_params = [{transform_indices = #map}, {transform_indices = #map1}, {transform_indices = #map1}, {transform_indices = #map}]} {
    %mul3A = arith.constant 2 : i32
    %mul3A_0 = arith.muli %arg1, %mul3A : i32
    %add3A = arith.addi %mul3A_0, %arg0 : i32
    "tpu.region"() ({
      %run_scoped3A = tpu.sem_alloc : memref<!tpu.dma_semaphore, #tpu.memory_space<semaphore_mem>>
      %dma_start3A_49 = arith.constant 0 : i32
      %dma_start3A_50 = arith.constant 0 : i32
      %dma_start3A_51 = tpu.memref_slice %arg3[%add3A, %dma_start3A_49, %dma_start3A_50] : memref<32x4x2500xi32, #tpu.memory_space<hbm>> -> memref<1x4x2500xi32, #tpu.memory_space<hbm>>
      %dma_start3A_52 = tpu.memref_squeeze %dma_start3A_51 : memref<1x4x2500xi32, #tpu.memory_space<hbm>> -> memref<4x2500xi32, #tpu.memory_space<hbm>>
      %dma_start3A_53 = arith.constant 0 : i32
      %dma_start3A_54 = arith.constant 0 : i32
      %dma_start3A_55 = tpu.memref_slice %arg3[%add3A, %dma_start3A_53, %dma_start3A_54] : memref<32x4x2500xi32, #tpu.memory_space<hbm>> -> memref<1x4x2500xi32, #tpu.memory_space<hbm>>
      %dma_start3A_56 = tpu.memref_squeeze %dma_start3A_55 : memref<1x4x2500xi32, #tpu.memory_space<hbm>> -> memref<4x2500xi32, #tpu.memory_space<hbm>>
      tpu.enqueue_dma source(%dma_start3A_56 : memref<4x2500xi32, #tpu.memory_space<hbm>>) target(%arg6 : memref<4x2500xi32, #tpu.memory_space<vmem>>) target_semaphore(%run_scoped3A : memref<!tpu.dma_semaphore, #tpu.memory_space<semaphore_mem>>)
      %dma_wait3A_57 = arith.constant 0 : i32
      %dma_wait3A_58 = arith.constant 0 : i32
      %dma_wait3A_59 = tpu.memref_slice %arg3[%add3A, %dma_wait3A_57, %dma_wait3A_58] : memref<32x4x2500xi32, #tpu.memory_space<hbm>> -> memref<1x4x2500xi32, #tpu.memory_space<hbm>>
      %dma_wait3A_60 = tpu.memref_squeeze %dma_wait3A_59 : memref<1x4x2500xi32, #tpu.memory_space<hbm>> -> memref<4x2500xi32, #tpu.memory_space<hbm>>
      %dma_wait3A_61 = arith.constant 0 : i32
      %dma_wait3A_62 = arith.constant 0 : i32
      %dma_wait3A_63 = tpu.memref_slice %arg3[%add3A, %dma_wait3A_61, %dma_wait3A_62] : memref<32x4x2500xi32, #tpu.memory_space<hbm>> -> memref<1x4x2500xi32, #tpu.memory_space<hbm>>
      %dma_wait3A_64 = tpu.memref_squeeze %dma_wait3A_63 : memref<1x4x2500xi32, #tpu.memory_space<hbm>> -> memref<4x2500xi32, #tpu.memory_space<hbm>>
      tpu.wait_dma2 semaphore(%run_scoped3A : memref<!tpu.dma_semaphore, #tpu.memory_space<semaphore_mem>>) src(%dma_wait3A_64 : memref<4x2500xi32, #tpu.memory_space<hbm>>) dst(%arg6 : memref<4x2500xi32, #tpu.memory_space<vmem>>)
      tpu.yield
    }) : () -> ()
    "tpu.region"() ({
      %run_scoped3A = tpu.sem_alloc : memref<!tpu.dma_semaphore, #tpu.memory_space<semaphore_mem>>
      %dma_start3A_49 = arith.constant 0 : i32
      %dma_start3A_50 = arith.constant 0 : i32
      %dma_start3A_51 = tpu.memref_slice %arg4[%add3A, %dma_start3A_49, %dma_start3A_50] : memref<32x4x2500xi32, #tpu.memory_space<hbm>> -> memref<1x4x2500xi32, #tpu.memory_space<hbm>>
      %dma_start3A_52 = tpu.memref_squeeze %dma_start3A_51 : memref<1x4x2500xi32, #tpu.memory_space<hbm>> -> memref<4x2500xi32, #tpu.memory_space<hbm>>
      %dma_start3A_53 = arith.constant 0 : i32
      %dma_start3A_54 = arith.constant 0 : i32
      %dma_start3A_55 = tpu.memref_slice %arg4[%add3A, %dma_start3A_53, %dma_start3A_54] : memref<32x4x2500xi32, #tpu.memory_space<hbm>> -> memref<1x4x2500xi32, #tpu.memory_space<hbm>>
      %dma_start3A_56 = tpu.memref_squeeze %dma_start3A_55 : memref<1x4x2500xi32, #tpu.memory_space<hbm>> -> memref<4x2500xi32, #tpu.memory_space<hbm>>
      tpu.enqueue_dma source(%dma_start3A_56 : memref<4x2500xi32, #tpu.memory_space<hbm>>) target(%arg7 : memref<4x2500xi32, #tpu.memory_space<vmem>>) target_semaphore(%run_scoped3A : memref<!tpu.dma_semaphore, #tpu.memory_space<semaphore_mem>>)
      %dma_wait3A_57 = arith.constant 0 : i32
      %dma_wait3A_58 = arith.constant 0 : i32
      %dma_wait3A_59 = tpu.memref_slice %arg4[%add3A, %dma_wait3A_57, %dma_wait3A_58] : memref<32x4x2500xi32, #tpu.memory_space<hbm>> -> memref<1x4x2500xi32, #tpu.memory_space<hbm>>
      %dma_wait3A_60 = tpu.memref_squeeze %dma_wait3A_59 : memref<1x4x2500xi32, #tpu.memory_space<hbm>> -> memref<4x2500xi32, #tpu.memory_space<hbm>>
      %dma_wait3A_61 = arith.constant 0 : i32
      %dma_wait3A_62 = arith.constant 0 : i32
      %dma_wait3A_63 = tpu.memref_slice %arg4[%add3A, %dma_wait3A_61, %dma_wait3A_62] : memref<32x4x2500xi32, #tpu.memory_space<hbm>> -> memref<1x4x2500xi32, #tpu.memory_space<hbm>>
      %dma_wait3A_64 = tpu.memref_squeeze %dma_wait3A_63 : memref<1x4x2500xi32, #tpu.memory_space<hbm>> -> memref<4x2500xi32, #tpu.memory_space<hbm>>
      tpu.wait_dma2 semaphore(%run_scoped3A : memref<!tpu.dma_semaphore, #tpu.memory_space<semaphore_mem>>) src(%dma_wait3A_64 : memref<4x2500xi32, #tpu.memory_space<hbm>>) dst(%arg7 : memref<4x2500xi32, #tpu.memory_space<vmem>>)
      tpu.yield
    }) : () -> ()
    %scan3A = arith.constant 0 : i32
    %scan3A_1 = arith.constant 0 : i32
    %scan3A_2 = arith.constant 0 : i32
    %scan3A_3 = arith.addi %scan3A_1, %scan3A_2 : i32
    %scan3A_4 = arith.constant 0 : i32
    %mul3A_5 = arith.constant 640 : i32
    %mul3A_6 = arith.muli %arg1, %mul3A_5 : i32
    %add3A_7 = arith.constant 0 : i32
    %add3A_8 = arith.addi %mul3A_6, %add3A_7 : i32
    "tpu.region"() ({
      %run_scoped3A = tpu.sem_alloc : memref<!tpu.dma_semaphore, #tpu.memory_space<semaphore_mem>>
      %dma_start3A_49 = arith.constant 0 : i32
      %dma_start3A_50 = tpu.memref_slice %arg10[%add3A_8, %dma_start3A_49] : memref<10240x16xbf16, #tpu.memory_space<vmem_shared>> -> memref<128x16xbf16, #tpu.memory_space<vmem_shared>>
      %dma_start3A_51 = arith.constant 0 : i32
      %dma_start3A_52 = tpu.memref_slice %arg10[%add3A_8, %dma_start3A_51] : memref<10240x16xbf16, #tpu.memory_space<vmem_shared>> -> memref<128x16xbf16, #tpu.memory_space<vmem_shared>>
      tpu.enqueue_dma source(%arg9 : memref<128x16xbf16, #tpu.memory_space<vmem>>) target(%dma_start3A_52 : memref<128x16xbf16, #tpu.memory_space<vmem_shared>>) target_semaphore(%run_scoped3A : memref<!tpu.dma_semaphore, #tpu.memory_space<semaphore_mem>>)
      %dma_wait3A_53 = arith.constant 0 : i32
      %dma_wait3A_54 = tpu.memref_slice %arg10[%add3A_8, %dma_wait3A_53] : memref<10240x16xbf16, #tpu.memory_space<vmem_shared>> -> memref<128x16xbf16, #tpu.memory_space<vmem_shared>>
      %dma_wait3A_55 = arith.constant 0 : i32
      %dma_wait3A_56 = tpu.memref_slice %arg10[%add3A_8, %dma_wait3A_55] : memref<10240x16xbf16, #tpu.memory_space<vmem_shared>> -> memref<128x16xbf16, #tpu.memory_space<vmem_shared>>
      tpu.wait_dma2 semaphore(%run_scoped3A : memref<!tpu.dma_semaphore, #tpu.memory_space<semaphore_mem>>) src(%arg9 : memref<128x16xbf16, #tpu.memory_space<vmem>>) dst(%dma_wait3A_56 : memref<128x16xbf16, #tpu.memory_space<vmem_shared>>)
      tpu.yield
    }) : () -> ()
    %add3A_9 = arith.constant 128 : i32
    %add3A_10 = arith.addi %mul3A_6, %add3A_9 : i32
    "tpu.region"() ({
      %run_scoped3A = tpu.sem_alloc : memref<!tpu.dma_semaphore, #tpu.memory_space<semaphore_mem>>
      %dma_start3A_49 = arith.constant 0 : i32
      %dma_start3A_50 = tpu.memref_slice %arg10[%add3A_10, %dma_start3A_49] : memref<10240x16xbf16, #tpu.memory_space<vmem_shared>> -> memref<128x16xbf16, #tpu.memory_space<vmem_shared>>
      %dma_start3A_51 = arith.constant 0 : i32
      %dma_start3A_52 = tpu.memref_slice %arg10[%add3A_10, %dma_start3A_51] : memref<10240x16xbf16, #tpu.memory_space<vmem_shared>> -> memref<128x16xbf16, #tpu.memory_space<vmem_shared>>
      tpu.enqueue_dma source(%arg9 : memref<128x16xbf16, #tpu.memory_space<vmem>>) target(%dma_start3A_52 : memref<128x16xbf16, #tpu.memory_space<vmem_shared>>) target_semaphore(%run_scoped3A : memref<!tpu.dma_semaphore, #tpu.memory_space<semaphore_mem>>)
      %dma_wait3A_53 = arith.constant 0 : i32
      %dma_wait3A_54 = tpu.memref_slice %arg10[%add3A_10, %dma_wait3A_53] : memref<10240x16xbf16, #tpu.memory_space<vmem_shared>> -> memref<128x16xbf16, #tpu.memory_space<vmem_shared>>
      %dma_wait3A_55 = arith.constant 0 : i32
      %dma_wait3A_56 = tpu.memref_slice %arg10[%add3A_10, %dma_wait3A_55] : memref<10240x16xbf16, #tpu.memory_space<vmem_shared>> -> memref<128x16xbf16, #tpu.memory_space<vmem_shared>>
      tpu.wait_dma2 semaphore(%run_scoped3A : memref<!tpu.dma_semaphore, #tpu.memory_space<semaphore_mem>>) src(%arg9 : memref<128x16xbf16, #tpu.memory_space<vmem>>) dst(%dma_wait3A_56 : memref<128x16xbf16, #tpu.memory_space<vmem_shared>>)
      tpu.yield
    }) : () -> ()
    %add3A_11 = arith.constant 256 : i32
    %add3A_12 = arith.addi %mul3A_6, %add3A_11 : i32
    "tpu.region"() ({
      %run_scoped3A = tpu.sem_alloc : memref<!tpu.dma_semaphore, #tpu.memory_space<semaphore_mem>>
      %dma_start3A_49 = arith.constant 0 : i32
      %dma_start3A_50 = tpu.memref_slice %arg10[%add3A_12, %dma_start3A_49] : memref<10240x16xbf16, #tpu.memory_space<vmem_shared>> -> memref<128x16xbf16, #tpu.memory_space<vmem_shared>>
      %dma_start3A_51 = arith.constant 0 : i32
      %dma_start3A_52 = tpu.memref_slice %arg10[%add3A_12, %dma_start3A_51] : memref<10240x16xbf16, #tpu.memory_space<vmem_shared>> -> memref<128x16xbf16, #tpu.memory_space<vmem_shared>>
      tpu.enqueue_dma source(%arg9 : memref<128x16xbf16, #tpu.memory_space<vmem>>) target(%dma_start3A_52 : memref<128x16xbf16, #tpu.memory_space<vmem_shared>>) target_semaphore(%run_scoped3A : memref<!tpu.dma_semaphore, #tpu.memory_space<semaphore_mem>>)
      %dma_wait3A_53 = arith.constant 0 : i32
      %dma_wait3A_54 = tpu.memref_slice %arg10[%add3A_12, %dma_wait3A_53] : memref<10240x16xbf16, #tpu.memory_space<vmem_shared>> -> memref<128x16xbf16, #tpu.memory_space<vmem_shared>>
      %dma_wait3A_55 = arith.constant 0 : i32
      %dma_wait3A_56 = tpu.memref_slice %arg10[%add3A_12, %dma_wait3A_55] : memref<10240x16xbf16, #tpu.memory_space<vmem_shared>> -> memref<128x16xbf16, #tpu.memory_space<vmem_shared>>
      tpu.wait_dma2 semaphore(%run_scoped3A : memref<!tpu.dma_semaphore, #tpu.memory_space<semaphore_mem>>) src(%arg9 : memref<128x16xbf16, #tpu.memory_space<vmem>>) dst(%dma_wait3A_56 : memref<128x16xbf16, #tpu.memory_space<vmem_shared>>)
      tpu.yield
    }) : () -> ()
    %add3A_13 = arith.constant 384 : i32
    %add3A_14 = arith.addi %mul3A_6, %add3A_13 : i32
    "tpu.region"() ({
      %run_scoped3A = tpu.sem_alloc : memref<!tpu.dma_semaphore, #tpu.memory_space<semaphore_mem>>
      %dma_start3A_49 = arith.constant 0 : i32
      %dma_start3A_50 = tpu.memref_slice %arg10[%add3A_14, %dma_start3A_49] : memref<10240x16xbf16, #tpu.memory_space<vmem_shared>> -> memref<128x16xbf16, #tpu.memory_space<vmem_shared>>
      %dma_start3A_51 = arith.constant 0 : i32
      %dma_start3A_52 = tpu.memref_slice %arg10[%add3A_14, %dma_start3A_51] : memref<10240x16xbf16, #tpu.memory_space<vmem_shared>> -> memref<128x16xbf16, #tpu.memory_space<vmem_shared>>
      tpu.enqueue_dma source(%arg9 : memref<128x16xbf16, #tpu.memory_space<vmem>>) target(%dma_start3A_52 : memref<128x16xbf16, #tpu.memory_space<vmem_shared>>) target_semaphore(%run_scoped3A : memref<!tpu.dma_semaphore, #tpu.memory_space<semaphore_mem>>)
      %dma_wait3A_53 = arith.constant 0 : i32
      %dma_wait3A_54 = tpu.memref_slice %arg10[%add3A_14, %dma_wait3A_53] : memref<10240x16xbf16, #tpu.memory_space<vmem_shared>> -> memref<128x16xbf16, #tpu.memory_space<vmem_shared>>
      %dma_wait3A_55 = arith.constant 0 : i32
      %dma_wait3A_56 = tpu.memref_slice %arg10[%add3A_14, %dma_wait3A_55] : memref<10240x16xbf16, #tpu.memory_space<vmem_shared>> -> memref<128x16xbf16, #tpu.memory_space<vmem_shared>>
      tpu.wait_dma2 semaphore(%run_scoped3A : memref<!tpu.dma_semaphore, #tpu.memory_space<semaphore_mem>>) src(%arg9 : memref<128x16xbf16, #tpu.memory_space<vmem>>) dst(%dma_wait3A_56 : memref<128x16xbf16, #tpu.memory_space<vmem_shared>>)
      tpu.yield
    }) : () -> ()
    %add3A_15 = arith.constant 512 : i32
    %add3A_16 = arith.addi %mul3A_6, %add3A_15 : i32
    "tpu.region"() ({
      %run_scoped3A = tpu.sem_alloc : memref<!tpu.dma_semaphore, #tpu.memory_space<semaphore_mem>>
      %dma_start3A_49 = arith.constant 0 : i32
      %dma_start3A_50 = tpu.memref_slice %arg10[%add3A_16, %dma_start3A_49] : memref<10240x16xbf16, #tpu.memory_space<vmem_shared>> -> memref<128x16xbf16, #tpu.memory_space<vmem_shared>>
      %dma_start3A_51 = arith.constant 0 : i32
      %dma_start3A_52 = tpu.memref_slice %arg10[%add3A_16, %dma_start3A_51] : memref<10240x16xbf16, #tpu.memory_space<vmem_shared>> -> memref<128x16xbf16, #tpu.memory_space<vmem_shared>>
      tpu.enqueue_dma source(%arg9 : memref<128x16xbf16, #tpu.memory_space<vmem>>) target(%dma_start3A_52 : memref<128x16xbf16, #tpu.memory_space<vmem_shared>>) target_semaphore(%run_scoped3A : memref<!tpu.dma_semaphore, #tpu.memory_space<semaphore_mem>>)
      %dma_wait3A_53 = arith.constant 0 : i32
      %dma_wait3A_54 = tpu.memref_slice %arg10[%add3A_16, %dma_wait3A_53] : memref<10240x16xbf16, #tpu.memory_space<vmem_shared>> -> memref<128x16xbf16, #tpu.memory_space<vmem_shared>>
      %dma_wait3A_55 = arith.constant 0 : i32
      %dma_wait3A_56 = tpu.memref_slice %arg10[%add3A_16, %dma_wait3A_55] : memref<10240x16xbf16, #tpu.memory_space<vmem_shared>> -> memref<128x16xbf16, #tpu.memory_space<vmem_shared>>
      tpu.wait_dma2 semaphore(%run_scoped3A : memref<!tpu.dma_semaphore, #tpu.memory_space<semaphore_mem>>) src(%arg9 : memref<128x16xbf16, #tpu.memory_space<vmem>>) dst(%dma_wait3A_56 : memref<128x16xbf16, #tpu.memory_space<vmem_shared>>)
      tpu.yield
    }) : () -> ()
    %barrier3A = arith.constant 0 : index
    tpu.barrier barrier_id(%barrier3A)
    %dma_start3A = arith.constant 0 : i32
    %dma_start3A_17 = arith.constant 0 : i32
    %dma_start3A_18 = arith.constant 0 : i32
    %dma_start3A_19 = arith.constant 0 : i32
    %dma_start3A_20 = tpu.memref_slice %arg8[%dma_start3A_17, %dma_start3A_18, %dma_start3A_19] : memref<2x2500x16xbf16, #tpu.memory_space<vmem>> -> memref<1x2500x16xbf16, #tpu.memory_space<vmem>>
    %dma_start3A_21 = tpu.memref_squeeze %dma_start3A_20 : memref<1x2500x16xbf16, #tpu.memory_space<vmem>> -> memref<2500x16xbf16, #tpu.memory_space<vmem>>
    %dma_start3A_22 = arith.constant 0 : i32
    %dma_start3A_23 = tpu.memref_slice %arg6[%dma_start3A, %dma_start3A_22] : memref<4x2500xi32, #tpu.memory_space<vmem>> -> memref<1x2500xi32, #tpu.memory_space<vmem>>
    %dma_start3A_24 = tpu.memref_squeeze %dma_start3A_23 : memref<1x2500xi32, #tpu.memory_space<vmem>> -> memref<2500xi32, #tpu.memory_space<vmem>>
    %dma_start3A_25 = arith.constant 0 : i32
    %dma_start3A_26 = arith.constant 0 : i32
    %dma_start3A_27 = tpu.memref_slice %arg2[%dma_start3A_25, %dma_start3A_26] : memref<10000x16xbf16, #tpu.memory_space<hbm>> -> memref<10000x16xbf16, #tpu.memory_space<hbm>>
    tpu.enqueue_indirect_dma source(%dma_start3A_27 : memref<10000x16xbf16, #tpu.memory_space<hbm>>) target(%dma_start3A_21 : memref<2500x16xbf16, #tpu.memory_space<vmem>>) offsets(%dma_start3A_24 : memref<2500xi32, #tpu.memory_space<vmem>>) semaphore(%arg11 : memref<!tpu.dma_semaphore, #tpu.memory_space<semaphore_mem>>)
    %scan3A_28 = arith.constant 0 : i32
    %scan3A_29 = arith.constant 0 : i32
    %scan3A_30 = arith.constant 4 : i32
    %scan3A_31 = arith.addi %scan3A_29, %scan3A_30 : i32
    %scan3A_32 = arith.constant 1 : i32
    scf.for %scan3A_49 = %scan3A_29 to %scan3A_31 step %scan3A_32  : i32 {
      %jit3A = arith.constant 2 : i32
      %eq3A = arith.constant 0 : i32
      %eq3A_50 = arith.cmpi eq, %jit3A, %eq3A : i32
      %jit3A_51 = arith.constant 1 : i32
      %select_n3A = arith.select %eq3A_50, %jit3A_51, %jit3A : i32
      %rem3A = arith.remsi %scan3A_49, %select_n3A : i32
      %ne3A = arith.constant 0 : i32
      %ne3A_52 = arith.cmpi ne, %rem3A, %ne3A : i32
      %lt3A = arith.constant 0 : i32
      %lt3A_53 = arith.cmpi slt, %rem3A, %lt3A : i32
      %lt3A_54 = arith.constant 0 : i32
      %lt3A_55 = arith.cmpi slt, %select_n3A, %lt3A_54 : i32
      %ne3A_56 = arith.xori %lt3A_53, %lt3A_55 : i1
      %and3A = arith.andi %ne3A_56, %ne3A_52 : i1
      %add3A_57 = arith.addi %rem3A, %select_n3A : i32
      %select_n3A_58 = arith.select %and3A, %add3A_57, %rem3A : i32
      %dma_wait3A_59 = arith.constant 0 : i32
      %dma_wait3A_60 = arith.constant 0 : i32
      %dma_wait3A_61 = tpu.memref_slice %arg8[%select_n3A_58, %dma_wait3A_59, %dma_wait3A_60] : memref<2x2500x16xbf16, #tpu.memory_space<vmem>> -> memref<1x2500x16xbf16, #tpu.memory_space<vmem>>
      %dma_wait3A_62 = tpu.memref_squeeze %dma_wait3A_61 : memref<1x2500x16xbf16, #tpu.memory_space<vmem>> -> memref<2500x16xbf16, #tpu.memory_space<vmem>>
      %dma_wait3A_63 = arith.constant 0 : i32
      %dma_wait3A_64 = tpu.memref_slice %arg6[%scan3A_49, %dma_wait3A_63] : memref<4x2500xi32, #tpu.memory_space<vmem>> -> memref<1x2500xi32, #tpu.memory_space<vmem>>
      %dma_wait3A_65 = tpu.memref_squeeze %dma_wait3A_64 : memref<1x2500xi32, #tpu.memory_space<vmem>> -> memref<2500xi32, #tpu.memory_space<vmem>>
      %dma_wait3A_66 = arith.constant 0 : i32
      %dma_wait3A_67 = arith.constant 0 : i32
      %dma_wait3A_68 = tpu.memref_slice %arg2[%dma_wait3A_66, %dma_wait3A_67] : memref<10000x16xbf16, #tpu.memory_space<hbm>> -> memref<10000x16xbf16, #tpu.memory_space<hbm>>
      tpu.wait_indirect_dma semaphore(%arg11 : memref<!tpu.dma_semaphore, #tpu.memory_space<semaphore_mem>>) src(%dma_wait3A_68 : memref<10000x16xbf16, #tpu.memory_space<hbm>>) dst(%dma_wait3A_62 : memref<2500x16xbf16, #tpu.memory_space<vmem>>)
      %dma_start3A_69 = arith.constant 0 : i32
      %dma_start3A_70 = arith.constant 0 : i32
      %dma_start3A_71 = tpu.memref_slice %arg8[%select_n3A_58, %dma_start3A_69, %dma_start3A_70] : memref<2x2500x16xbf16, #tpu.memory_space<vmem>> -> memref<1x2500x16xbf16, #tpu.memory_space<vmem>>
      %dma_start3A_72 = tpu.memref_squeeze %dma_start3A_71 : memref<1x2500x16xbf16, #tpu.memory_space<vmem>> -> memref<2500x16xbf16, #tpu.memory_space<vmem>>
      %dma_start3A_73 = arith.constant 0 : i32
      %dma_start3A_74 = tpu.memref_slice %arg7[%scan3A_49, %dma_start3A_73] : memref<4x2500xi32, #tpu.memory_space<vmem>> -> memref<1x2500xi32, #tpu.memory_space<vmem>>
      %dma_start3A_75 = tpu.memref_squeeze %dma_start3A_74 : memref<1x2500xi32, #tpu.memory_space<vmem>> -> memref<2500xi32, #tpu.memory_space<vmem>>
      %dma_start3A_76 = arith.constant 0 : i32
      %dma_start3A_77 = arith.constant 0 : i32
      %dma_start3A_78 = tpu.memref_slice %arg10[%dma_start3A_76, %dma_start3A_77] : memref<10240x16xbf16, #tpu.memory_space<vmem_shared>> -> memref<10240x16xbf16, #tpu.memory_space<vmem_shared>>
      tpu.enqueue_indirect_dma source(%dma_start3A_72 : memref<2500x16xbf16, #tpu.memory_space<vmem>>) target(%dma_start3A_78 : memref<10240x16xbf16, #tpu.memory_space<vmem_shared>>) offsets(%dma_start3A_75 : memref<2500xi32, #tpu.memory_space<vmem>>) semaphore(%arg12 : memref<!tpu.dma_semaphore, #tpu.memory_space<semaphore_mem>>) {add = true}
      %ge3A = arith.constant 1 : i32
      %ge3A_79 = arith.cmpi sge, %scan3A_49, %ge3A : i32
      %convert_element_type3A = arith.extui %ge3A_79 : i1 to i32
      %cond3A = arith.constant 0 : i32
      %cond3A_80 = arith.cmpi ne, %convert_element_type3A, %cond3A : i32
      scf.if %cond3A_80 {
        %sub3A = arith.constant 1 : i32
        %sub3A_88 = arith.subi %sub3A, %select_n3A_58 : i32
        %sub3A_89 = arith.constant 1 : i32
        %sub3A_90 = arith.subi %scan3A_49, %sub3A_89 : i32
        %dma_wait3A_91 = arith.constant 0 : i32
        %dma_wait3A_92 = arith.constant 0 : i32
        %dma_wait3A_93 = tpu.memref_slice %arg8[%sub3A_88, %dma_wait3A_91, %dma_wait3A_92] : memref<2x2500x16xbf16, #tpu.memory_space<vmem>> -> memref<1x2500x16xbf16, #tpu.memory_space<vmem>>
        %dma_wait3A_94 = tpu.memref_squeeze %dma_wait3A_93 : memref<1x2500x16xbf16, #tpu.memory_space<vmem>> -> memref<2500x16xbf16, #tpu.memory_space<vmem>>
        %dma_wait3A_95 = arith.constant 0 : i32
        %dma_wait3A_96 = tpu.memref_slice %arg7[%sub3A_90, %dma_wait3A_95] : memref<4x2500xi32, #tpu.memory_space<vmem>> -> memref<1x2500xi32, #tpu.memory_space<vmem>>
        %dma_wait3A_97 = tpu.memref_squeeze %dma_wait3A_96 : memref<1x2500xi32, #tpu.memory_space<vmem>> -> memref<2500xi32, #tpu.memory_space<vmem>>
        %dma_wait3A_98 = arith.constant 0 : i32
        %dma_wait3A_99 = arith.constant 0 : i32
        %dma_wait3A_100 = tpu.memref_slice %arg10[%dma_wait3A_98, %dma_wait3A_99] : memref<10240x16xbf16, #tpu.memory_space<vmem_shared>> -> memref<10240x16xbf16, #tpu.memory_space<vmem_shared>>
        tpu.wait_indirect_dma semaphore(%arg12 : memref<!tpu.dma_semaphore, #tpu.memory_space<semaphore_mem>>) src(%dma_wait3A_94 : memref<2500x16xbf16, #tpu.memory_space<vmem>>) dst(%dma_wait3A_100 : memref<10240x16xbf16, #tpu.memory_space<vmem_shared>>)
      } else {
      }
      %add3A_81 = arith.constant 1 : i32
      %add3A_82 = arith.addi %scan3A_49, %add3A_81 : i32
      %lt3A_83 = arith.constant 4 : i32
      %lt3A_84 = arith.cmpi slt, %add3A_82, %lt3A_83 : i32
      %convert_element_type3A_85 = arith.extui %lt3A_84 : i1 to i32
      %cond3A_86 = arith.constant 0 : i32
      %cond3A_87 = arith.cmpi ne, %convert_element_type3A_85, %cond3A_86 : i32
      scf.if %cond3A_87 {
        %add3A_88 = arith.constant 1 : i32
        %add3A_89 = arith.addi %scan3A_49, %add3A_88 : i32
        %sub3A = arith.constant 1 : i32
        %sub3A_90 = arith.subi %sub3A, %select_n3A_58 : i32
        %dma_start3A_91 = arith.constant 0 : i32
        %dma_start3A_92 = arith.constant 0 : i32
        %dma_start3A_93 = tpu.memref_slice %arg8[%sub3A_90, %dma_start3A_91, %dma_start3A_92] : memref<2x2500x16xbf16, #tpu.memory_space<vmem>> -> memref<1x2500x16xbf16, #tpu.memory_space<vmem>>
        %dma_start3A_94 = tpu.memref_squeeze %dma_start3A_93 : memref<1x2500x16xbf16, #tpu.memory_space<vmem>> -> memref<2500x16xbf16, #tpu.memory_space<vmem>>
        %dma_start3A_95 = arith.constant 0 : i32
        %dma_start3A_96 = tpu.memref_slice %arg6[%add3A_89, %dma_start3A_95] : memref<4x2500xi32, #tpu.memory_space<vmem>> -> memref<1x2500xi32, #tpu.memory_space<vmem>>
        %dma_start3A_97 = tpu.memref_squeeze %dma_start3A_96 : memref<1x2500xi32, #tpu.memory_space<vmem>> -> memref<2500xi32, #tpu.memory_space<vmem>>
        %dma_start3A_98 = arith.constant 0 : i32
        %dma_start3A_99 = arith.constant 0 : i32
        %dma_start3A_100 = tpu.memref_slice %arg2[%dma_start3A_98, %dma_start3A_99] : memref<10000x16xbf16, #tpu.memory_space<hbm>> -> memref<10000x16xbf16, #tpu.memory_space<hbm>>
        tpu.enqueue_indirect_dma source(%dma_start3A_100 : memref<10000x16xbf16, #tpu.memory_space<hbm>>) target(%dma_start3A_94 : memref<2500x16xbf16, #tpu.memory_space<vmem>>) offsets(%dma_start3A_97 : memref<2500xi32, #tpu.memory_space<vmem>>) semaphore(%arg11 : memref<!tpu.dma_semaphore, #tpu.memory_space<semaphore_mem>>)
      } else {
      }
    }
    %scan3A_33 = arith.constant 4 : i32
    %dma_wait3A = arith.constant 1 : i32
    %dma_wait3A_34 = arith.constant 3 : i32
    %dma_wait3A_35 = arith.constant 0 : i32
    %dma_wait3A_36 = arith.constant 0 : i32
    %dma_wait3A_37 = tpu.memref_slice %arg8[%dma_wait3A, %dma_wait3A_35, %dma_wait3A_36] : memref<2x2500x16xbf16, #tpu.memory_space<vmem>> -> memref<1x2500x16xbf16, #tpu.memory_space<vmem>>
    %dma_wait3A_38 = tpu.memref_squeeze %dma_wait3A_37 : memref<1x2500x16xbf16, #tpu.memory_space<vmem>> -> memref<2500x16xbf16, #tpu.memory_space<vmem>>
    %dma_wait3A_39 = arith.constant 0 : i32
    %dma_wait3A_40 = tpu.memref_slice %arg7[%dma_wait3A_34, %dma_wait3A_39] : memref<4x2500xi32, #tpu.memory_space<vmem>> -> memref<1x2500xi32, #tpu.memory_space<vmem>>
    %dma_wait3A_41 = tpu.memref_squeeze %dma_wait3A_40 : memref<1x2500xi32, #tpu.memory_space<vmem>> -> memref<2500xi32, #tpu.memory_space<vmem>>
    %dma_wait3A_42 = arith.constant 0 : i32
    %dma_wait3A_43 = arith.constant 0 : i32
    %dma_wait3A_44 = tpu.memref_slice %arg10[%dma_wait3A_42, %dma_wait3A_43] : memref<10240x16xbf16, #tpu.memory_space<vmem_shared>> -> memref<10240x16xbf16, #tpu.memory_space<vmem_shared>>
    tpu.wait_indirect_dma semaphore(%arg12 : memref<!tpu.dma_semaphore, #tpu.memory_space<semaphore_mem>>) src(%dma_wait3A_38 : memref<2500x16xbf16, #tpu.memory_space<vmem>>) dst(%dma_wait3A_44 : memref<10240x16xbf16, #tpu.memory_space<vmem_shared>>)
    %barrier3A_45 = arith.constant 0 : index
    tpu.barrier barrier_id(%barrier3A_45)
    %mul3A_46 = arith.constant 10240 : i32
    %mul3A_47 = arith.muli %arg0, %mul3A_46 : i32
    %add3A_48 = arith.addi %mul3A_47, %mul3A_6 : i32
    "tpu.region"() ({
      %run_scoped3A = tpu.sem_alloc : memref<!tpu.dma_semaphore, #tpu.memory_space<semaphore_mem>>
      %dma_start3A_49 = arith.constant 0 : i32
      %dma_start3A_50 = tpu.memref_slice %arg5[%add3A_48, %dma_start3A_49] : memref<20480x16xbf16, #tpu.memory_space<hbm>> -> memref<640x16xbf16, #tpu.memory_space<hbm>>
      %dma_start3A_51 = arith.constant 0 : i32
      %dma_start3A_52 = tpu.memref_slice %arg10[%mul3A_6, %dma_start3A_51] : memref<10240x16xbf16, #tpu.memory_space<vmem_shared>> -> memref<640x16xbf16, #tpu.memory_space<vmem_shared>>
      tpu.enqueue_dma source(%dma_start3A_52 : memref<640x16xbf16, #tpu.memory_space<vmem_shared>>) target(%dma_start3A_50 : memref<640x16xbf16, #tpu.memory_space<hbm>>) target_semaphore(%run_scoped3A : memref<!tpu.dma_semaphore, #tpu.memory_space<semaphore_mem>>)
      %dma_wait3A_53 = arith.constant 0 : i32
      %dma_wait3A_54 = tpu.memref_slice %arg5[%add3A_48, %dma_wait3A_53] : memref<20480x16xbf16, #tpu.memory_space<hbm>> -> memref<640x16xbf16, #tpu.memory_space<hbm>>
      %dma_wait3A_55 = arith.constant 0 : i32
      %dma_wait3A_56 = tpu.memref_slice %arg10[%mul3A_6, %dma_wait3A_55] : memref<10240x16xbf16, #tpu.memory_space<vmem_shared>> -> memref<640x16xbf16, #tpu.memory_space<vmem_shared>>
      tpu.wait_dma2 semaphore(%run_scoped3A : memref<!tpu.dma_semaphore, #tpu.memory_space<semaphore_mem>>) src(%dma_wait3A_56 : memref<640x16xbf16, #tpu.memory_space<vmem_shared>>) dst(%dma_wait3A_54 : memref<640x16xbf16, #tpu.memory_space<hbm>>)
      tpu.yield
    }) : () -> ()
    return
  }
}

module attributes {stable_mosaic.version = 14 : i64} {
  func.func @_norms_body(%arg0: memref<20480x16xf32, #tpu.memory_space<vmem>>, %arg1: memref<20480x16xf32, #tpu.memory_space<vmem>>, %arg2: memref<10000x128xf32, #tpu.memory_space<vmem>>, %arg3: memref<10000x1xf32, #tpu.memory_space<vmem>>, %arg4: memref<10000x1xf32, #tpu.memory_space<vmem>>, %arg5: memref<2x10000x64xbf16, #tpu.memory_space<vmem>>) attributes {dimension_semantics = [], scalar_prefetch = 0 : i64, scratch_operands = 0 : i64, tpu.core_type = #tpu.core_type<tc>} {
    %get3A = arith.constant 0 : index
    %get3A_0 = arith.constant 0 : index
    %get3A_1 = vector.load %arg0[%get3A, %get3A_0] : memref<20480x16xf32, #tpu.memory_space<vmem>>, vector<20480x16xf32>
    %get3A_2 = arith.constant 0 : index
    %get3A_3 = arith.constant 0 : index
    %get3A_4 = vector.load %arg1[%get3A_2, %get3A_3] : memref<20480x16xf32, #tpu.memory_space<vmem>>, vector<20480x16xf32>
    %slice3A = vector.extract_strided_slice %get3A_1 {offsets = [0, 0], sizes = [10000, 16], strides = [1, 1]} : vector<20480x16xf32> to vector<10000x16xf32>
    %slice3A_5 = vector.extract_strided_slice %get3A_1 {offsets = [10240, 0], sizes = [10000, 16], strides = [1, 1]} : vector<20480x16xf32> to vector<10000x16xf32>
    %add3A = arith.addf %slice3A, %slice3A_5 : vector<10000x16xf32>
    %reduce_sum3A = arith.constant dense<0.000000e+00> : vector<10000xf32>
    %reduce_sum3A_6 = vector.multi_reduction <add>, %add3A, %reduce_sum3A [1] : vector<10000x16xf32> to vector<10000xf32>
    %broadcast_in_dim3A = vector.shape_cast %reduce_sum3A_6 : vector<10000xf32> to vector<10000x1xf32>
    %mul3A = arith.constant 6.250000e-02 : f32
    %mul3A_7 = vector.broadcast %mul3A : f32 to vector<10000x1xf32>
    %mul3A_8 = arith.mulf %broadcast_in_dim3A, %mul3A_7 : vector<10000x1xf32>
    %slice3A_9 = vector.extract_strided_slice %get3A_4 {offsets = [0, 0], sizes = [10000, 16], strides = [1, 1]} : vector<20480x16xf32> to vector<10000x16xf32>
    %slice3A_10 = vector.extract_strided_slice %get3A_4 {offsets = [10240, 0], sizes = [10000, 16], strides = [1, 1]} : vector<20480x16xf32> to vector<10000x16xf32>
    %add3A_11 = arith.addf %slice3A_9, %slice3A_10 : vector<10000x16xf32>
    %reduce_sum3A_12 = arith.constant dense<0.000000e+00> : vector<10000xf32>
    %reduce_sum3A_13 = vector.multi_reduction <add>, %add3A_11, %reduce_sum3A_12 [1] : vector<10000x16xf32> to vector<10000xf32>
    %broadcast_in_dim3A_14 = vector.shape_cast %reduce_sum3A_13 : vector<10000xf32> to vector<10000x1xf32>
    %mul3A_15 = arith.constant 6.250000e-02 : f32
    %mul3A_16 = vector.broadcast %mul3A_15 : f32 to vector<10000x1xf32>
    %mul3A_17 = arith.mulf %broadcast_in_dim3A_14, %mul3A_16 : vector<10000x1xf32>
    %max3A = arith.constant 1.000000e+00 : f32
    %max3A_18 = vector.broadcast %max3A : f32 to vector<10000x1xf32>
    %max3A_19 = arith.maximumf %mul3A_8, %max3A_18 : vector<10000x1xf32>
    %rsqrt3A = math.rsqrt %max3A_19 : vector<10000x1xf32>
    %max3A_20 = arith.constant 1.000000e+00 : f32
    %max3A_21 = vector.broadcast %max3A_20 : f32 to vector<10000x1xf32>
    %max3A_22 = arith.maximumf %mul3A_17, %max3A_21 : vector<10000x1xf32>
    %rsqrt3A_23 = math.rsqrt %max3A_22 : vector<10000x1xf32>
    %swap3A = arith.constant 0 : index
    %swap3A_24 = arith.constant 0 : index
    %swap3A_25 = vector.load %arg3[%swap3A, %swap3A_24] : memref<10000x1xf32, #tpu.memory_space<vmem>>, vector<10000x1xf32>
    tpu.vector_store %arg3[%swap3A, %swap3A_24], %rsqrt3A {strides = array<i32>} : memref<10000x1xf32, #tpu.memory_space<vmem>>, vector<10000x1xf32>,
    %swap3A_26 = arith.constant 0 : index
    %swap3A_27 = arith.constant 0 : index
    %swap3A_28 = vector.load %arg4[%swap3A_26, %swap3A_27] : memref<10000x1xf32, #tpu.memory_space<vmem>>, vector<10000x1xf32>
    tpu.vector_store %arg4[%swap3A_26, %swap3A_27], %rsqrt3A_23 {strides = array<i32>} : memref<10000x1xf32, #tpu.memory_space<vmem>>, vector<10000x1xf32>,
    %get3A_29 = arith.constant 0 : index
    %get3A_30 = arith.constant 0 : index
    %get3A_31 = vector.load %arg2[%get3A_29, %get3A_30] : memref<10000x128xf32, #tpu.memory_space<vmem>>, vector<10000x128xf32>
    %mul3A_32 = vector.broadcast %rsqrt3A : vector<10000x1xf32> to vector<10000x128xf32>
    %mul3A_33 = arith.mulf %get3A_31, %mul3A_32 : vector<10000x128xf32>
    %convert_element_type3A = arith.truncf %mul3A_33 : vector<10000x128xf32> to vector<10000x128xbf16>
    %slice3A_34 = vector.extract_strided_slice %convert_element_type3A {offsets = [0, 0], sizes = [10000, 64], strides = [1, 1]} : vector<10000x128xbf16> to vector<10000x64xbf16>
    %swap3A_35 = arith.constant 0 : index
    %swap3A_36 = arith.constant 0 : index
    %swap3A_37 = arith.constant 0 : index
    %swap3A_38 = vector.load %arg5[%swap3A_35, %swap3A_36, %swap3A_37] : memref<2x10000x64xbf16, #tpu.memory_space<vmem>>, vector<1x10000x64xbf16>
    %swap3A_39 = vector.shape_cast %swap3A_38 : vector<1x10000x64xbf16> to vector<10000x64xbf16>
    %swap3A_40 = vector.shape_cast %slice3A_34 : vector<10000x64xbf16> to vector<1x10000x64xbf16>
    tpu.vector_store %arg5[%swap3A_35, %swap3A_36, %swap3A_37], %swap3A_40 {strides = array<i32>} : memref<2x10000x64xbf16, #tpu.memory_space<vmem>>, vector<1x10000x64xbf16>,
    %slice3A_41 = vector.extract_strided_slice %convert_element_type3A {offsets = [0, 64], sizes = [10000, 64], strides = [1, 1]} : vector<10000x128xbf16> to vector<10000x64xbf16>
    %swap3A_42 = arith.constant 1 : index
    %swap3A_43 = arith.constant 0 : index
    %swap3A_44 = arith.constant 0 : index
    %swap3A_45 = vector.load %arg5[%swap3A_42, %swap3A_43, %swap3A_44] : memref<2x10000x64xbf16, #tpu.memory_space<vmem>>, vector<1x10000x64xbf16>
    %swap3A_46 = vector.shape_cast %swap3A_45 : vector<1x10000x64xbf16> to vector<10000x64xbf16>
    %swap3A_47 = vector.shape_cast %slice3A_41 : vector<10000x64xbf16> to vector<1x10000x64xbf16>
    tpu.vector_store %arg5[%swap3A_42, %swap3A_43, %swap3A_44], %swap3A_47 {strides = array<i32>} : memref<2x10000x64xbf16, #tpu.memory_space<vmem>>, vector<1x10000x64xbf16>,
    return
  }
}

module attributes {stable_mosaic.version = 14 : i64} {
  func.func @_stage2_body(%arg0: memref<2x10240x64xbf16, #tpu.memory_space<vmem>>, %arg1: memref<10000x1xf32, #tpu.memory_space<vmem>>, %arg2: memref<10000x1xf32, #tpu.memory_space<vmem>>, %arg3: memref<128x128xf32, #tpu.memory_space<vmem>>, %arg4: memref<128xf32, #tpu.memory_space<vmem>>, %arg5: memref<128x32xf32, #tpu.memory_space<vmem>>, %arg6: memref<10000x32xbf16, #tpu.memory_space<vmem>>) attributes {dimension_semantics = [], scalar_prefetch = 0 : i64, scratch_operands = 0 : i64, tpu.core_type = #tpu.core_type<tc>} {
    %get3A = arith.constant 0 : index
    %get3A_0 = arith.constant 0 : index
    %get3A_1 = arith.constant 0 : index
    %get3A_2 = vector.load %arg0[%get3A, %get3A_0, %get3A_1] : memref<2x10240x64xbf16, #tpu.memory_space<vmem>>, vector<2x10240x64xbf16>
    %slice3A = vector.extract_strided_slice %get3A_2 {offsets = [0, 0, 0], sizes = [1, 10000, 64], strides = [1, 1, 1]} : vector<2x10240x64xbf16> to vector<1x10000x64xbf16>
    %squeeze3A = vector.shape_cast %slice3A : vector<1x10000x64xbf16> to vector<10000x64xbf16>
    %slice3A_3 = vector.extract_strided_slice %get3A_2 {offsets = [1, 0, 0], sizes = [1, 10000, 64], strides = [1, 1, 1]} : vector<2x10240x64xbf16> to vector<1x10000x64xbf16>
    %squeeze3A_4 = vector.shape_cast %slice3A_3 : vector<1x10000x64xbf16> to vector<10000x64xbf16>
    %concatenate3A = tpu.concatenate %squeeze3A, %squeeze3A_4 in 1 : vector<10000x64xbf16>, vector<10000x64xbf16> -> vector<10000x128xbf16>
    %convert_element_type3A = arith.extf %concatenate3A : vector<10000x128xbf16> to vector<10000x128xf32>
    %get3A_5 = arith.constant 0 : index
    %get3A_6 = arith.constant 0 : index
    %get3A_7 = vector.load %arg1[%get3A_5, %get3A_6] : memref<10000x1xf32, #tpu.memory_space<vmem>>, vector<10000x1xf32>
    %mul3A = vector.broadcast %get3A_7 : vector<10000x1xf32> to vector<10000x128xf32>
    %mul3A_8 = arith.mulf %convert_element_type3A, %mul3A : vector<10000x128xf32>
    %get3A_9 = arith.constant 0 : index
    %get3A_10 = arith.constant 0 : index
    %get3A_11 = vector.load %arg3[%get3A_9, %get3A_10] : memref<128x128xf32, #tpu.memory_space<vmem>>, vector<128x128xf32>
    %dot_general3A = arith.constant dense<0.000000e+00> : vector<10000x128xf32>
    %dot_general3A_12 = tpu.matmul %mul3A_8, %get3A_11, %dot_general3A {dimension_numbers = #tpu.dot_dimension_numbers<[1], [0], [0], [1], [0, 0, 1, 1], [], []>, transpose_lhs_hint = false} : vector<10000x128xf32>, vector<128x128xf32>, vector<10000x128xf32> -> vector<10000x128xf32>
    %get3A_13 = arith.constant 0 : index
    %get3A_14 = vector.load %arg4[%get3A_13] : memref<128xf32, #tpu.memory_space<vmem>>, vector<128xf32>
    %broadcast_in_dim3A = vector.shape_cast %get3A_14 : vector<128xf32> to vector<1x128xf32>
    %add3A = vector.broadcast %broadcast_in_dim3A : vector<1x128xf32> to vector<10000x128xf32>
    %add3A_15 = arith.addf %dot_general3A_12, %add3A : vector<10000x128xf32>
    %max3A = arith.constant 0.000000e+00 : f32
    %max3A_16 = vector.broadcast %max3A : f32 to vector<10000x128xf32>
    %max3A_17 = arith.maximumf %add3A_15, %max3A_16 : vector<10000x128xf32>
    %get3A_18 = arith.constant 0 : index
    %get3A_19 = arith.constant 0 : index
    %get3A_20 = vector.load %arg2[%get3A_18, %get3A_19] : memref<10000x1xf32, #tpu.memory_space<vmem>>, vector<10000x1xf32>
    %mul3A_21 = vector.broadcast %get3A_20 : vector<10000x1xf32> to vector<10000x128xf32>
    %mul3A_22 = arith.mulf %max3A_17, %mul3A_21 : vector<10000x128xf32>
    %get3A_23 = arith.constant 0 : index
    %get3A_24 = arith.constant 0 : index
    %get3A_25 = vector.load %arg5[%get3A_23, %get3A_24] : memref<128x32xf32, #tpu.memory_space<vmem>>, vector<128x32xf32>
    %dot_general3A_26 = arith.constant dense<0.000000e+00> : vector<10000x32xf32>
    %dot_general3A_27 = tpu.matmul %mul3A_22, %get3A_25, %dot_general3A_26 {dimension_numbers = #tpu.dot_dimension_numbers<[1], [0], [0], [1], [0, 0, 1, 1], [], []>, transpose_lhs_hint = false} : vector<10000x128xf32>, vector<128x32xf32>, vector<10000x32xf32> -> vector<10000x32xf32>
    %convert_element_type3A_28 = arith.truncf %dot_general3A_27 : vector<10000x32xf32> to vector<10000x32xbf16>
    %swap3A = arith.constant 0 : index
    %swap3A_29 = arith.constant 0 : index
    %swap3A_30 = vector.load %arg6[%swap3A, %swap3A_29] : memref<10000x32xbf16, #tpu.memory_space<vmem>>, vector<10000x32xbf16>
    tpu.vector_store %arg6[%swap3A, %swap3A_29], %convert_element_type3A_28 {strides = array<i32>} : memref<10000x32xbf16, #tpu.memory_space<vmem>>, vector<10000x32xbf16>,
    return
  }
}

module attributes {stable_mosaic.version = 14 : i64} {
  func.func @_stage3_body(%arg0: memref<20480x32xbf16, #tpu.memory_space<vmem>>, %arg1: memref<10000x1xf32, #tpu.memory_space<vmem>>, %arg2: memref<10000x1xf32, #tpu.memory_space<vmem>>, %arg3: memref<32xf32, #tpu.memory_space<vmem>>, %arg4: memref<32x16xf32, #tpu.memory_space<vmem>>, %arg5: memref<10000x16xbf16, #tpu.memory_space<vmem>>) attributes {dimension_semantics = [], scalar_prefetch = 0 : i64, scratch_operands = 0 : i64, tpu.core_type = #tpu.core_type<tc>} {
    %get3A = arith.constant 0 : index
    %get3A_0 = arith.constant 0 : index
    %get3A_1 = vector.load %arg0[%get3A, %get3A_0] : memref<20480x32xbf16, #tpu.memory_space<vmem>>, vector<20480x32xbf16>
    %convert_element_type3A = arith.extf %get3A_1 : vector<20480x32xbf16> to vector<20480x32xf32>
    %slice3A = vector.extract_strided_slice %convert_element_type3A {offsets = [0, 0], sizes = [10000, 32], strides = [1, 1]} : vector<20480x32xf32> to vector<10000x32xf32>
    %slice3A_2 = vector.extract_strided_slice %convert_element_type3A {offsets = [10240, 0], sizes = [10000, 32], strides = [1, 1]} : vector<20480x32xf32> to vector<10000x32xf32>
    %add3A = arith.addf %slice3A, %slice3A_2 : vector<10000x32xf32>
    %get3A_3 = arith.constant 0 : index
    %get3A_4 = arith.constant 0 : index
    %get3A_5 = vector.load %arg1[%get3A_3, %get3A_4] : memref<10000x1xf32, #tpu.memory_space<vmem>>, vector<10000x1xf32>
    %mul3A = vector.broadcast %get3A_5 : vector<10000x1xf32> to vector<10000x32xf32>
    %mul3A_6 = arith.mulf %add3A, %mul3A : vector<10000x32xf32>
    %get3A_7 = arith.constant 0 : index
    %get3A_8 = vector.load %arg3[%get3A_7] : memref<32xf32, #tpu.memory_space<vmem>>, vector<32xf32>
    %broadcast_in_dim3A = vector.shape_cast %get3A_8 : vector<32xf32> to vector<1x32xf32>
    %add3A_9 = vector.broadcast %broadcast_in_dim3A : vector<1x32xf32> to vector<10000x32xf32>
    %add3A_10 = arith.addf %mul3A_6, %add3A_9 : vector<10000x32xf32>
    %max3A = arith.constant 0.000000e+00 : f32
    %max3A_11 = vector.broadcast %max3A : f32 to vector<10000x32xf32>
    %max3A_12 = arith.maximumf %add3A_10, %max3A_11 : vector<10000x32xf32>
    %get3A_13 = arith.constant 0 : index
    %get3A_14 = arith.constant 0 : index
    %get3A_15 = vector.load %arg2[%get3A_13, %get3A_14] : memref<10000x1xf32, #tpu.memory_space<vmem>>, vector<10000x1xf32>
    %mul3A_16 = vector.broadcast %get3A_15 : vector<10000x1xf32> to vector<10000x32xf32>
    %mul3A_17 = arith.mulf %max3A_12, %mul3A_16 : vector<10000x32xf32>
    %get3A_18 = arith.constant 0 : index
    %get3A_19 = arith.constant 0 : index
    %get3A_20 = vector.load %arg4[%get3A_18, %get3A_19] : memref<32x16xf32, #tpu.memory_space<vmem>>, vector<32x16xf32>
    %dot_general3A = arith.constant dense<0.000000e+00> : vector<10000x16xf32>
    %dot_general3A_21 = tpu.matmul %mul3A_17, %get3A_20, %dot_general3A {dimension_numbers = #tpu.dot_dimension_numbers<[1], [0], [0], [1], [0, 0, 1, 1], [], []>, transpose_lhs_hint = false} : vector<10000x32xf32>, vector<32x16xf32>, vector<10000x16xf32> -> vector<10000x16xf32>
    %convert_element_type3A_22 = arith.truncf %dot_general3A_21 : vector<10000x16xf32> to vector<10000x16xbf16>
    %swap3A = arith.constant 0 : index
    %swap3A_23 = arith.constant 0 : index
    %swap3A_24 = vector.load %arg5[%swap3A, %swap3A_23] : memref<10000x16xbf16, #tpu.memory_space<vmem>>, vector<10000x16xbf16>
    tpu.vector_store %arg5[%swap3A, %swap3A_23], %convert_element_type3A_22 {strides = array<i32>} : memref<10000x16xbf16, #tpu.memory_space<vmem>>, vector<10000x16xbf16>,
    return
  }
}

module attributes {stable_mosaic.version = 14 : i64} {
  func.func @_stage4_body(%arg0: memref<20480x16xbf16, #tpu.memory_space<vmem>>, %arg1: memref<10000x1xf32, #tpu.memory_space<vmem>>, %arg2: memref<10000x1xf32, #tpu.memory_space<vmem>>, %arg3: memref<16xf32, #tpu.memory_space<vmem>>, %arg4: memref<10000x16xbf16, #tpu.memory_space<vmem>>) attributes {dimension_semantics = [], scalar_prefetch = 0 : i64, scratch_operands = 0 : i64, tpu.core_type = #tpu.core_type<tc>} {
    %get3A = arith.constant 0 : index
    %get3A_0 = arith.constant 0 : index
    %get3A_1 = vector.load %arg0[%get3A, %get3A_0] : memref<20480x16xbf16, #tpu.memory_space<vmem>>, vector<20480x16xbf16>
    %convert_element_type3A = arith.extf %get3A_1 : vector<20480x16xbf16> to vector<20480x16xf32>
    %slice3A = vector.extract_strided_slice %convert_element_type3A {offsets = [0, 0], sizes = [10000, 16], strides = [1, 1]} : vector<20480x16xf32> to vector<10000x16xf32>
    %slice3A_2 = vector.extract_strided_slice %convert_element_type3A {offsets = [10240, 0], sizes = [10000, 16], strides = [1, 1]} : vector<20480x16xf32> to vector<10000x16xf32>
    %add3A = arith.addf %slice3A, %slice3A_2 : vector<10000x16xf32>
    %get3A_3 = arith.constant 0 : index
    %get3A_4 = arith.constant 0 : index
    %get3A_5 = vector.load %arg1[%get3A_3, %get3A_4] : memref<10000x1xf32, #tpu.memory_space<vmem>>, vector<10000x1xf32>
    %mul3A = vector.broadcast %get3A_5 : vector<10000x1xf32> to vector<10000x16xf32>
    %mul3A_6 = arith.mulf %add3A, %mul3A : vector<10000x16xf32>
    %get3A_7 = arith.constant 0 : index
    %get3A_8 = vector.load %arg3[%get3A_7] : memref<16xf32, #tpu.memory_space<vmem>>, vector<16xf32>
    %broadcast_in_dim3A = vector.shape_cast %get3A_8 : vector<16xf32> to vector<1x16xf32>
    %add3A_9 = vector.broadcast %broadcast_in_dim3A : vector<1x16xf32> to vector<10000x16xf32>
    %add3A_10 = arith.addf %mul3A_6, %add3A_9 : vector<10000x16xf32>
    %max3A = arith.constant 0.000000e+00 : f32
    %max3A_11 = vector.broadcast %max3A : f32 to vector<10000x16xf32>
    %max3A_12 = arith.maximumf %add3A_10, %max3A_11 : vector<10000x16xf32>
    %get3A_13 = arith.constant 0 : index
    %get3A_14 = arith.constant 0 : index
    %get3A_15 = vector.load %arg2[%get3A_13, %get3A_14] : memref<10000x1xf32, #tpu.memory_space<vmem>>, vector<10000x1xf32>
    %mul3A_16 = vector.broadcast %get3A_15 : vector<10000x1xf32> to vector<10000x16xf32>
    %mul3A_17 = arith.mulf %max3A_12, %mul3A_16 : vector<10000x16xf32>
    %convert_element_type3A_18 = arith.truncf %mul3A_17 : vector<10000x16xf32> to vector<10000x16xbf16>
    %swap3A = arith.constant 0 : index
    %swap3A_19 = arith.constant 0 : index
    %swap3A_20 = vector.load %arg4[%swap3A, %swap3A_19] : memref<10000x16xbf16, #tpu.memory_space<vmem>>, vector<10000x16xbf16>
    tpu.vector_store %arg4[%swap3A, %swap3A_19], %convert_element_type3A_18 {strides = array<i32>} : memref<10000x16xbf16, #tpu.memory_space<vmem>>, vector<10000x16xbf16>,
    return
  }
}

module attributes {stable_mosaic.version = 14 : i64} {
  func.func @_stage5_body(%arg0: memref<20480x16xbf16, #tpu.memory_space<vmem>>, %arg1: memref<10000x1xf32, #tpu.memory_space<vmem>>, %arg2: memref<16x40xf32, #tpu.memory_space<vmem>>, %arg3: memref<40xf32, #tpu.memory_space<vmem>>, %arg4: memref<10000x40xf32, #tpu.memory_space<vmem>>) attributes {dimension_semantics = [], scalar_prefetch = 0 : i64, scratch_operands = 0 : i64, tpu.core_type = #tpu.core_type<tc>} {
    %get3A = arith.constant 0 : index
    %get3A_0 = arith.constant 0 : index
    %get3A_1 = vector.load %arg0[%get3A, %get3A_0] : memref<20480x16xbf16, #tpu.memory_space<vmem>>, vector<20480x16xbf16>
    %convert_element_type3A = arith.extf %get3A_1 : vector<20480x16xbf16> to vector<20480x16xf32>
    %slice3A = vector.extract_strided_slice %convert_element_type3A {offsets = [0, 0], sizes = [10000, 16], strides = [1, 1]} : vector<20480x16xf32> to vector<10000x16xf32>
    %slice3A_2 = vector.extract_strided_slice %convert_element_type3A {offsets = [10240, 0], sizes = [10000, 16], strides = [1, 1]} : vector<20480x16xf32> to vector<10000x16xf32>
    %add3A = arith.addf %slice3A, %slice3A_2 : vector<10000x16xf32>
    %get3A_3 = arith.constant 0 : index
    %get3A_4 = arith.constant 0 : index
    %get3A_5 = vector.load %arg1[%get3A_3, %get3A_4] : memref<10000x1xf32, #tpu.memory_space<vmem>>, vector<10000x1xf32>
    %mul3A = vector.broadcast %get3A_5 : vector<10000x1xf32> to vector<10000x16xf32>
    %mul3A_6 = arith.mulf %add3A, %mul3A : vector<10000x16xf32>
    %get3A_7 = arith.constant 0 : index
    %get3A_8 = arith.constant 0 : index
    %get3A_9 = vector.load %arg2[%get3A_7, %get3A_8] : memref<16x40xf32, #tpu.memory_space<vmem>>, vector<16x40xf32>
    %dot_general3A = arith.constant dense<0.000000e+00> : vector<10000x40xf32>
    %dot_general3A_10 = tpu.matmul %mul3A_6, %get3A_9, %dot_general3A {dimension_numbers = #tpu.dot_dimension_numbers<[1], [0], [0], [1], [0, 0, 1, 1], [], []>, transpose_lhs_hint = false} : vector<10000x16xf32>, vector<16x40xf32>, vector<10000x40xf32> -> vector<10000x40xf32>
    %get3A_11 = arith.constant 0 : index
    %get3A_12 = vector.load %arg3[%get3A_11] : memref<40xf32, #tpu.memory_space<vmem>>, vector<40xf32>
    %broadcast_in_dim3A = vector.shape_cast %get3A_12 : vector<40xf32> to vector<1x40xf32>
    %add3A_13 = vector.broadcast %broadcast_in_dim3A : vector<1x40xf32> to vector<10000x40xf32>
    %add3A_14 = arith.addf %dot_general3A_10, %add3A_13 : vector<10000x40xf32>
    %swap3A = arith.constant 0 : index
    %swap3A_15 = arith.constant 0 : index
    %swap3A_16 = vector.load %arg4[%swap3A, %swap3A_15] : memref<10000x40xf32, #tpu.memory_space<vmem>>, vector<10000x40xf32>
    tpu.vector_store %arg4[%swap3A, %swap3A_15], %add3A_14 {strides = array<i32>} : memref<10000x40xf32, #tpu.memory_space<vmem>>, vector<10000x40xf32>,
    return
  }
}

</mosaic_0001>

<sc_bundles>
// kernel: kernel.12.cloned.1.call-start
scs
__scs_entry_jumppad:
0x0: {  	(pc) =	sbr.rel $0x88, $3  }
0x1: {  	(tag) =	ssettag $0x0;
	lr =	simm.s32 $0x1  }
0x2: {  	[smem:$0x3F97] =	sst lr;
	_ =	strace $0xD0000000  }
0x3: {  	_ = 	snop  }
0x4: {  	_ = 	snop  }
0x5: {  	_ = 	snop  }
0x6: {  	_ = 	snop  }
0x7: {  	_ = 	snop  }
__scs_overlays_trampoline_lowered:
0x8: {  	[smem:$0x3FA6] =	sst s0  }
0x9: {  	[smem:$0x3FA7] =	sst s1  }
0xa: {  	[smem:$0x3FA8] =	sst s2  }
0xb: {  	[smem:$0x3FA9] =	sst s3  }
0xc: {  	[smem:$0x3FAA] =	sst s4  }
0xd: {  	[smem:$0x3FAB] =	sst s5  }
0xe: {  	[smem:$0x3FAC] =	sst s6  }
0xf: {  	[smem:$0x3FAD] =	sst s7  }
0x10: {  	[smem:$0x3FAE] =	sst s8  }
0x11: {  	[smem:$0x3FAF] =	sst s9;
	s0 =	simm.s32 @!p0 $0x0  }
0x12: {  	s1 =	sld [smem:$0x3F95];
	s0 =	simm.s32 @p0 $0x1  }
0x13: {  	[smem:$0x3FB0] =	sst s0;
	s0 =	simm.s32 @!p1 $0x0  }
0x14: {  	s2 =	sld [smem:$0x3F94];
	s0 =	simm.s32 @p1 $0x1  }
0x15: {  	[smem:$0x3FB1] =	sst s0;
	s0 =	simm.s32 @!p2 $0x0  }
0x16: {  	s3 =	sld [smem:$0x3FDB];
	s0 =	simm.s32 @p2 $0x1  }
0x17: {  	s4 =	simm.s32 $0x1BF5;
	[smem:$0x3FB3] =	sst s0  }
0x18: {  	s0 =	sld [smem:$0x3F96];
	_ =	swait.ge [sflag:s4], $0x0  }
0x19: {  	s7 =	sld [smem:$0x3F97]  }
0x1a: {  	s8 =	sadd.s32 $0xFFFFE003, lr  }
0x1b: {  	s9 =	sadd.s32 $0xFFFFFEF7, lr;
	s5 =	simm.s32 $0xFFFFFFFF;
	p2 =	slt.u32 s8, $0xFFFFF086  }
0x1c: {  	p1 =	slt.u32 s9, $0xF7A;
	s5 =	simm.s32 @!p2 $0x0  }
0x1d: {  	s5 =	simm.s32 @p1 $0x1;
	p0 =	seq.s32 s7, s2  }
0x1e: {  	s7 =	smul.u32 @!p0 $0xF7A, s2;
	p2 =	seq.s32 @!p0 s5, $0x0  }
0x1f: {  	s9 =	smul.u32 $0xF7A, s1;
	s8 =	simm.s32 @!p0 $0x1BF5;
	p2 =	por !p2, p0  }
0x20: {  	[sflag:s8] =	ssyncset.s32 @!p0 $0xFFFFF086;
	s6 =	sadd.s32 @!p0 s3, s7;
	s7 =	simm.s32 @!p0 $0x108  }
0x21: {  	s3 =	sadd.s32 s3, s9;
	s6 =	sadd.s32 @!p0 $0x88, s6;
	s7 =	simm.s32 @p2 $0x1082  }
0x22: {  	[simem:s7], [sflag:s8] =	dma.local @!p0 [hbm:s6], $0xF7A  }
0x23: {  	s9 =	sor.u32 $0xD0000000, s2;
	s6 =	simm.s32 $0x108;
	_ =	swait.ge @!p0 [sflag:s8], $0x0  }
0x24: {  	s3 =	sadd.s32 $0x88, s3;
	s6 =	simm.s32 @!p1 $0x1082;
	[sflag:s4] =	ssyncset.s32 $0xFFFFF086  }
0x25: {  	[simem:s6], [sflag:s4] =	dma.local [hbm:s3], $0xF7A  }
0x26: {  	[smem:$0x3F97] =	sst s1;
	(tag) =	ssettag s2;
	_ =	strace s9  }
0x27: {  	s1 =	sld [smem:$0x3FA7]  }
0x28: {  	s2 =	sld [smem:$0x3FA8]  }
0x29: {  	s4 =	sld [smem:$0x3FAA]  }
0x2a: {  	p0 =	seq.s32 s5, $0x0;
	s5 =	sld [smem:$0x3FAB]  }
0x2b: {  	s6 =	sld [smem:$0x3FAC]  }
0x2c: {  	s7 =	sld [smem:$0x3FAD]  }
0x2d: {  	s3 =	simm.s32 $0x108;
	s8 =	sld [smem:$0x3FAE]  }
0x2e: {  	s3 =	simm.s32 @!p0 $0x1082;
	s9 =	sld [smem:$0x3FAF]  }
0x2f: {  	lr =	sadd.s32 s0, s3;
	s0 =	sld [smem:$0x3FA6]  }
0x30: {  	s3 =	sld [smem:$0x3FA9]  }
0x31: {  	[smem:$0x3FB2] =	sst s10  }
0x32: {  	s10 =	sld [smem:$0x3FB0];
	_ =	sdelay $0x3  }
0x33: {  	p0 =	seq.s32 s10, $0x1;
	s10 =	sld [smem:$0x3FB2];
	_ =	sdelay $0x3  }
0x34: {  	[smem:$0x3FB2] =	sst s10  }
0x35: {  	s10 =	sld [smem:$0x3FB1];
	_ =	sdelay $0x3  }
0x36: {  	p1 =	seq.s32 s10, $0x1;
	s10 =	sld [smem:$0x3FB2];
	_ =	sdelay $0x3  }
0x37: {  	[smem:$0x3FB2] =	sst s10  }
0x38: {  	s10 =	sld [smem:$0x3FB3]  }
0x39: {  	_ = 	snop;
	(pc) =	sbr.ind lr, $3  }
0x3a: {  	_ = 	snop  }
0x3b: {  	_ = 	snop  }
0x3c: {  	p2 =	seq.s32 s10, $0x1;
	s10 =	sld [smem:$0x3FB2]  }
0x3d: {  	_ =	shalt  }
0x3e: {  	_ =	shalt  }
0x3f: {  	_ =	shalt  }
0x40: {  	_ =	shalt  }
0x41: {  	_ =	shalt  }
0x42: {  	_ =	shalt  }
0x43: {  	_ =	shalt  }
0x44: {  	_ =	shalt  }
0x45: {  	_ =	shalt  }
0x46: {  	_ =	shalt  }
0x47: {  	_ =	shalt  }
0x48: {  	_ =	shalt  }
0x49: {  	_ =	shalt  }
0x4a: {  	_ =	shalt  }
0x4b: {  	_ =	shalt  }
0x4c: {  	_ =	shalt  }
0x4d: {  	_ =	shalt  }
0x4e: {  	_ =	shalt  }
0x4f: {  	_ =	shalt  }
0x50: {  	_ =	shalt  }
0x51: {  	_ =	shalt  }
0x52: {  	_ =	shalt  }
0x53: {  	_ =	shalt  }
0x54: {  	_ =	shalt  }
0x55: {  	_ =	shalt  }
0x56: {  	_ =	shalt  }
0x57: {  	_ =	shalt  }
0x58: {  	_ =	shalt  }
0x59: {  	_ =	shalt  }
0x5a: {  	_ =	shalt  }
0x5b: {  	_ =	shalt  }
0x5c: {  	_ =	shalt  }
0x5d: {  	_ =	shalt  }
0x5e: {  	_ =	shalt  }
0x5f: {  	_ =	shalt  }
0x60: {  	_ =	shalt  }
0x61: {  	_ =	shalt  }
0x62: {  	_ =	shalt  }
0x63: {  	_ =	shalt  }
0x64: {  	_ =	shalt  }
0x65: {  	_ =	shalt  }
0x66: {  	_ =	shalt  }
0x67: {  	_ =	shalt  }
0x68: {  	_ =	shalt  }
0x69: {  	_ =	shalt  }
0x6a: {  	_ =	shalt  }
0x6b: {  	_ =	shalt  }
0x6c: {  	_ =	shalt  }
0x6d: {  	_ =	shalt  }
0x6e: {  	_ =	shalt  }
0x6f: {  	_ =	shalt  }
0x70: {  	_ =	shalt  }
0x71: {  	_ =	shalt  }
0x72: {  	_ =	shalt  }
0x73: {  	_ =	shalt  }
0x74: {  	_ =	shalt  }
0x75: {  	_ =	shalt  }
0x76: {  	_ =	shalt  }
0x77: {  	_ =	shalt  }
0x78: {  	_ =	shalt  }
0x79: {  	_ =	shalt  }
0x7a: {  	_ =	shalt  }
0x7b: {  	_ =	shalt  }
0x7c: {  	_ =	shalt  }
0x7d: {  	_ =	shalt  }
0x7e: {  	_ =	shalt  }
0x7f: {  	_ =	shalt  }
0x80: {  	_ =	shalt  }
0x81: {  	_ =	shalt  }
0x82: {  	_ =	shalt  }
0x83: {  	_ =	shalt  }
0x84: {  	_ =	shalt  }
0x85: {  	_ =	shalt  }
0x86: {  	_ =	shalt  }
0x87: {  	_ =	shalt  }
.Lfunc_end0:
.L_simem_size_0:
called_computation_lowered:
.L_overlay_start_0:
0x88: {  	s2 =	sld [smem:$0x3FD9]  }
0x89: {  	s3 =	sld [smem:$0x3FFE];
	_ =	sdelay $0x1  }
0x8a: {  	s1 =	srdreg.scid  }
0x8b: {  	s0 =	sand.u32 $0x1, s1  }
0x8c: {  	s17 =	sshll.u32 s0, $0xA;
	s2 =	sadd.s32 s3, s2  }
0x8d: {  	s2 =	sadd.s32 s2, s17  }
0x8e: {  	[smem:$0x3FBE] =	sst s2  }
0x8f: {  	_ = 	snop  }
0x90: {  	s2 =	sld [smem:$0x3FD0];
	(tm) =	ssettm $0x1  }
0x91: {  	s18 =	sld [smem:$0x3FFB];
	_ =	sdelay $0x3  }
0x92: {  	_ =	strace s18  }
0x93: {  	s3 =	sld [smem:$0x3FFC];
	_ =	sdelay $0x3  }
0x94: {  	_ =	strace s3  }
0x95: {  	s3 =	sld [smem:$0x3FFD];
	_ =	sdelay $0x3  }
0x96: {  	_ =	strace s3  }
0x97: {  	_ =	strace $0x8FFFFFFF  }
0x98: {  	s19 =	sld [smem:$0x3FDB];
	_ =	sdelay $0x1  }
0x99: {  	s4 =	simm.s32 $_scs_section_size  }
0x9a: {  	s5 =	simm.s32 $_size__tile_overlayer_lowered;
	s6 =	simm.s32 $_tile_overlayer_lowered  }
0x9b: {  	s22 =	simm.s32 $0x1BFF;
	s21 =	sshll.u32 s6, $0x1;
	s3 =	sadd.s32 s4, s19  }
0x9c: {  	s7 =	simm.s32 $0x0;
	s20 =	sshll.u32 s5, $0x1;
	s5 =	sadd.s32 s21, s3  }
0x9d: {  	[timem:s7], [sflag:s22] =	dma.local [hbm:s5], s20  }
0x9e: {  	_ =	swait.ge [sflag:s22], s20  }
0x9f: {  	s4 =	ssub.s32 $0x0, s20;
	[sflag:s22] =	ssyncset.done $0x0  }
0xa0: {  	[sflag:s22] =	ssyncadd.s32 s4;
	_ =	sdelay $0x1  }
0xa1: {  	s23 =	simm.s32 $0x1B8B  }
0xa2: {  	_ =	swait.ge [sflag:s23], $0x1  }
0xa3: {  	[sflag:s23] =	ssyncset.done $0x0  }
0xa4: {  	s25 =	simm.s32 $0x1B8E;
	s24 =	sld [smem:$0x3FFE];
	[sflag:s23] =	ssyncadd.s32 $0xFFFFFFFF  }
0xa5: {  	s26 =	simm.s32 $execute0_lowered;
	[smem:$0x3FD2] =	sst s25  }
0xa6: {  	s5 =	sshll.u32 s26, $0x1;
	_ =	strace $0x80000046;
	[dreg:$0x1] =	wrdreg $0xFFFFFFFF  }
0xa7: {  	s28 =	simm.s32 $_size_execute0_lowered;
	s3 =	sadd.s32 s3, s5;
	[dreg:$0x0] =	wrdreg $0x0  }
0xa8: {  	s5 =	sshll.u32 s28, $0x1;
	[dreg:$0x2] =	wrdreg s3  }
0xa9: {  	[dreg:$0x3] =	wrdreg s5  }
0xaa: {  	[dreg:$0x4] =	wrdreg $0xC0  }
0xab: {  	_ =	task [dreg:s7], $0x5FFFF  }
0xac: {  	[dreg:$0x1] =	wrdreg $0xFFFFFFFF  }
0xad: {  	[dreg:$0x0] =	wrdreg $0x60  }
0xae: {  	[dreg:$0x2] =	wrdreg s24  }
0xaf: {  	[dreg:$0x3] =	wrdreg s2  }
0xb0: {  	[dreg:$0x4] =	wrdreg $0x18EA00  }
0xb1: {  	[dreg:$0x5] =	wrdreg $0x1B6A00  }
0xb2: {  	[dreg:$0x6] =	wrdreg $0x9  }
0xb3: {  	_ =	task.clear_ibuf [dreg:s7], $0x7FFFF;
	_ =	strace $0x90000046  }
0xb4: {  	s29 =	simm.s32 $0x9;
	_ =	strace $0x80000048  }
0xb5: {  	_ =	swait.ge [sflag:s29], $0x1  }
0xb6: {  	[sflag:s29] =	ssyncadd.s32 $0xFFFFFFFF  }
0xb7: {  	_ =	strace $0x90000048  }
0xb8: {  	_ =	sfence  }
0xb9: {  	s30 =	sld [smem:$0x0];
	_ =	sdelay $0x2  }
0xba: {  	s31 =	sshll.u32 s1, $0xD;
	s1 =	sshrl.u32 s1, $0x2  }
0xbb: {  	s3 =	sand.u32 $0x4000, s31;
	s1 =	sadd.s32 s1, s30  }
0xbc: {  	s0 =	sor.u32 s3, s0;
	s1 =	sshll.u32 s1, $0x11  }
0xbd: {  	s0 =	sor.u32 s1, s0  }
0xbe: {  	s0 =	sadd.s32 $0x8F2B, s0  }
0xbf: {  	[sflag:s0] =	ssyncadd.remote.s32 $0x1  }
0xc0: {  	_ =	sfence.sel $0xFFFF  }
0xc1: {  	[dreg:$0x0] =	wrdreg $0xFFFFFFFF;
	(pc) =	sbr.abs _section_cstart, $3  }
0xc2: {  	[dreg:$0x1] =	wrdreg $0xFFFFFFFF  }
0xc3: {  	_ =	task.clear_ibuf [dreg:s7], $0x2FFFF;
	_ =	strace $0x9FFFFFFF  }
0xc4: {  	(tm) =	ssettm $0x7FFFFFFF  }
0xc5: {  	_ =	shalt  }
tec
execute0_lowered:
.L_overlay_start_1:
0x0: {  	(tag) =	ssettag $0x1  }
0x1: {  	s5 =	rddreg [dreg:$0x0]  }
0x2: {  	s17 =	rddreg [dreg:$0x1]  }
0x3: {  	s2 =	rddreg [dreg:$0x2]  }
0x4: {  	s3 =	rddreg [dreg:$0x3]  }
0x5: {  	s0 =	rddreg [dreg:$0x4];
	s6 =	srdreg.scid  }
0x6: {  	s1 =	stileid.u32;
	s4 =	simm.s32 $0x0;
	s21 =	simm.s32 $0x2710  }
0x7: {  	s22 =	simm.s32 $0x186A0;
	s23 =	simm.s32 $0x1388;
	s24 =	simm.s32 $0x4E20  }
0x8: {  	s25 =	simm.s32 $0x3A98;
	s26 =	simm.s32 $0x1;
	s7 =	smul.u32 $0x280, s1  }
0x9: {  	s28 =	simm.s32 $0x0;
	s6 =	sand.u32 $0x1, s6;
	s12 =	smul.u32 $0x2800, s1  }
0xa: {  	[smem:$0x7FF] =	sst s4;
	s8 =	sshll.u32 s1, $0x1;
	s9 =	smul.u32 $0x2800, s6  }
0xb: {  	_ =	strace $0x80000047;
	s8 =	sor.u32 s6, s8;
	s6 =	ssub.s32 $0x2, s6  }
0xc: {  	s8 =	smul.u32 $0x4E2, s8;
	s31 =	sshrl.u32 s6, $0x1;
	s13 =	sadd.s32 $0x800, s12  }
0xd: {  	s14 =	sadd.s32 $0x1000, s12;
	s15 =	sadd.s32 $0x1800, s12;
	s16 =	sadd.s32 $0x2000, s12  }
0xe: {  	s7 =	sadd.s32 s7, s9;
	s20 =	ssub.s32 s6, s31;
	s9 =	sadd.s32 s14, s2  }
0xf: {  	s10 =	sadd.s32 s15, s2;
	s11 =	sadd.s32 s16, s2;
	s14 =	sadd.s32 s14, s3  }
0x10: {  	s15 =	sadd.s32 s15, s3;
	s16 =	sadd.s32 s16, s3;
	s18 =	sshll.u32 s7, $0x1  }
0x11: {  	s8 =	sadd.s32 s8, s5;
	s7 =	sadd.s32 s12, s2;
	s12 =	sadd.s32 s12, s3  }
0x12: {  	s19 =	sadd.s32 s18, s5;
	s5 =	sadd.s32 $0xCE00, s8;
	s6 =	sadd.s32 $0x3000, s8  }
0x13: {  	s8 =	sadd.s32 s13, s2;
	s13 =	sadd.s32 s13, s3;
	s17 =	sadd.s32 s17, s18  }
0x14: {  	v0 =	vimm.f32 $1.000000000e+00;
	v1 =	vimm.f32 $0.0e+00;
	s18 =	sadd.s32 $0x16C00, s19;
	s19 =	smax.u32 s20, $0x1;
	s20 =	simm.s32 $0x2  }
.LBB2_1:
0x15: {  	[tilespmem:s4], [sflag:$0x2] =	stream.linear.gather [hbm4b:s5+s4], $0x2710, $0x38;
	[tilespmem:$0x1DEA0] =	vst v63  }
0x16: {  	_ =	swait.ge [sflag:s20], $0x2710  }
0x17: {  	[sflag:s20] =	ssyncset.done $0x0  }
0x18: {  	[sflag:s20] =	ssyncadd.s32 $0xFFFFD8F0  }
0x19: {  	[tilespmem:s21], [sflag:$0x2] =	stream.linear.gather [hbm4b:s6+s4], $0x2710, $0x38;
	[tilespmem:$0x1DEA0] =	vst v63  }
0x1a: {  	_ =	swait.ge [sflag:s20], $0x2710  }
0x1b: {  	[sflag:s20] =	ssyncset.done $0x0  }
0x1c: {  	s29 =	simm.s32 $0x0;
	[sflag:s20] =	ssyncadd.s32 $0xFFFFD8F0  }
.LBB2_2:
0x1d: {  	p0 =	sne.s32 s29, $0x4E1C0  }
.Ltmp0:
0x1e: {  	_ = 	snop;
	(pc) =	sbr.rel @p0 .LBB2_2-.Ltmp0, $3  }
0x1f: {  	_ =	sdelay $0x1  }
0x20: {  	s30 =	sshra.s32 s29, $0x2  }
0x21: {  	s29 =	sadd.s32 $0x40, s29;
	[tilespmem:s30+$0x4E20] =	vst v0  }
0x22: {  	s29 =	simm.s32 $0x40;
	s30 =	simm.s32 $0x0  }
.LBB2_4:
0x23: {  	p0 =	sne.s32 s29, $0x1FC0;
	[tilespmem:s30+$0x186A0] =	vst v1;
	s30 =	smov.u32 s29;
	s29 =	sadd.s32 $0x40, s29  }
.Ltmp1:
0x24: {  	(pc) =	sbr.rel @p0 .LBB2_4-.Ltmp1, $2  }
0x25: {  	_ =	sdelay $0x2  }
0x26: {  	s30 =	sshra.s32 s30, $0x2  }
0x27: {  	[tilespmem:s30+$0x186A0] =	vst v1  }
0x28: {  	[spmem:s7] =	stream.linear.scatter [tilespmem:s22], [sflag:$0x2], $0x800, $0x38;
	[tilespmem:$0x1DEA0] =	vst v63  }
0x29: {  	_ =	swait.ge [sflag:s20], $0x800  }
0x2a: {  	[sflag:s20] =	ssyncset.done $0x0  }
0x2b: {  	[sflag:s20] =	ssyncadd.s32 $0xFFFFF800  }
0x2c: {  	[spmem:s8] =	stream.linear.scatter [tilespmem:s22], [sflag:$0x2], $0x800, $0x38;
	[tilespmem:$0x1DEA0] =	vst v63  }
0x2d: {  	_ =	swait.ge [sflag:s20], $0x800  }
0x2e: {  	[sflag:s20] =	ssyncset.done $0x0  }
0x2f: {  	[sflag:s20] =	ssyncadd.s32 $0xFFFFF800  }
0x30: {  	[spmem:s9] =	stream.linear.scatter [tilespmem:s22], [sflag:$0x2], $0x800, $0x38;
	[tilespmem:$0x1DEA0] =	vst v63  }
0x31: {  	_ =	swait.ge [sflag:s20], $0x800  }
0x32: {  	[sflag:s20] =	ssyncset.done $0x0  }
0x33: {  	[sflag:s20] =	ssyncadd.s32 $0xFFFFF800  }
0x34: {  	[spmem:s10] =	stream.linear.scatter [tilespmem:s22], [sflag:$0x2], $0x800, $0x38;
	[tilespmem:$0x1DEA0] =	vst v63  }
0x35: {  	_ =	swait.ge [sflag:s20], $0x800  }
0x36: {  	[sflag:s20] =	ssyncset.done $0x0  }
0x37: {  	[sflag:s20] =	ssyncadd.s32 $0xFFFFF800  }
0x38: {  	[spmem:s11] =	stream.linear.scatter [tilespmem:s22], [sflag:$0x2], $0x800, $0x38;
	[tilespmem:$0x1DEA0] =	vst v63  }
0x39: {  	_ =	swait.ge [sflag:s20], $0x800  }
0x3a: {  	[sflag:s20] =	ssyncset.done $0x0  }
0x3b: {  	[sflag:s20] =	ssyncadd.s32 $0xFFFFF800  }
0x3c: {  	[spmem:s12] =	stream.linear.scatter [tilespmem:s22], [sflag:$0x2], $0x800, $0x38;
	[tilespmem:$0x1DEA0] =	vst v63  }
0x3d: {  	_ =	swait.ge [sflag:s20], $0x800  }
0x3e: {  	[sflag:s20] =	ssyncset.done $0x0  }
0x3f: {  	[sflag:s20] =	ssyncadd.s32 $0xFFFFF800  }
0x40: {  	[spmem:s13] =	stream.linear.scatter [tilespmem:s22], [sflag:$0x2], $0x800, $0x38;
	[tilespmem:$0x1DEA0] =	vst v63  }
0x41: {  	_ =	swait.ge [sflag:s20], $0x800  }
0x42: {  	[sflag:s20] =	ssyncset.done $0x0  }
0x43: {  	[sflag:s20] =	ssyncadd.s32 $0xFFFFF800  }
0x44: {  	[spmem:s14] =	stream.linear.scatter [tilespmem:s22], [sflag:$0x2], $0x800, $0x38;
	[tilespmem:$0x1DEA0] =	vst v63  }
0x45: {  	_ =	swait.ge [sflag:s20], $0x800  }
0x46: {  	[sflag:s20] =	ssyncset.done $0x0  }
0x47: {  	[sflag:s20] =	ssyncadd.s32 $0xFFFFF800  }
0x48: {  	[spmem:s15] =	stream.linear.scatter [tilespmem:s22], [sflag:$0x2], $0x800, $0x38;
	[tilespmem:$0x1DEA0] =	vst v63  }
0x49: {  	_ =	swait.ge [sflag:s20], $0x800  }
0x4a: {  	[sflag:s20] =	ssyncset.done $0x0  }
0x4b: {  	[sflag:s20] =	ssyncadd.s32 $0xFFFFF800  }
0x4c: {  	[spmem:s16] =	stream.linear.scatter [tilespmem:s22], [sflag:$0x2], $0x800, $0x38;
	[tilespmem:$0x1DEA0] =	vst v63  }
0x4d: {  	_ =	swait.ge [sflag:s20], $0x800  }
0x4e: {  	[sflag:s20] =	ssyncset.done $0x0  }
0x4f: {  	[sflag:s20] =	ssyncadd.s32 $0xFFFFF800  }
0x50: {  	[bflag:$0x0] =	sbarrier.arrive $0xFFFF  }
0x51: {  	[spmem:s2] =	stream.indirect.scatter.add.f32 [tilespmem:s24], [sflag:$0x1], $0x10, s4, s23, $0xb8;
	[tilespmem:$0x1DEA0] =	vst v63  }
0x52: {  	_ = 	snop  }
0x53: {  	[spmem:s3] =	stream.indirect.scatter.add.f32 [tilespmem:s24], [sflag:$0x1], $0x10, s21, s23, $0xb8;
	[tilespmem:$0x1DEA0] =	vst v63  }
0x54: {  	_ = 	snop  }
0x55: {  	[spmem:s2] =	stream.indirect.scatter.add.f32 [tilespmem:s24], [sflag:$0x1], $0x10, s23, s23, $0xb8;
	[tilespmem:$0x1DEA0] =	vst v63  }
0x56: {  	_ = 	snop  }
0x57: {  	[spmem:s3] =	stream.indirect.scatter.add.f32 [tilespmem:s24], [sflag:$0x1], $0x10, s25, s23, $0xb8;
	[tilespmem:$0x1DEA0] =	vst v63  }
0x58: {  	_ =	swait.ge [sflag:s26], $0x13880  }
0x59: {  	[sflag:s26] =	ssyncset.done $0x0  }
0x5a: {  	[sflag:s26] =	ssyncadd.s32 $0xFFFEC780  }
0x5b: {  	_ =	swait.ge [sflag:s26], $0x13880  }
0x5c: {  	[sflag:s26] =	ssyncset.done $0x0  }
0x5d: {  	[sflag:s26] =	ssyncadd.s32 $0xFFFEC780  }
0x5e: {  	_ =	swait.ge [sflag:s26], $0x13880  }
0x5f: {  	[sflag:s26] =	ssyncset.done $0x0  }
0x60: {  	[sflag:s26] =	ssyncadd.s32 $0xFFFEC780  }
0x61: {  	_ =	swait.ge [sflag:s26], $0x13880  }
0x62: {  	[sflag:s26] =	ssyncset.done $0x0  }
0x63: {  	s29 =	sshll.u32 s1, $0x6;
	[sflag:s26] =	ssyncadd.s32 $0xFFFEC780  }
0x64: {  	s31 =	sshrl.u32 s7, $0x3;
	s29 =	sor.u32 $0x1C02, s29;
	[bflag:$0x0] =	sbarrier.arrive $0xFFFF  }
0x65: {  	[hbm:s17], [sflag:s29] =	dma.local [spmem:s31], $0x500  }
0x66: {  	s28 =	sadd.s32 $0x1, s28;
	_ =	swait.ge [sflag:s20], $0x500  }
0x67: {  	p0 =	sne.s32 s28, s19;
	[sflag:s20] =	ssyncset.done $0x0  }
.Ltmp2:
0x68: {  	s31 =	sshrl.u32 s12, $0x3;
	[sflag:s20] =	ssyncadd.s32 $0xFFFFFB00;
	(pc) =	sbr.rel @p0 .LBB2_1-.Ltmp2, $4  }
0x69: {  	[hbm:s18], [sflag:s29] =	dma.local [spmem:s31], $0x500  }
0x6a: {  	_ =	swait.ge [sflag:s20], $0x500  }
0x6b: {  	[sflag:s20] =	ssyncset.done $0x0  }
0x6c: {  	[sflag:s20] =	ssyncadd.s32 $0xFFFFFB00  }
0x6d: {  	_ =	sfence.sel $0x180000  }
0x6e: {  	[bflag:$0x0] =	sbarrier.arrive $0xFFFF  }
0x6f: {  	p0 =	sne.s32 s1, $0x0;
	_ =	strace $0x90000047  }
0x70: {  	s0 =	sadd.s32 @!p0 $0x100000, s0;
	[bflag:$0x2] =	sbarrier.arrive $0xFFFF  }
0x71: {  	[sflag:s0] =	ssyncadd.tile.s32 @!p0 $0x1;
	_ =	shalt  }
.Lfunc_end2:
_tile_overlayer_lowered:
.L_overlay_start_2:
0x72: {  	(tag) =	ssettag $0x2  }
0x73: {  	s0 =	rddreg [dreg:$0x0];
	s2 =	stileid.u32  }
0x74: {  	s1 =	rddreg [dreg:$0x1];
	p0 =	sne.s32 s2, $0x0  }
0x75: {  	s3 =	rddreg [dreg:$0x2];
	[bflag:$0x3] =	sbarrier.arrive $0xFFFF;
	s2 =	simm.s32 @!p0 $0x1C02  }
0x76: {  	[timem:s3], [sflag:s2] =	dma.local @!p0 [hbm:s0], s1  }
0x77: {  	s0 =	simm.s32 @!p0 $0x2  }
0x78: {  	_ =	swait.ge @!p0 [sflag:s0], s1  }
0x79: {  	s1 =	ssub.s32 @!p0 $0x0, s1;
	[sflag:s0] =	ssyncset.done @!p0 $0x0  }
0x7a: {  	[sflag:s0] =	ssyncadd.s32 @!p0 s1  }
0x7b: {  	[bflag:$0x3] =	sbarrier.arrive $0xFFFF  }
0x7c: {  	_ =	shalt  }

// kernel: kernel.15.cloned.1.call-start
scs
__scs_entry_jumppad:
0x0: {  	(pc) =	sbr.rel $0x88, $3  }
0x1: {  	(tag) =	ssettag $0x0;
	lr =	simm.s32 $0x1  }
0x2: {  	[smem:$0x3F97] =	sst lr;
	_ =	strace $0xD0000000  }
0x3: {  	_ = 	snop  }
0x4: {  	_ = 	snop  }
0x5: {  	_ = 	snop  }
0x6: {  	_ = 	snop  }
0x7: {  	_ = 	snop  }
__scs_overlays_trampoline_lowered:
0x8: {  	[smem:$0x3FA6] =	sst s0  }
0x9: {  	[smem:$0x3FA7] =	sst s1  }
0xa: {  	[smem:$0x3FA8] =	sst s2  }
0xb: {  	[smem:$0x3FA9] =	sst s3  }
0xc: {  	[smem:$0x3FAA] =	sst s4  }
0xd: {  	[smem:$0x3FAB] =	sst s5  }
0xe: {  	[smem:$0x3FAC] =	sst s6  }
0xf: {  	[smem:$0x3FAD] =	sst s7  }
0x10: {  	[smem:$0x3FAE] =	sst s8  }
0x11: {  	[smem:$0x3FAF] =	sst s9;
	s0 =	simm.s32 @!p0 $0x0  }
0x12: {  	s1 =	sld [smem:$0x3F95];
	s0 =	simm.s32 @p0 $0x1  }
0x13: {  	[smem:$0x3FB0] =	sst s0;
	s0 =	simm.s32 @!p1 $0x0  }
0x14: {  	s2 =	sld [smem:$0x3F94];
	s0 =	simm.s32 @p1 $0x1  }
0x15: {  	[smem:$0x3FB1] =	sst s0;
	s0 =	simm.s32 @!p2 $0x0  }
0x16: {  	s3 =	sld [smem:$0x3FDB];
	s0 =	simm.s32 @p2 $0x1  }
0x17: {  	s4 =	simm.s32 $0x1BF5;
	[smem:$0x3FB3] =	sst s0  }
0x18: {  	s0 =	sld [smem:$0x3F96];
	_ =	swait.ge [sflag:s4], $0x0  }
0x19: {  	s7 =	sld [smem:$0x3F97]  }
0x1a: {  	s8 =	sadd.s32 $0xFFFFE003, lr  }
0x1b: {  	s9 =	sadd.s32 $0xFFFFFEF7, lr;
	s5 =	simm.s32 $0xFFFFFFFF;
	p2 =	slt.u32 s8, $0xFFFFF086  }
0x1c: {  	p1 =	slt.u32 s9, $0xF7A;
	s5 =	simm.s32 @!p2 $0x0  }
0x1d: {  	s5 =	simm.s32 @p1 $0x1;
	p0 =	seq.s32 s7, s2  }
0x1e: {  	s7 =	smul.u32 @!p0 $0xF7A, s2;
	p2 =	seq.s32 @!p0 s5, $0x0  }
0x1f: {  	s9 =	smul.u32 $0xF7A, s1;
	s8 =	simm.s32 @!p0 $0x1BF5;
	p2 =	por !p2, p0  }
0x20: {  	[sflag:s8] =	ssyncset.s32 @!p0 $0xFFFFF086;
	s6 =	sadd.s32 @!p0 s3, s7;
	s7 =	simm.s32 @!p0 $0x108  }
0x21: {  	s3 =	sadd.s32 s3, s9;
	s6 =	sadd.s32 @!p0 $0x88, s6;
	s7 =	simm.s32 @p2 $0x1082  }
0x22: {  	[simem:s7], [sflag:s8] =	dma.local @!p0 [hbm:s6], $0xF7A  }
0x23: {  	s9 =	sor.u32 $0xD0000000, s2;
	s6 =	simm.s32 $0x108;
	_ =	swait.ge @!p0 [sflag:s8], $0x0  }
0x24: {  	s3 =	sadd.s32 $0x88, s3;
	s6 =	simm.s32 @!p1 $0x1082;
	[sflag:s4] =	ssyncset.s32 $0xFFFFF086  }
0x25: {  	[simem:s6], [sflag:s4] =	dma.local [hbm:s3], $0xF7A  }
0x26: {  	[smem:$0x3F97] =	sst s1;
	(tag) =	ssettag s2;
	_ =	strace s9  }
0x27: {  	s1 =	sld [smem:$0x3FA7]  }
0x28: {  	s2 =	sld [smem:$0x3FA8]  }
0x29: {  	s4 =	sld [smem:$0x3FAA]  }
0x2a: {  	p0 =	seq.s32 s5, $0x0;
	s5 =	sld [smem:$0x3FAB]  }
0x2b: {  	s6 =	sld [smem:$0x3FAC]  }
0x2c: {  	s7 =	sld [smem:$0x3FAD]  }
0x2d: {  	s3 =	simm.s32 $0x108;
	s8 =	sld [smem:$0x3FAE]  }
0x2e: {  	s3 =	simm.s32 @!p0 $0x1082;
	s9 =	sld [smem:$0x3FAF]  }
0x2f: {  	lr =	sadd.s32 s0, s3;
	s0 =	sld [smem:$0x3FA6]  }
0x30: {  	s3 =	sld [smem:$0x3FA9]  }
0x31: {  	[smem:$0x3FB2] =	sst s10  }
0x32: {  	s10 =	sld [smem:$0x3FB0];
	_ =	sdelay $0x3  }
0x33: {  	p0 =	seq.s32 s10, $0x1;
	s10 =	sld [smem:$0x3FB2];
	_ =	sdelay $0x3  }
0x34: {  	[smem:$0x3FB2] =	sst s10  }
0x35: {  	s10 =	sld [smem:$0x3FB1];
	_ =	sdelay $0x3  }
0x36: {  	p1 =	seq.s32 s10, $0x1;
	s10 =	sld [smem:$0x3FB2];
	_ =	sdelay $0x3  }
0x37: {  	[smem:$0x3FB2] =	sst s10  }
0x38: {  	s10 =	sld [smem:$0x3FB3]  }
0x39: {  	_ = 	snop;
	(pc) =	sbr.ind lr, $3  }
0x3a: {  	_ = 	snop  }
0x3b: {  	_ = 	snop  }
0x3c: {  	p2 =	seq.s32 s10, $0x1;
	s10 =	sld [smem:$0x3FB2]  }
0x3d: {  	_ =	shalt  }
0x3e: {  	_ =	shalt  }
0x3f: {  	_ =	shalt  }
0x40: {  	_ =	shalt  }
0x41: {  	_ =	shalt  }
0x42: {  	_ =	shalt  }
0x43: {  	_ =	shalt  }
0x44: {  	_ =	shalt  }
0x45: {  	_ =	shalt  }
0x46: {  	_ =	shalt  }
0x47: {  	_ =	shalt  }
0x48: {  	_ =	shalt  }
0x49: {  	_ =	shalt  }
0x4a: {  	_ =	shalt  }
0x4b: {  	_ =	shalt  }
0x4c: {  	_ =	shalt  }
0x4d: {  	_ =	shalt  }
0x4e: {  	_ =	shalt  }
0x4f: {  	_ =	shalt  }
0x50: {  	_ =	shalt  }
0x51: {  	_ =	shalt  }
0x52: {  	_ =	shalt  }
0x53: {  	_ =	shalt  }
0x54: {  	_ =	shalt  }
0x55: {  	_ =	shalt  }
0x56: {  	_ =	shalt  }
0x57: {  	_ =	shalt  }
0x58: {  	_ =	shalt  }
0x59: {  	_ =	shalt  }
0x5a: {  	_ =	shalt  }
0x5b: {  	_ =	shalt  }
0x5c: {  	_ =	shalt  }
0x5d: {  	_ =	shalt  }
0x5e: {  	_ =	shalt  }
0x5f: {  	_ =	shalt  }
0x60: {  	_ =	shalt  }
0x61: {  	_ =	shalt  }
0x62: {  	_ =	shalt  }
0x63: {  	_ =	shalt  }
0x64: {  	_ =	shalt  }
0x65: {  	_ =	shalt  }
0x66: {  	_ =	shalt  }
0x67: {  	_ =	shalt  }
0x68: {  	_ =	shalt  }
0x69: {  	_ =	shalt  }
0x6a: {  	_ =	shalt  }
0x6b: {  	_ =	shalt  }
0x6c: {  	_ =	shalt  }
0x6d: {  	_ =	shalt  }
0x6e: {  	_ =	shalt  }
0x6f: {  	_ =	shalt  }
0x70: {  	_ =	shalt  }
0x71: {  	_ =	shalt  }
0x72: {  	_ =	shalt  }
0x73: {  	_ =	shalt  }
0x74: {  	_ =	shalt  }
0x75: {  	_ =	shalt  }
0x76: {  	_ =	shalt  }
0x77: {  	_ =	shalt  }
0x78: {  	_ =	shalt  }
0x79: {  	_ =	shalt  }
0x7a: {  	_ =	shalt  }
0x7b: {  	_ =	shalt  }
0x7c: {  	_ =	shalt  }
0x7d: {  	_ =	shalt  }
0x7e: {  	_ =	shalt  }
0x7f: {  	_ =	shalt  }
0x80: {  	_ =	shalt  }
0x81: {  	_ =	shalt  }
0x82: {  	_ =	shalt  }
0x83: {  	_ =	shalt  }
0x84: {  	_ =	shalt  }
0x85: {  	_ =	shalt  }
0x86: {  	_ =	shalt  }
0x87: {  	_ =	shalt  }
.Lfunc_end0:
.L_simem_size_0:
called_computation.1_lowered:
.L_overlay_start_0:
0x88: {  	s2 =	sld [smem:$0x3FD9]  }
0x89: {  	s3 =	sld [smem:$0x3FFE];
	_ =	sdelay $0x1  }
0x8a: {  	s1 =	srdreg.scid  }
0x8b: {  	s0 =	sand.u32 $0x1, s1  }
0x8c: {  	s16 =	sshll.u32 s0, $0xA;
	s2 =	sadd.s32 s3, s2  }
0x8d: {  	s2 =	sadd.s32 s2, s16  }
0x8e: {  	[smem:$0x3FBE] =	sst s2  }
0x8f: {  	_ = 	snop  }
0x90: {  	(tm) =	ssettm $0x1  }
0x91: {  	s17 =	sld [smem:$0x3FFB];
	_ =	sdelay $0x3  }
0x92: {  	_ =	strace s17  }
0x93: {  	s2 =	sld [smem:$0x3FFC];
	_ =	sdelay $0x3  }
0x94: {  	_ =	strace s2  }
0x95: {  	s2 =	sld [smem:$0x3FFD];
	_ =	sdelay $0x3  }
0x96: {  	_ =	strace s2  }
0x97: {  	_ =	strace $0x8FFFFFFF  }
0x98: {  	s18 =	sld [smem:$0x3FDB];
	_ =	sdelay $0x1  }
0x99: {  	s19 =	simm.s32 $_scs_section_size  }
0x9a: {  	s4 =	simm.s32 $_size__tile_overlayer_lowered;
	s5 =	simm.s32 $_tile_overlayer_lowered  }
0x9b: {  	s22 =	simm.s32 $0x1BFF;
	s21 =	sshll.u32 s5, $0x1;
	s2 =	sadd.s32 s19, s18  }
0x9c: {  	s6 =	simm.s32 $0x0;
	s20 =	sshll.u32 s4, $0x1;
	s4 =	sadd.s32 s21, s2  }
0x9d: {  	[timem:s6], [sflag:s22] =	dma.local [hbm:s4], s20  }
0x9e: {  	_ =	swait.ge [sflag:s22], s20  }
0x9f: {  	s3 =	ssub.s32 $0x0, s20;
	[sflag:s22] =	ssyncset.done $0x0  }
0xa0: {  	[sflag:s22] =	ssyncadd.s32 s3;
	_ =	sdelay $0x1  }
0xa1: {  	s23 =	simm.s32 $0x1B8B  }
0xa2: {  	_ =	swait.ge [sflag:s23], $0x1  }
0xa3: {  	[sflag:s23] =	ssyncset.done $0x0  }
0xa4: {  	s25 =	simm.s32 $0x1B8E;
	s24 =	sld [smem:$0x3FFE];
	[sflag:s23] =	ssyncadd.s32 $0xFFFFFFFF  }
0xa5: {  	s26 =	simm.s32 $execute0_lowered;
	[smem:$0x3FD2] =	sst s25  }
0xa6: {  	s4 =	sshll.u32 s26, $0x1;
	_ =	strace $0x80000049;
	[dreg:$0x1] =	wrdreg $0xFFFFFFFF  }
0xa7: {  	s28 =	simm.s32 $_size_execute0_lowered;
	s2 =	sadd.s32 s2, s4;
	[dreg:$0x0] =	wrdreg $0x0  }
0xa8: {  	s4 =	sshll.u32 s28, $0x1;
	[dreg:$0x2] =	wrdreg s2  }
0xa9: {  	[dreg:$0x3] =	wrdreg s4  }
0xaa: {  	[dreg:$0x4] =	wrdreg $0xC0  }
0xab: {  	_ =	task [dreg:s6], $0x5FFFF  }
0xac: {  	[dreg:$0x1] =	wrdreg $0xFFFFFFFF  }
0xad: {  	[dreg:$0x0] =	wrdreg $0x60  }
0xae: {  	[dreg:$0x2] =	wrdreg s24  }
0xaf: {  	[dreg:$0x3] =	wrdreg $0x1A6400  }
0xb0: {  	[dreg:$0x4] =	wrdreg $0x9  }
0xb1: {  	_ =	task.clear_ibuf [dreg:s6], $0x5FFFF;
	_ =	strace $0x90000049  }
0xb2: {  	s29 =	simm.s32 $0x9;
	_ =	strace $0x8000004B  }
0xb3: {  	_ =	swait.ge [sflag:s29], $0x1  }
0xb4: {  	[sflag:s29] =	ssyncadd.s32 $0xFFFFFFFF  }
0xb5: {  	_ =	strace $0x9000004B  }
0xb6: {  	_ =	sfence  }
0xb7: {  	s30 =	sld [smem:$0x0];
	_ =	sdelay $0x2  }
0xb8: {  	s31 =	sshll.u32 s1, $0xD;
	s1 =	sshrl.u32 s1, $0x2  }
0xb9: {  	s3 =	sand.u32 $0x4000, s31;
	s1 =	sadd.s32 s1, s30  }
0xba: {  	s0 =	sor.u32 s3, s0;
	s1 =	sshll.u32 s1, $0x11  }
0xbb: {  	s0 =	sor.u32 s1, s0  }
0xbc: {  	s0 =	sadd.s32 $0x8F2B, s0  }
0xbd: {  	[sflag:s0] =	ssyncadd.remote.s32 $0x1  }
0xbe: {  	_ =	sfence.sel $0xFFFF  }
0xbf: {  	[dreg:$0x0] =	wrdreg $0xFFFFFFFF;
	(pc) =	sbr.abs _section_cstart, $3  }
0xc0: {  	[dreg:$0x1] =	wrdreg $0xFFFFFFFF  }
0xc1: {  	_ =	task.clear_ibuf [dreg:s6], $0x2FFFF;
	_ =	strace $0x9FFFFFFF  }
0xc2: {  	(tm) =	ssettm $0x7FFFFFFF  }
0xc3: {  	_ =	shalt  }
tec
execute0_lowered:
.L_overlay_start_1:
0x0: {  	(tag) =	ssettag $0x1  }
0x1: {  	s4 =	rddreg [dreg:$0x0]  }
0x2: {  	s1 =	rddreg [dreg:$0x1];
	s2 =	srdreg.scid  }
0x3: {  	s0 =	rddreg [dreg:$0x2];
	s5 =	sand.u32 $0x1, s2  }
0x4: {  	s3 =	simm.s32 $0x0;
	s2 =	stileid.u32;
	s6 =	smul.u32 $0x9C40, s5  }
0x5: {  	s15 =	simm.s32 $0x19640;
	s16 =	simm.s32 $0x9C40;
	s7 =	smul.u32 $0x9C4, s2  }
0x6: {  	s17 =	simm.s32 $0x1;
	s18 =	simm.s32 $0x3E8;
	s28 =	smul.u32 $0xA000, s5  }
0x7: {  	s19 =	simm.s32 $0x2;
	[smem:$0x7FF] =	sst s3;
	s8 =	smul.u32 $0x14000, s2  }
0x8: {  	_ =	strace $0x8000004A;
	s5 =	ssub.s32 $0x2, s5;
	s13 =	smul.u32 $0xA000, s2  }
0x9: {  	s29 =	sshrl.u32 s5, $0x1;
	s11 =	sadd.s32 s6, s4;
	s7 =	sadd.s32 s7, s4  }
0xa: {  	s12 =	sadd.s32 s28, s4;
	s14 =	ssub.s32 s5, s29;
	s30 =	sshrl.u32 s8, $0x2  }
0xb: {  	s31 =	sshrl.u32 s13, $0x1;
	s21 =	sshrl.u32 s13, $0x4;
	s13 =	simm.s32 $0x3  }
.Ltmp0:
0xc: {  	s4 =	sadd.s32 $0xCE00, s7;
	s5 =	sadd.s32 $0x3000, s7;
	(pc) =	sbr.rel .LBB2_1-.Ltmp0, $4  }
0xd: {  	s10 =	sadd.s32 s30, s1;
	s6 =	sadd.s32 s31, s1;
	s11 =	sadd.s32 $0x16C00, s11  }
0xe: {  	s20 =	sadd.s32 $0x2A600, s12;
	s12 =	smax.u32 s14, $0x1;
	s14 =	simm.s32 $0x4E20  }
0xf: {  	s7 =	sadd.s32 $0x1000, s10;
	s8 =	sadd.s32 $0x2000, s10;
	s9 =	sadd.s32 $0x3000, s10  }
0x10: {  	v0 =	vimm.bf16 $0.0e+00;
	s10 =	sadd.s32 $0x4000, s10;
	s20 =	sadd.s32 s21, s20;
	s21 =	simm.s32 $0x0  }
.LBB2_6:
0x11: {  	_ =	swait.ge [sflag:s19], $0x7D00  }
0x12: {  	s22 =	sshll.u32 s2, $0x6;
	s21 =	sadd.s32 $0x1, s21;
	[sflag:s19] =	ssyncset.done $0x0  }
0x13: {  	s23 =	sshrl.u32 s6, $0x3;
	p0 =	sne.s32 s21, s12;
	[sflag:s19] =	ssyncadd.s32 $0xFFFF8300  }
.Ltmp1:
0x14: {  	s22 =	sor.u32 $0x1C03, s22;
	[bflag:$0x0] =	sbarrier.arrive $0xFFFF;
	(pc) =	sbr.rel @!p0 .LBB2_7-.Ltmp1, $4  }
0x15: {  	[hbm:s20], [sflag:s22] =	dma.local [spmem:s23], $0xA00  }
0x16: {  	_ =	swait.ge [sflag:s13], $0xA00  }
0x17: {  	[sflag:s13] =	ssyncset.done $0x0  }
0x18: {  	[sflag:s13] =	ssyncadd.s32 $0xFFFFF600  }
.LBB2_1:
0x19: {  	[tilespmem:s3], [sflag:$0x3] =	stream.linear.gather [hbm4b:s4+s3], $0x4E20, $0x38;
	[tilespmem:$0x1F640] =	vst v63  }
0x1a: {  	_ =	swait.ge [sflag:s13], $0x4E20  }
0x1b: {  	[sflag:s13] =	ssyncset.done $0x0  }
0x1c: {  	[sflag:s13] =	ssyncadd.s32 $0xFFFFB1E0  }
0x1d: {  	[tilespmem:s14], [sflag:$0x3] =	stream.linear.gather [hbm4b:s5+s3], $0x4E20, $0x38;
	[tilespmem:$0x1F640] =	vst v63  }
0x1e: {  	s22 =	sand.u32 $0x3F80, s3;
	s23 =	sand.u32 $0x20, s3;
	_ =	swait.ge [sflag:s13], $0x4E20  }
0x1f: {  	s22 =	sshrl.u32 s22, $0x2;
	s23 =	sshrl.u32 s23, $0x1;
	[sflag:s13] =	ssyncset.done $0x0  }
0x20: {  	s23 =	sor.u32 s23, s22;
	[sflag:s13] =	ssyncadd.s32 $0xFFFFB1E0  }
0x21: {  	s22 =	simm.s32 $0x40;
	[tilespmem:s23+$0x19640] =	vst v0;
	s23 =	simm.s32 $0x0  }
.LBB2_2:
0x22: {  	p0 =	sne.s32 s22, $0x3FC0  }
.Ltmp2:
0x23: {  	s24 =	sand.u32 $0x3F80, s22;
	s23 =	sadd.s32 $0x20, s23;
	(pc) =	sbr.rel @p0 .LBB2_2-.Ltmp2, $4  }
0x24: {  	s22 =	sadd.s32 $0x40, s22;
	s25 =	sand.u32 $0x20, s23  }
0x25: {  	s24 =	sshrl.u32 s24, $0x2;
	s25 =	sshrl.u32 s25, $0x1  }
0x26: {  	s24 =	sor.u32 s25, s24  }
0x27: {  	[tilespmem:s24+$0x19640] =	vst v0  }
0x28: {  	[spmem:s6] =	stream.linear.scatter [tilespmem:s15], [sflag:$0x3], $0x1000, $0x38;
	[tilespmem:$0x1F640] =	vst v63  }
0x29: {  	_ =	swait.ge [sflag:s13], $0x1000  }
0x2a: {  	[sflag:s13] =	ssyncset.done $0x0  }
0x2b: {  	[sflag:s13] =	ssyncadd.s32 $0xFFFFF000  }
0x2c: {  	[spmem:s7] =	stream.linear.scatter [tilespmem:s15], [sflag:$0x3], $0x1000, $0x38;
	[tilespmem:$0x1F640] =	vst v63  }
0x2d: {  	_ =	swait.ge [sflag:s13], $0x1000  }
0x2e: {  	[sflag:s13] =	ssyncset.done $0x0  }
0x2f: {  	[sflag:s13] =	ssyncadd.s32 $0xFFFFF000  }
0x30: {  	[spmem:s8] =	stream.linear.scatter [tilespmem:s15], [sflag:$0x3], $0x1000, $0x38;
	[tilespmem:$0x1F640] =	vst v63  }
0x31: {  	_ =	swait.ge [sflag:s13], $0x1000  }
0x32: {  	[sflag:s13] =	ssyncset.done $0x0  }
0x33: {  	[sflag:s13] =	ssyncadd.s32 $0xFFFFF000  }
0x34: {  	[spmem:s9] =	stream.linear.scatter [tilespmem:s15], [sflag:$0x3], $0x1000, $0x38;
	[tilespmem:$0x1F640] =	vst v63  }
0x35: {  	_ =	swait.ge [sflag:s13], $0x1000  }
0x36: {  	[sflag:s13] =	ssyncset.done $0x0  }
0x37: {  	[sflag:s13] =	ssyncadd.s32 $0xFFFFF000  }
0x38: {  	[spmem:s10] =	stream.linear.scatter [tilespmem:s15], [sflag:$0x3], $0x1000, $0x38;
	[tilespmem:$0x1F640] =	vst v63  }
0x39: {  	_ =	swait.ge [sflag:s13], $0x1000  }
0x3a: {  	[sflag:s13] =	ssyncset.done $0x0  }
0x3b: {  	s22 =	simm.s32 $0x3E8;
	[sflag:s13] =	ssyncadd.s32 $0xFFFFF000  }
0x3c: {  	s23 =	simm.s32 $0x0;
	s24 =	simm.s32 $0x4E20;
	[bflag:$0x0] =	sbarrier.arrive $0xFFFF  }
0x3d: {  	[tilespmem:s16], [sflag:$0x1] =	stream.indirect.gather [hbm4b:s11+s22], $0x20, s23, s22, $0xb8;
	[tilespmem:$0x1F640] =	vst v63  }
.LBB2_4:
0x3e: {  	s25 =	sand.u32 $0x1, s23  }
0x3f: {  	s26 =	smul.u32 $0x1F400, s25  }
0x40: {  	_ =	swait.ge [sflag:s17], $0x7D00;
	p0 =	seq.s32 s23, $0x0  }
0x41: {  	[sflag:s17] =	ssyncset.done $0x0;
	p1 =	seq.s32 @!p0 s23, $0x13;
	s26 =	sshrl.u32 s26, $0x2  }
0x42: {  	[sflag:s17] =	ssyncadd.s32 $0xFFFF8300;
	p1 =	por p0, !p1;
	s26 =	sadd.s32 $0x9C40, s26  }
0x43: {  	[spmem:s1] =	stream.indirect.scatter.add.bf16 [tilespmem:s26], [sflag:$0x2], $0x20, s24, s18, $0xb8;
	[tilespmem:$0x1F640] =	vst v63  }
.Ltmp3:
0x44: {  	_ = 	snop;
	(pc) =	sbr.rel @!p1 .LBB2_6-.Ltmp3, $4  }
0x45: {  	s26 =	simm.s32 @!p0 $0x2  }
0x46: {  	_ =	swait.ge @!p0 [sflag:s26], $0x7D00  }
0x47: {  	[sflag:s26] =	ssyncset.done @!p0 $0x0  }
0x48: {  	[sflag:s26] =	ssyncadd.s32 @!p0 $0xFFFF8300  }
0x49: {  	s25 =	sxor.u32 $0x1, s25  }
0x4a: {  	s25 =	smul.u32 $0x1F400, s25  }
.Ltmp4:
0x4b: {  	_ = 	snop;
	(pc) =	sbr.rel .LBB2_4-.Ltmp4, $4  }
0x4c: {  	s25 =	sshrl.u32 s25, $0x2  }
0x4d: {  	s25 =	sadd.s32 $0x9C40, s25  }
0x4e: {  	[tilespmem:s25], [sflag:$0x1] =	stream.indirect.gather [hbm4b:s11+s18], $0x20, s22, s18, $0xb8;
	[tilespmem:$0x1F640] =	vst v63  }
0x4f: {  	s23 =	sadd.s32 $0x1, s23;
	s24 =	sadd.s32 $0x3E8, s24;
	s22 =	sadd.s32 $0x3E8, s22  }
.LBB2_7:
0x50: {  	_ =	sfence.sel $0x180000  }
0x51: {  	[bflag:$0x0] =	sbarrier.arrive $0xFFFF  }
0x52: {  	p0 =	sne.s32 s2, $0x0;
	_ =	strace $0x9000004A  }
0x53: {  	s0 =	sadd.s32 @!p0 $0x100000, s0;
	[bflag:$0x2] =	sbarrier.arrive $0xFFFF  }
0x54: {  	[sflag:s0] =	ssyncadd.tile.s32 @!p0 $0x1;
	_ =	shalt  }
.Lfunc_end2:
_tile_overlayer_lowered:
.L_overlay_start_2:
0x55: {  	(tag) =	ssettag $0x2  }
0x56: {  	s0 =	rddreg [dreg:$0x0];
	s2 =	stileid.u32  }
0x57: {  	s1 =	rddreg [dreg:$0x1];
	p0 =	sne.s32 s2, $0x0  }
0x58: {  	s3 =	rddreg [dreg:$0x2];
	[bflag:$0x3] =	sbarrier.arrive $0xFFFF;
	s2 =	simm.s32 @!p0 $0x1C03  }
0x59: {  	[timem:s3], [sflag:s2] =	dma.local @!p0 [hbm:s0], s1  }
0x5a: {  	s0 =	simm.s32 @!p0 $0x3  }
0x5b: {  	_ =	swait.ge @!p0 [sflag:s0], s1  }
0x5c: {  	s1 =	ssub.s32 @!p0 $0x0, s1;
	[sflag:s0] =	ssyncset.done @!p0 $0x0  }
0x5d: {  	[sflag:s0] =	ssyncadd.s32 @!p0 s1  }
0x5e: {  	[bflag:$0x3] =	sbarrier.arrive $0xFFFF  }
0x5f: {  	_ =	shalt  }

// kernel: kernel.18.cloned.1.call-start
scs
__scs_entry_jumppad:
0x0: {  	(pc) =	sbr.rel $0x88, $3  }
0x1: {  	(tag) =	ssettag $0x0;
	lr =	simm.s32 $0x1  }
0x2: {  	[smem:$0x3F97] =	sst lr;
	_ =	strace $0xD0000000  }
0x3: {  	_ = 	snop  }
0x4: {  	_ = 	snop  }
0x5: {  	_ = 	snop  }
0x6: {  	_ = 	snop  }
0x7: {  	_ = 	snop  }
__scs_overlays_trampoline_lowered:
0x8: {  	[smem:$0x3FA6] =	sst s0  }
0x9: {  	[smem:$0x3FA7] =	sst s1  }
0xa: {  	[smem:$0x3FA8] =	sst s2  }
0xb: {  	[smem:$0x3FA9] =	sst s3  }
0xc: {  	[smem:$0x3FAA] =	sst s4  }
0xd: {  	[smem:$0x3FAB] =	sst s5  }
0xe: {  	[smem:$0x3FAC] =	sst s6  }
0xf: {  	[smem:$0x3FAD] =	sst s7  }
0x10: {  	[smem:$0x3FAE] =	sst s8  }
0x11: {  	[smem:$0x3FAF] =	sst s9;
	s0 =	simm.s32 @!p0 $0x0  }
0x12: {  	s1 =	sld [smem:$0x3F95];
	s0 =	simm.s32 @p0 $0x1  }
0x13: {  	[smem:$0x3FB0] =	sst s0;
	s0 =	simm.s32 @!p1 $0x0  }
0x14: {  	s2 =	sld [smem:$0x3F94];
	s0 =	simm.s32 @p1 $0x1  }
0x15: {  	[smem:$0x3FB1] =	sst s0;
	s0 =	simm.s32 @!p2 $0x0  }
0x16: {  	s3 =	sld [smem:$0x3FDB];
	s0 =	simm.s32 @p2 $0x1  }
0x17: {  	s4 =	simm.s32 $0x1BF5;
	[smem:$0x3FB3] =	sst s0  }
0x18: {  	s0 =	sld [smem:$0x3F96];
	_ =	swait.ge [sflag:s4], $0x0  }
0x19: {  	s7 =	sld [smem:$0x3F97]  }
0x1a: {  	s8 =	sadd.s32 $0xFFFFE003, lr  }
0x1b: {  	s9 =	sadd.s32 $0xFFFFFEF7, lr;
	s5 =	simm.s32 $0xFFFFFFFF;
	p2 =	slt.u32 s8, $0xFFFFF086  }
0x1c: {  	p1 =	slt.u32 s9, $0xF7A;
	s5 =	simm.s32 @!p2 $0x0  }
0x1d: {  	s5 =	simm.s32 @p1 $0x1;
	p0 =	seq.s32 s7, s2  }
0x1e: {  	s7 =	smul.u32 @!p0 $0xF7A, s2;
	p2 =	seq.s32 @!p0 s5, $0x0  }
0x1f: {  	s9 =	smul.u32 $0xF7A, s1;
	s8 =	simm.s32 @!p0 $0x1BF5;
	p2 =	por !p2, p0  }
0x20: {  	[sflag:s8] =	ssyncset.s32 @!p0 $0xFFFFF086;
	s6 =	sadd.s32 @!p0 s3, s7;
	s7 =	simm.s32 @!p0 $0x108  }
0x21: {  	s3 =	sadd.s32 s3, s9;
	s6 =	sadd.s32 @!p0 $0x88, s6;
	s7 =	simm.s32 @p2 $0x1082  }
0x22: {  	[simem:s7], [sflag:s8] =	dma.local @!p0 [hbm:s6], $0xF7A  }
0x23: {  	s9 =	sor.u32 $0xD0000000, s2;
	s6 =	simm.s32 $0x108;
	_ =	swait.ge @!p0 [sflag:s8], $0x0  }
0x24: {  	s3 =	sadd.s32 $0x88, s3;
	s6 =	simm.s32 @!p1 $0x1082;
	[sflag:s4] =	ssyncset.s32 $0xFFFFF086  }
0x25: {  	[simem:s6], [sflag:s4] =	dma.local [hbm:s3], $0xF7A  }
0x26: {  	[smem:$0x3F97] =	sst s1;
	(tag) =	ssettag s2;
	_ =	strace s9  }
0x27: {  	s1 =	sld [smem:$0x3FA7]  }
0x28: {  	s2 =	sld [smem:$0x3FA8]  }
0x29: {  	s4 =	sld [smem:$0x3FAA]  }
0x2a: {  	p0 =	seq.s32 s5, $0x0;
	s5 =	sld [smem:$0x3FAB]  }
0x2b: {  	s6 =	sld [smem:$0x3FAC]  }
0x2c: {  	s7 =	sld [smem:$0x3FAD]  }
0x2d: {  	s3 =	simm.s32 $0x108;
	s8 =	sld [smem:$0x3FAE]  }
0x2e: {  	s3 =	simm.s32 @!p0 $0x1082;
	s9 =	sld [smem:$0x3FAF]  }
0x2f: {  	lr =	sadd.s32 s0, s3;
	s0 =	sld [smem:$0x3FA6]  }
0x30: {  	s3 =	sld [smem:$0x3FA9]  }
0x31: {  	[smem:$0x3FB2] =	sst s10  }
0x32: {  	s10 =	sld [smem:$0x3FB0];
	_ =	sdelay $0x3  }
0x33: {  	p0 =	seq.s32 s10, $0x1;
	s10 =	sld [smem:$0x3FB2];
	_ =	sdelay $0x3  }
0x34: {  	[smem:$0x3FB2] =	sst s10  }
0x35: {  	s10 =	sld [smem:$0x3FB1];
	_ =	sdelay $0x3  }
0x36: {  	p1 =	seq.s32 s10, $0x1;
	s10 =	sld [smem:$0x3FB2];
	_ =	sdelay $0x3  }
0x37: {  	[smem:$0x3FB2] =	sst s10  }
0x38: {  	s10 =	sld [smem:$0x3FB3]  }
0x39: {  	_ = 	snop;
	(pc) =	sbr.ind lr, $3  }
0x3a: {  	_ = 	snop  }
0x3b: {  	_ = 	snop  }
0x3c: {  	p2 =	seq.s32 s10, $0x1;
	s10 =	sld [smem:$0x3FB2]  }
0x3d: {  	_ =	shalt  }
0x3e: {  	_ =	shalt  }
0x3f: {  	_ =	shalt  }
0x40: {  	_ =	shalt  }
0x41: {  	_ =	shalt  }
0x42: {  	_ =	shalt  }
0x43: {  	_ =	shalt  }
0x44: {  	_ =	shalt  }
0x45: {  	_ =	shalt  }
0x46: {  	_ =	shalt  }
0x47: {  	_ =	shalt  }
0x48: {  	_ =	shalt  }
0x49: {  	_ =	shalt  }
0x4a: {  	_ =	shalt  }
0x4b: {  	_ =	shalt  }
0x4c: {  	_ =	shalt  }
0x4d: {  	_ =	shalt  }
0x4e: {  	_ =	shalt  }
0x4f: {  	_ =	shalt  }
0x50: {  	_ =	shalt  }
0x51: {  	_ =	shalt  }
0x52: {  	_ =	shalt  }
0x53: {  	_ =	shalt  }
0x54: {  	_ =	shalt  }
0x55: {  	_ =	shalt  }
0x56: {  	_ =	shalt  }
0x57: {  	_ =	shalt  }
0x58: {  	_ =	shalt  }
0x59: {  	_ =	shalt  }
0x5a: {  	_ =	shalt  }
0x5b: {  	_ =	shalt  }
0x5c: {  	_ =	shalt  }
0x5d: {  	_ =	shalt  }
0x5e: {  	_ =	shalt  }
0x5f: {  	_ =	shalt  }
0x60: {  	_ =	shalt  }
0x61: {  	_ =	shalt  }
0x62: {  	_ =	shalt  }
0x63: {  	_ =	shalt  }
0x64: {  	_ =	shalt  }
0x65: {  	_ =	shalt  }
0x66: {  	_ =	shalt  }
0x67: {  	_ =	shalt  }
0x68: {  	_ =	shalt  }
0x69: {  	_ =	shalt  }
0x6a: {  	_ =	shalt  }
0x6b: {  	_ =	shalt  }
0x6c: {  	_ =	shalt  }
0x6d: {  	_ =	shalt  }
0x6e: {  	_ =	shalt  }
0x6f: {  	_ =	shalt  }
0x70: {  	_ =	shalt  }
0x71: {  	_ =	shalt  }
0x72: {  	_ =	shalt  }
0x73: {  	_ =	shalt  }
0x74: {  	_ =	shalt  }
0x75: {  	_ =	shalt  }
0x76: {  	_ =	shalt  }
0x77: {  	_ =	shalt  }
0x78: {  	_ =	shalt  }
0x79: {  	_ =	shalt  }
0x7a: {  	_ =	shalt  }
0x7b: {  	_ =	shalt  }
0x7c: {  	_ =	shalt  }
0x7d: {  	_ =	shalt  }
0x7e: {  	_ =	shalt  }
0x7f: {  	_ =	shalt  }
0x80: {  	_ =	shalt  }
0x81: {  	_ =	shalt  }
0x82: {  	_ =	shalt  }
0x83: {  	_ =	shalt  }
0x84: {  	_ =	shalt  }
0x85: {  	_ =	shalt  }
0x86: {  	_ =	shalt  }
0x87: {  	_ =	shalt  }
.Lfunc_end0:
.L_simem_size_0:
called_computation.2_lowered:
.L_overlay_start_0:
0x88: {  	s2 =	sld [smem:$0x3FD9]  }
0x89: {  	s3 =	sld [smem:$0x3FFE];
	_ =	sdelay $0x1  }
0x8a: {  	s1 =	srdreg.scid  }
0x8b: {  	s0 =	sand.u32 $0x1, s1  }
0x8c: {  	s17 =	sshll.u32 s0, $0xA;
	s2 =	sadd.s32 s3, s2  }
0x8d: {  	s2 =	sadd.s32 s2, s17  }
0x8e: {  	[smem:$0x3FBE] =	sst s2  }
0x8f: {  	_ = 	snop  }
0x90: {  	s2 =	sld [smem:$0x3FD0];
	(tm) =	ssettm $0x1  }
0x91: {  	s18 =	sld [smem:$0x3FFB];
	_ =	sdelay $0x3  }
0x92: {  	_ =	strace s18  }
0x93: {  	s3 =	sld [smem:$0x3FFC];
	_ =	sdelay $0x3  }
0x94: {  	_ =	strace s3  }
0x95: {  	s3 =	sld [smem:$0x3FFD];
	_ =	sdelay $0x3  }
0x96: {  	_ =	strace s3  }
0x97: {  	_ =	strace $0x8FFFFFFF  }
0x98: {  	s19 =	sld [smem:$0x3FDB];
	_ =	sdelay $0x1  }
0x99: {  	s4 =	simm.s32 $_scs_section_size  }
0x9a: {  	s5 =	simm.s32 $_size__tile_overlayer_lowered;
	s6 =	simm.s32 $_tile_overlayer_lowered  }
0x9b: {  	s22 =	simm.s32 $0x1BFF;
	s21 =	sshll.u32 s6, $0x1;
	s3 =	sadd.s32 s4, s19  }
0x9c: {  	s7 =	simm.s32 $0x0;
	s20 =	sshll.u32 s5, $0x1;
	s5 =	sadd.s32 s21, s3  }
0x9d: {  	[timem:s7], [sflag:s22] =	dma.local [hbm:s5], s20  }
0x9e: {  	_ =	swait.ge [sflag:s22], s20  }
0x9f: {  	s4 =	ssub.s32 $0x0, s20;
	[sflag:s22] =	ssyncset.done $0x0  }
0xa0: {  	[sflag:s22] =	ssyncadd.s32 s4;
	_ =	sdelay $0x1  }
0xa1: {  	s23 =	simm.s32 $0x1B8B  }
0xa2: {  	_ =	swait.ge [sflag:s23], $0x1  }
0xa3: {  	[sflag:s23] =	ssyncset.done $0x0  }
0xa4: {  	s25 =	simm.s32 $0x1B8E;
	s24 =	sld [smem:$0x3FFE];
	[sflag:s23] =	ssyncadd.s32 $0xFFFFFFFF  }
0xa5: {  	s26 =	simm.s32 $execute0_lowered;
	[smem:$0x3FD2] =	sst s25  }
0xa6: {  	s5 =	sshll.u32 s26, $0x1;
	_ =	strace $0x8000004C;
	[dreg:$0x1] =	wrdreg $0xFFFFFFFF  }
0xa7: {  	s28 =	simm.s32 $_size_execute0_lowered;
	s3 =	sadd.s32 s3, s5;
	[dreg:$0x0] =	wrdreg $0x0  }
0xa8: {  	s5 =	sshll.u32 s28, $0x1;
	[dreg:$0x2] =	wrdreg s3  }
0xa9: {  	[dreg:$0x3] =	wrdreg s5  }
0xaa: {  	[dreg:$0x4] =	wrdreg $0xC0  }
0xab: {  	_ =	task [dreg:s7], $0x5FFFF  }
0xac: {  	[dreg:$0x1] =	wrdreg $0xFFFFFFFF  }
0xad: {  	[dreg:$0x0] =	wrdreg $0x60  }
0xae: {  	[dreg:$0x2] =	wrdreg s24  }
0xaf: {  	[dreg:$0x3] =	wrdreg s2  }
0xb0: {  	[dreg:$0x4] =	wrdreg $0x18EC00  }
0xb1: {  	[dreg:$0x5] =	wrdreg $0x9  }
0xb2: {  	_ =	task.clear_ibuf [dreg:s7], $0x6FFFF;
	_ =	strace $0x9000004C  }
0xb3: {  	s29 =	simm.s32 $0x9;
	_ =	strace $0x8000004E  }
0xb4: {  	_ =	swait.ge [sflag:s29], $0x1  }
0xb5: {  	[sflag:s29] =	ssyncadd.s32 $0xFFFFFFFF  }
0xb6: {  	_ =	strace $0x9000004E  }
0xb7: {  	_ =	sfence  }
0xb8: {  	s30 =	sld [smem:$0x0];
	_ =	sdelay $0x2  }
0xb9: {  	s31 =	sshll.u32 s1, $0xD;
	s1 =	sshrl.u32 s1, $0x2  }
0xba: {  	s3 =	sand.u32 $0x4000, s31;
	s1 =	sadd.s32 s1, s30  }
0xbb: {  	s0 =	sor.u32 s3, s0;
	s1 =	sshll.u32 s1, $0x11  }
0xbc: {  	s0 =	sor.u32 s1, s0  }
0xbd: {  	s0 =	sadd.s32 $0x8F2B, s0  }
0xbe: {  	[sflag:s0] =	ssyncadd.remote.s32 $0x1  }
0xbf: {  	_ =	sfence.sel $0xFFFF  }
0xc0: {  	[dreg:$0x0] =	wrdreg $0xFFFFFFFF;
	(pc) =	sbr.abs _section_cstart, $3  }
0xc1: {  	[dreg:$0x1] =	wrdreg $0xFFFFFFFF  }
0xc2: {  	_ =	task.clear_ibuf [dreg:s7], $0x2FFFF;
	_ =	strace $0x9FFFFFFF  }
0xc3: {  	(tm) =	ssettm $0x7FFFFFFF  }
tec
execute0_lowered:
.L_overlay_start_1:
0x0: {  	(tag) =	ssettag $0x1  }
0x1: {  	s5 =	rddreg [dreg:$0x0]  }
0x2: {  	s12 =	rddreg [dreg:$0x1]  }
0x3: {  	s2 =	rddreg [dreg:$0x2]  }
0x4: {  	s0 =	rddreg [dreg:$0x3];
	s4 =	srdreg.scid  }
0x5: {  	s1 =	stileid.u32;
	s3 =	simm.s32 $0x0;
	s15 =	simm.s32 $0x2720  }
0x6: {  	s16 =	simm.s32 $0x186C0;
	s17 =	simm.s32 $0x9C4;
	s18 =	simm.s32 $0x4E40  }
0x7: {  	s19 =	simm.s32 $0x1;
	s20 =	simm.s32 $0x2;
	s23 =	simm.s32 $0x0  }
0x8: {  	s6 =	sand.u32 $0x1, s4;
	s29 =	sshll.u32 s1, $0x1;
	s9 =	smul.u32 $0xA000, s1  }
0x9: {  	[smem:$0x7FF] =	sst s3;
	s10 =	smul.u32 $0x500, s1;
	s21 =	sshll.u32 s1, $0x6  }
0xa: {  	s4 =	sor.u32 s6, s29;
	_ =	strace $0x8000004D;
	s11 =	smul.u32 $0x5000, s6  }
0xb: {  	s8 =	ssub.s32 $0x2, s6;
	s21 =	sor.u32 $0x1C03, s21;
	s7 =	smul.u32 $0x4E4, s4  }
0xc: {  	s4 =	sadd.s32 $0x3000, s5;
	s30 =	sshrl.u32 s8, $0x1;
	s31 =	sshrl.u32 s9, $0x2  }
.Ltmp0:
0xd: {  	s13 =	ssub.s32 s8, s30;
	s14 =	sadd.s32 s10, s11;
	(pc) =	sbr.rel .LBB2_1-.Ltmp0, $4  }
0xe: {  	s7 =	sadd.s32 s7, s5;
	s12 =	sadd.s32 s12, s14;
	s13 =	smax.u32 s13, $0x1  }
0xf: {  	s5 =	sadd.s32 $0x48400, s7;
	s6 =	sadd.s32 $0x3E600, s7;
	s7 =	sadd.s32 s31, s2  }
0x10: {  	s14 =	simm.s32 $0x3;
	s8 =	sadd.s32 $0x800, s7;
	s9 =	sadd.s32 $0x1000, s7  }
0x11: {  	v0 =	vimm.bf16 $0.0e+00;
	s10 =	sadd.s32 $0x1800, s7;
	s11 =	sadd.s32 $0x2000, s7;
	s22 =	sshrl.u32 s7, $0x3  }
.LBB2_6:
0x12: {  	_ =	swait.ge [sflag:s20], $0x9C40  }
0x13: {  	s23 =	sadd.s32 $0x1, s23;
	[sflag:s20] =	ssyncset.done $0x0  }
0x14: {  	p0 =	sne.s32 s23, s13;
	[sflag:s20] =	ssyncadd.s32 $0xFFFF63C0  }
.Ltmp1:
0x15: {  	[bflag:$0x0] =	sbarrier.arrive $0xFFFF;
	(pc) =	sbr.rel @!p0 .LBB2_7-.Ltmp1, $4  }
0x16: {  	[hbm:s12], [sflag:s21] =	dma.local [spmem:s22], $0x500  }
0x17: {  	_ =	swait.ge [sflag:s14], $0x500  }
0x18: {  	[sflag:s14] =	ssyncset.done $0x0  }
0x19: {  	[sflag:s14] =	ssyncadd.s32 $0xFFFFFB00  }
.LBB2_1:
0x1a: {  	[tilespmem:s3], [sflag:$0x3] =	stream.linear.gather [hbm4b:s5+s3], $0x2720, $0x38;
	[tilespmem:$0x1B6C0] =	vst v63  }
0x1b: {  	_ =	swait.ge [sflag:s14], $0x2720  }
0x1c: {  	[sflag:s14] =	ssyncset.done $0x0  }
0x1d: {  	[sflag:s14] =	ssyncadd.s32 $0xFFFFD8E0  }
0x1e: {  	[tilespmem:s15], [sflag:$0x3] =	stream.linear.gather [hbm4b:s6+s3], $0x2720, $0x38;
	[tilespmem:$0x1B6C0] =	vst v63  }
0x1f: {  	_ =	swait.ge [sflag:s14], $0x2720  }
0x20: {  	[sflag:s14] =	ssyncset.done $0x0  }
0x21: {  	s24 =	simm.s32 $0x40;
	s25 =	simm.s32 $0x0;
	[sflag:s14] =	ssyncadd.s32 $0xFFFFD8E0  }
.LBB2_2:
0x22: {  	p0 =	sne.s32 s24, $0x1FC0;
	[tilespmem:s25+$0x186C0] =	vst v0;
	s25 =	smov.u32 s24;
	s24 =	sadd.s32 $0x40, s24  }
.Ltmp2:
0x23: {  	(pc) =	sbr.rel @p0 .LBB2_2-.Ltmp2, $2  }
0x24: {  	_ =	sdelay $0x2  }
0x25: {  	s25 =	sshra.s32 s25, $0x2  }
0x26: {  	[tilespmem:s25+$0x186C0] =	vst v0  }
0x27: {  	[spmem:s7] =	stream.linear.scatter [tilespmem:s16], [sflag:$0x3], $0x800, $0x38;
	[tilespmem:$0x1B6C0] =	vst v63  }
0x28: {  	_ =	swait.ge [sflag:s14], $0x800  }
0x29: {  	[sflag:s14] =	ssyncset.done $0x0  }
0x2a: {  	[sflag:s14] =	ssyncadd.s32 $0xFFFFF800  }
0x2b: {  	[spmem:s8] =	stream.linear.scatter [tilespmem:s16], [sflag:$0x3], $0x800, $0x38;
	[tilespmem:$0x1B6C0] =	vst v63  }
0x2c: {  	_ =	swait.ge [sflag:s14], $0x800  }
0x2d: {  	[sflag:s14] =	ssyncset.done $0x0  }
0x2e: {  	[sflag:s14] =	ssyncadd.s32 $0xFFFFF800  }
0x2f: {  	[spmem:s9] =	stream.linear.scatter [tilespmem:s16], [sflag:$0x3], $0x800, $0x38;
	[tilespmem:$0x1B6C0] =	vst v63  }
0x30: {  	_ =	swait.ge [sflag:s14], $0x800  }
0x31: {  	[sflag:s14] =	ssyncset.done $0x0  }
0x32: {  	[sflag:s14] =	ssyncadd.s32 $0xFFFFF800  }
0x33: {  	[spmem:s10] =	stream.linear.scatter [tilespmem:s16], [sflag:$0x3], $0x800, $0x38;
	[tilespmem:$0x1B6C0] =	vst v63  }
0x34: {  	_ =	swait.ge [sflag:s14], $0x800  }
0x35: {  	[sflag:s14] =	ssyncset.done $0x0  }
0x36: {  	[sflag:s14] =	ssyncadd.s32 $0xFFFFF800  }
0x37: {  	[spmem:s11] =	stream.linear.scatter [tilespmem:s16], [sflag:$0x3], $0x800, $0x38;
	[tilespmem:$0x1B6C0] =	vst v63  }
0x38: {  	_ =	swait.ge [sflag:s14], $0x800  }
0x39: {  	[sflag:s14] =	ssyncset.done $0x0  }
0x3a: {  	s24 =	simm.s32 $0x0;
	[sflag:s14] =	ssyncadd.s32 $0xFFFFF800  }
0x3b: {  	s25 =	simm.s32 $0x9C8;
	s26 =	simm.s32 $0x2720;
	[bflag:$0x0] =	sbarrier.arrive $0xFFFF  }
0x3c: {  	[tilespmem:s18], [sflag:$0x1] =	stream.indirect.gather [hbm4b:s4+s17], $0x10, s24, s17, $0xb8;
	[tilespmem:$0x1B6C0] =	vst v63  }
.LBB2_4:
0x3d: {  	s28 =	sand.u32 $0x1, s24  }
0x3e: {  	s29 =	smul.u32 $0x27100, s28  }
0x3f: {  	_ =	swait.ge [sflag:s19], $0x9C40;
	p0 =	seq.s32 s24, $0x0  }
0x40: {  	[sflag:s19] =	ssyncset.done $0x0;
	p1 =	seq.s32 @!p0 s24, $0x3;
	s29 =	sshrl.u32 s29, $0x2  }
0x41: {  	[sflag:s19] =	ssyncadd.s32 $0xFFFF63C0;
	p1 =	por p0, !p1;
	s29 =	sadd.s32 $0x4E40, s29  }
0x42: {  	[spmem:s2] =	stream.indirect.scatter.add.bf16 [tilespmem:s29], [sflag:$0x2], $0x10, s26, s17, $0xb8;
	[tilespmem:$0x1B6C0] =	vst v63  }
.Ltmp3:
0x43: {  	_ = 	snop;
	(pc) =	sbr.rel @!p1 .LBB2_6-.Ltmp3, $4  }
0x44: {  	s29 =	simm.s32 @!p0 $0x2  }
0x45: {  	_ =	swait.ge @!p0 [sflag:s29], $0x9C40  }
0x46: {  	[sflag:s29] =	ssyncset.done @!p0 $0x0  }
0x47: {  	[sflag:s29] =	ssyncadd.s32 @!p0 $0xFFFF63C0  }
0x48: {  	s28 =	sxor.u32 $0x1, s28  }
0x49: {  	s28 =	smul.u32 $0x27100, s28  }
.Ltmp4:
0x4a: {  	_ = 	snop;
	(pc) =	sbr.rel .LBB2_4-.Ltmp4, $4  }
0x4b: {  	s28 =	sshrl.u32 s28, $0x2  }
0x4c: {  	s28 =	sadd.s32 $0x4E40, s28  }
0x4d: {  	[tilespmem:s28], [sflag:$0x1] =	stream.indirect.gather [hbm4b:s4+s17], $0x10, s25, s17, $0xb8;
	[tilespmem:$0x1B6C0] =	vst v63  }
0x4e: {  	s24 =	sadd.s32 $0x1, s24;
	s26 =	sadd.s32 $0x9C8, s26;
	s25 =	sadd.s32 $0x9C8, s25  }
.LBB2_7:
0x4f: {  	_ =	sfence.sel $0x180000  }
0x50: {  	[bflag:$0x0] =	sbarrier.arrive $0xFFFF  }
0x51: {  	p0 =	sne.s32 s1, $0x0;
	_ =	strace $0x9000004D  }
0x52: {  	s0 =	sadd.s32 @!p0 $0x100000, s0;
	[bflag:$0x2] =	sbarrier.arrive $0xFFFF  }
0x53: {  	[sflag:s0] =	ssyncadd.tile.s32 @!p0 $0x1;
	_ =	shalt  }
.Lfunc_end2:
_tile_overlayer_lowered:
.L_overlay_start_2:
0x54: {  	(tag) =	ssettag $0x2  }
0x55: {  	s0 =	rddreg [dreg:$0x0];
	s2 =	stileid.u32  }
0x56: {  	s1 =	rddreg [dreg:$0x1];
	p0 =	sne.s32 s2, $0x0  }
0x57: {  	s3 =	rddreg [dreg:$0x2];
	[bflag:$0x3] =	sbarrier.arrive $0xFFFF;
	s2 =	simm.s32 @!p0 $0x1C03  }
0x58: {  	[timem:s3], [sflag:s2] =	dma.local @!p0 [hbm:s0], s1  }
0x59: {  	s0 =	simm.s32 @!p0 $0x3  }
0x5a: {  	_ =	swait.ge @!p0 [sflag:s0], s1  }
0x5b: {  	s1 =	ssub.s32 @!p0 $0x0, s1;
	[sflag:s0] =	ssyncset.done @!p0 $0x0  }
0x5c: {  	[sflag:s0] =	ssyncadd.s32 @!p0 s1  }
0x5d: {  	[bflag:$0x3] =	sbarrier.arrive $0xFFFF  }
0x5e: {  	_ =	shalt  }

// kernel: kernel.21.cloned.1.call-start
scs
__scs_entry_jumppad:
0x0: {  	(pc) =	sbr.rel $0x88, $3  }
0x1: {  	(tag) =	ssettag $0x0;
	lr =	simm.s32 $0x1  }
0x2: {  	[smem:$0x3F97] =	sst lr;
	_ =	strace $0xD0000000  }
0x3: {  	_ = 	snop  }
0x4: {  	_ = 	snop  }
0x5: {  	_ = 	snop  }
0x6: {  	_ = 	snop  }
0x7: {  	_ = 	snop  }
__scs_overlays_trampoline_lowered:
0x8: {  	[smem:$0x3FA6] =	sst s0  }
0x9: {  	[smem:$0x3FA7] =	sst s1  }
0xa: {  	[smem:$0x3FA8] =	sst s2  }
0xb: {  	[smem:$0x3FA9] =	sst s3  }
0xc: {  	[smem:$0x3FAA] =	sst s4  }
0xd: {  	[smem:$0x3FAB] =	sst s5  }
0xe: {  	[smem:$0x3FAC] =	sst s6  }
0xf: {  	[smem:$0x3FAD] =	sst s7  }
0x10: {  	[smem:$0x3FAE] =	sst s8  }
0x11: {  	[smem:$0x3FAF] =	sst s9;
	s0 =	simm.s32 @!p0 $0x0  }
0x12: {  	s1 =	sld [smem:$0x3F95];
	s0 =	simm.s32 @p0 $0x1  }
0x13: {  	[smem:$0x3FB0] =	sst s0;
	s0 =	simm.s32 @!p1 $0x0  }
0x14: {  	s2 =	sld [smem:$0x3F94];
	s0 =	simm.s32 @p1 $0x1  }
0x15: {  	[smem:$0x3FB1] =	sst s0;
	s0 =	simm.s32 @!p2 $0x0  }
0x16: {  	s3 =	sld [smem:$0x3FDB];
	s0 =	simm.s32 @p2 $0x1  }
0x17: {  	s4 =	simm.s32 $0x1BF5;
	[smem:$0x3FB3] =	sst s0  }
0x18: {  	s0 =	sld [smem:$0x3F96];
	_ =	swait.ge [sflag:s4], $0x0  }
0x19: {  	s7 =	sld [smem:$0x3F97]  }
0x1a: {  	s8 =	sadd.s32 $0xFFFFE003, lr  }
0x1b: {  	s9 =	sadd.s32 $0xFFFFFEF7, lr;
	s5 =	simm.s32 $0xFFFFFFFF;
	p2 =	slt.u32 s8, $0xFFFFF086  }
0x1c: {  	p1 =	slt.u32 s9, $0xF7A;
	s5 =	simm.s32 @!p2 $0x0  }
0x1d: {  	s5 =	simm.s32 @p1 $0x1;
	p0 =	seq.s32 s7, s2  }
0x1e: {  	s7 =	smul.u32 @!p0 $0xF7A, s2;
	p2 =	seq.s32 @!p0 s5, $0x0  }
0x1f: {  	s9 =	smul.u32 $0xF7A, s1;
	s8 =	simm.s32 @!p0 $0x1BF5;
	p2 =	por !p2, p0  }
0x20: {  	[sflag:s8] =	ssyncset.s32 @!p0 $0xFFFFF086;
	s6 =	sadd.s32 @!p0 s3, s7;
	s7 =	simm.s32 @!p0 $0x108  }
0x21: {  	s3 =	sadd.s32 s3, s9;
	s6 =	sadd.s32 @!p0 $0x88, s6;
	s7 =	simm.s32 @p2 $0x1082  }
0x22: {  	[simem:s7], [sflag:s8] =	dma.local @!p0 [hbm:s6], $0xF7A  }
0x23: {  	s9 =	sor.u32 $0xD0000000, s2;
	s6 =	simm.s32 $0x108;
	_ =	swait.ge @!p0 [sflag:s8], $0x0  }
0x24: {  	s3 =	sadd.s32 $0x88, s3;
	s6 =	simm.s32 @!p1 $0x1082;
	[sflag:s4] =	ssyncset.s32 $0xFFFFF086  }
0x25: {  	[simem:s6], [sflag:s4] =	dma.local [hbm:s3], $0xF7A  }
0x26: {  	[smem:$0x3F97] =	sst s1;
	(tag) =	ssettag s2;
	_ =	strace s9  }
0x27: {  	s1 =	sld [smem:$0x3FA7]  }
0x28: {  	s2 =	sld [smem:$0x3FA8]  }
0x29: {  	s4 =	sld [smem:$0x3FAA]  }
0x2a: {  	p0 =	seq.s32 s5, $0x0;
	s5 =	sld [smem:$0x3FAB]  }
0x2b: {  	s6 =	sld [smem:$0x3FAC]  }
0x2c: {  	s7 =	sld [smem:$0x3FAD]  }
0x2d: {  	s3 =	simm.s32 $0x108;
	s8 =	sld [smem:$0x3FAE]  }
0x2e: {  	s3 =	simm.s32 @!p0 $0x1082;
	s9 =	sld [smem:$0x3FAF]  }
0x2f: {  	lr =	sadd.s32 s0, s3;
	s0 =	sld [smem:$0x3FA6]  }
0x30: {  	s3 =	sld [smem:$0x3FA9]  }
0x31: {  	[smem:$0x3FB2] =	sst s10  }
0x32: {  	s10 =	sld [smem:$0x3FB0];
	_ =	sdelay $0x3  }
0x33: {  	p0 =	seq.s32 s10, $0x1;
	s10 =	sld [smem:$0x3FB2];
	_ =	sdelay $0x3  }
0x34: {  	[smem:$0x3FB2] =	sst s10  }
0x35: {  	s10 =	sld [smem:$0x3FB1];
	_ =	sdelay $0x3  }
0x36: {  	p1 =	seq.s32 s10, $0x1;
	s10 =	sld [smem:$0x3FB2];
	_ =	sdelay $0x3  }
0x37: {  	[smem:$0x3FB2] =	sst s10  }
0x38: {  	s10 =	sld [smem:$0x3FB3]  }
0x39: {  	_ = 	snop;
	(pc) =	sbr.ind lr, $3  }
0x3a: {  	_ = 	snop  }
0x3b: {  	_ = 	snop  }
0x3c: {  	p2 =	seq.s32 s10, $0x1;
	s10 =	sld [smem:$0x3FB2]  }
0x3d: {  	_ =	shalt  }
0x3e: {  	_ =	shalt  }
0x3f: {  	_ =	shalt  }
0x40: {  	_ =	shalt  }
0x41: {  	_ =	shalt  }
0x42: {  	_ =	shalt  }
0x43: {  	_ =	shalt  }
0x44: {  	_ =	shalt  }
0x45: {  	_ =	shalt  }
0x46: {  	_ =	shalt  }
0x47: {  	_ =	shalt  }
0x48: {  	_ =	shalt  }
0x49: {  	_ =	shalt  }
0x4a: {  	_ =	shalt  }
0x4b: {  	_ =	shalt  }
0x4c: {  	_ =	shalt  }
0x4d: {  	_ =	shalt  }
0x4e: {  	_ =	shalt  }
0x4f: {  	_ =	shalt  }
0x50: {  	_ =	shalt  }
0x51: {  	_ =	shalt  }
0x52: {  	_ =	shalt  }
0x53: {  	_ =	shalt  }
0x54: {  	_ =	shalt  }
0x55: {  	_ =	shalt  }
0x56: {  	_ =	shalt  }
0x57: {  	_ =	shalt  }
0x58: {  	_ =	shalt  }
0x59: {  	_ =	shalt  }
0x5a: {  	_ =	shalt  }
0x5b: {  	_ =	shalt  }
0x5c: {  	_ =	shalt  }
0x5d: {  	_ =	shalt  }
0x5e: {  	_ =	shalt  }
0x5f: {  	_ =	shalt  }
0x60: {  	_ =	shalt  }
0x61: {  	_ =	shalt  }
0x62: {  	_ =	shalt  }
0x63: {  	_ =	shalt  }
0x64: {  	_ =	shalt  }
0x65: {  	_ =	shalt  }
0x66: {  	_ =	shalt  }
0x67: {  	_ =	shalt  }
0x68: {  	_ =	shalt  }
0x69: {  	_ =	shalt  }
0x6a: {  	_ =	shalt  }
0x6b: {  	_ =	shalt  }
0x6c: {  	_ =	shalt  }
0x6d: {  	_ =	shalt  }
0x6e: {  	_ =	shalt  }
0x6f: {  	_ =	shalt  }
0x70: {  	_ =	shalt  }
0x71: {  	_ =	shalt  }
0x72: {  	_ =	shalt  }
0x73: {  	_ =	shalt  }
0x74: {  	_ =	shalt  }
0x75: {  	_ =	shalt  }
0x76: {  	_ =	shalt  }
0x77: {  	_ =	shalt  }
0x78: {  	_ =	shalt  }
0x79: {  	_ =	shalt  }
0x7a: {  	_ =	shalt  }
0x7b: {  	_ =	shalt  }
0x7c: {  	_ =	shalt  }
0x7d: {  	_ =	shalt  }
0x7e: {  	_ =	shalt  }
0x7f: {  	_ =	shalt  }
0x80: {  	_ =	shalt  }
0x81: {  	_ =	shalt  }
0x82: {  	_ =	shalt  }
0x83: {  	_ =	shalt  }
0x84: {  	_ =	shalt  }
0x85: {  	_ =	shalt  }
0x86: {  	_ =	shalt  }
0x87: {  	_ =	shalt  }
.Lfunc_end0:
.L_simem_size_0:
called_computation.3_lowered:
.L_overlay_start_0:
0x88: {  	s2 =	sld [smem:$0x3FD9]  }
0x89: {  	s3 =	sld [smem:$0x3FFE];
	_ =	sdelay $0x1  }
0x8a: {  	s1 =	srdreg.scid  }
0x8b: {  	s0 =	sand.u32 $0x1, s1  }
0x8c: {  	s17 =	sshll.u32 s0, $0xA;
	s2 =	sadd.s32 s3, s2  }
0x8d: {  	s2 =	sadd.s32 s2, s17  }
0x8e: {  	[smem:$0x3FBE] =	sst s2  }
0x8f: {  	_ = 	snop  }
0x90: {  	s2 =	sld [smem:$0x3FD0];
	(tm) =	ssettm $0x1  }
0x91: {  	s18 =	sld [smem:$0x3FFB];
	_ =	sdelay $0x3  }
0x92: {  	_ =	strace s18  }
0x93: {  	s3 =	sld [smem:$0x3FFC];
	_ =	sdelay $0x3  }
0x94: {  	_ =	strace s3  }
0x95: {  	s3 =	sld [smem:$0x3FFD];
	_ =	sdelay $0x3  }
0x96: {  	_ =	strace s3  }
0x97: {  	_ =	strace $0x8FFFFFFF  }
0x98: {  	s19 =	sld [smem:$0x3FDB];
	_ =	sdelay $0x1  }
0x99: {  	s4 =	simm.s32 $_scs_section_size  }
0x9a: {  	s5 =	simm.s32 $_size__tile_overlayer_lowered;
	s6 =	simm.s32 $_tile_overlayer_lowered  }
0x9b: {  	s22 =	simm.s32 $0x1BFF;
	s21 =	sshll.u32 s6, $0x1;
	s3 =	sadd.s32 s4, s19  }
0x9c: {  	s7 =	simm.s32 $0x0;
	s20 =	sshll.u32 s5, $0x1;
	s5 =	sadd.s32 s21, s3  }
0x9d: {  	[timem:s7], [sflag:s22] =	dma.local [hbm:s5], s20  }
0x9e: {  	_ =	swait.ge [sflag:s22], s20  }
0x9f: {  	s4 =	ssub.s32 $0x0, s20;
	[sflag:s22] =	ssyncset.done $0x0  }
0xa0: {  	[sflag:s22] =	ssyncadd.s32 s4;
	_ =	sdelay $0x1  }
0xa1: {  	s23 =	simm.s32 $0x1B8B  }
0xa2: {  	_ =	swait.ge [sflag:s23], $0x1  }
0xa3: {  	[sflag:s23] =	ssyncset.done $0x0  }
0xa4: {  	s25 =	simm.s32 $0x1B8E;
	s24 =	sld [smem:$0x3FFE];
	[sflag:s23] =	ssyncadd.s32 $0xFFFFFFFF  }
0xa5: {  	s26 =	simm.s32 $execute0_lowered;
	[smem:$0x3FD2] =	sst s25  }
0xa6: {  	s5 =	sshll.u32 s26, $0x1;
	_ =	strace $0x8000004F;
	[dreg:$0x1] =	wrdreg $0xFFFFFFFF  }
0xa7: {  	s28 =	simm.s32 $_size_execute0_lowered;
	s3 =	sadd.s32 s3, s5;
	[dreg:$0x0] =	wrdreg $0x0  }
0xa8: {  	s5 =	sshll.u32 s28, $0x1;
	[dreg:$0x2] =	wrdreg s3  }
0xa9: {  	[dreg:$0x3] =	wrdreg s5  }
0xaa: {  	[dreg:$0x4] =	wrdreg $0xC0  }
0xab: {  	_ =	task [dreg:s7], $0x5FFFF  }
0xac: {  	[dreg:$0x1] =	wrdreg $0xFFFFFFFF  }
0xad: {  	[dreg:$0x0] =	wrdreg $0x60  }
0xae: {  	[dreg:$0x2] =	wrdreg s24  }
0xaf: {  	[dreg:$0x3] =	wrdreg s2  }
0xb0: {  	[dreg:$0x4] =	wrdreg $0xEE800  }
0xb1: {  	[dreg:$0x5] =	wrdreg $0x9  }
0xb2: {  	_ =	task.clear_ibuf [dreg:s7], $0x6FFFF;
	_ =	strace $0x9000004F  }
0xb3: {  	s29 =	simm.s32 $0x9;
	_ =	strace $0x80000051  }
0xb4: {  	_ =	swait.ge [sflag:s29], $0x1  }
0xb5: {  	[sflag:s29] =	ssyncadd.s32 $0xFFFFFFFF  }
0xb6: {  	_ =	strace $0x90000051  }
0xb7: {  	_ =	sfence  }
0xb8: {  	s30 =	sld [smem:$0x0];
	_ =	sdelay $0x2  }
0xb9: {  	s31 =	sshll.u32 s1, $0xD;
	s1 =	sshrl.u32 s1, $0x2  }
0xba: {  	s3 =	sand.u32 $0x4000, s31;
	s1 =	sadd.s32 s1, s30  }
0xbb: {  	s0 =	sor.u32 s3, s0;
	s1 =	sshll.u32 s1, $0x11  }
0xbc: {  	s0 =	sor.u32 s1, s0  }
0xbd: {  	s0 =	sadd.s32 $0x8F2B, s0  }
0xbe: {  	[sflag:s0] =	ssyncadd.remote.s32 $0x1  }
0xbf: {  	_ =	sfence.sel $0xFFFF  }
0xc0: {  	[dreg:$0x0] =	wrdreg $0xFFFFFFFF;
	(pc) =	sbr.abs _section_cstart, $3  }
0xc1: {  	[dreg:$0x1] =	wrdreg $0xFFFFFFFF  }
0xc2: {  	_ =	task.clear_ibuf [dreg:s7], $0x2FFFF;
	_ =	strace $0x9FFFFFFF  }
0xc3: {  	(tm) =	ssettm $0x7FFFFFFF  }
tec
execute0_lowered:
.L_overlay_start_1:
0x0: {  	(tag) =	ssettag $0x1  }
0x1: {  	s5 =	rddreg [dreg:$0x0]  }
0x2: {  	s12 =	rddreg [dreg:$0x1]  }
0x3: {  	s1 =	srdreg.scid;
	s0 =	stileid.u32  }
0x4: {  	s2 =	rddreg [dreg:$0x2];
	s3 =	simm.s32 $0x0;
	s16 =	simm.s32 $0x9C4  }
0x5: {  	s17 =	simm.s32 $0x4E40;
	s18 =	simm.s32 $0x1;
	s19 =	simm.s32 $0x2  }
0x6: {  	s22 =	simm.s32 $0x0;
	s10 =	sand.u32 $0x1, s1;
	s1 =	rddreg [dreg:$0x3]  }
0x7: {  	s4 =	sshll.u32 s0, $0x1;
	[smem:$0x7FF] =	sst s3;
	s8 =	smul.u32 $0x5000, s0  }
0x8: {  	s14 =	smul.u32 $0x280, s0;
	s20 =	sshll.u32 s0, $0x6;
	s4 =	sor.u32 s10, s4  }
0x9: {  	_ =	strace $0x80000050;
	s7 =	ssub.s32 $0x2, s10;
	s15 =	smul.u32 $0x2800, s10  }
0xa: {  	s20 =	sor.u32 $0x1C03, s20;
	s6 =	smul.u32 $0x4E4, s4;
	s4 =	sadd.s32 $0x3000, s5  }
0xb: {  	s30 =	sshrl.u32 s7, $0x1;
	s31 =	sshrl.u32 s8, $0x2;
	s12 =	sadd.s32 s12, s14  }
.Ltmp0:
0xc: {  	s14 =	simm.s32 $0x3;
	s13 =	ssub.s32 s7, s30;
	(pc) =	sbr.rel .LBB2_1-.Ltmp0, $4  }
0xd: {  	s7 =	sadd.s32 s31, s2;
	s12 =	sadd.s32 s15, s12;
	s15 =	simm.s32 $0xEA80  }
0xe: {  	s6 =	sadd.s32 s6, s5;
	s8 =	sadd.s32 $0x400, s7;
	s9 =	sadd.s32 $0x800, s7  }
0xf: {  	s10 =	sadd.s32 $0xC00, s7;
	s11 =	sadd.s32 $0x1000, s7;
	s13 =	smax.u32 s13, $0x1  }
0x10: {  	s21 =	sshrl.u32 s7, $0x3;
	s5 =	sadd.s32 $0x48400, s6;
	s6 =	sadd.s32 $0x3E600, s6  }
.LBB2_4:
0x11: {  	_ =	swait.ge [sflag:s19], $0x4E20  }
0x12: {  	s22 =	sadd.s32 $0x1, s22;
	[sflag:s19] =	ssyncset.done $0x0  }
0x13: {  	p0 =	sne.s32 s22, s13;
	[sflag:s19] =	ssyncadd.s32 $0xFFFFB1E0  }
.Ltmp1:
0x14: {  	[bflag:$0x0] =	sbarrier.arrive $0xFFFF;
	(pc) =	sbr.rel @!p0 .LBB2_5-.Ltmp1, $4  }
0x15: {  	[hbm:s12], [sflag:s20] =	dma.local [spmem:s21], $0x280  }
0x16: {  	_ =	swait.ge [sflag:s14], $0x280  }
0x17: {  	[sflag:s14] =	ssyncset.done $0x0  }
0x18: {  	[sflag:s14] =	ssyncadd.s32 $0xFFFFFD80  }
.LBB2_1:
0x19: {  	[tilespmem:s3], [sflag:$0x3] =	stream.linear.gather [hbm4b:s5+s3], $0x2720, $0x38;
	[tilespmem:$0x10280] =	vst v63  }
0x1a: {  	_ =	swait.ge [sflag:s14], $0x2720  }
0x1b: {  	[sflag:s14] =	ssyncset.done $0x0  }
0x1c: {  	s23 =	simm.s32 $0x2720;
	[sflag:s14] =	ssyncadd.s32 $0xFFFFD8E0  }
0x1d: {  	[tilespmem:s23], [sflag:$0x3] =	stream.linear.gather [hbm4b:s6+s3], $0x2720, $0x38;
	[tilespmem:$0x10280] =	vst v63  }
0x1e: {  	_ =	swait.ge [sflag:s14], $0x2720  }
0x1f: {  	[sflag:s14] =	ssyncset.done $0x0  }
0x20: {  	[sflag:s14] =	ssyncadd.s32 $0xFFFFD8E0  }
0x21: {  	[spmem:s7] =	stream.linear.scatter [tilespmem:s15], [sflag:$0x3], $0x400, $0x38;
	[tilespmem:$0x10280] =	vst v63  }
0x22: {  	_ =	swait.ge [sflag:s14], $0x400  }
0x23: {  	[sflag:s14] =	ssyncset.done $0x0  }
0x24: {  	[sflag:s14] =	ssyncadd.s32 $0xFFFFFC00  }
0x25: {  	[spmem:s8] =	stream.linear.scatter [tilespmem:s15], [sflag:$0x3], $0x400, $0x38;
	[tilespmem:$0x10280] =	vst v63  }
0x26: {  	_ =	swait.ge [sflag:s14], $0x400  }
0x27: {  	[sflag:s14] =	ssyncset.done $0x0  }
0x28: {  	[sflag:s14] =	ssyncadd.s32 $0xFFFFFC00  }
0x29: {  	[spmem:s9] =	stream.linear.scatter [tilespmem:s15], [sflag:$0x3], $0x400, $0x38;
	[tilespmem:$0x10280] =	vst v63  }
0x2a: {  	_ =	swait.ge [sflag:s14], $0x400  }
0x2b: {  	[sflag:s14] =	ssyncset.done $0x0  }
0x2c: {  	[sflag:s14] =	ssyncadd.s32 $0xFFFFFC00  }
0x2d: {  	[spmem:s10] =	stream.linear.scatter [tilespmem:s15], [sflag:$0x3], $0x400, $0x38;
	[tilespmem:$0x10280] =	vst v63  }
0x2e: {  	_ =	swait.ge [sflag:s14], $0x400  }
0x2f: {  	[sflag:s14] =	ssyncset.done $0x0  }
0x30: {  	[sflag:s14] =	ssyncadd.s32 $0xFFFFFC00  }
0x31: {  	[spmem:s11] =	stream.linear.scatter [tilespmem:s15], [sflag:$0x3], $0x400, $0x38;
	[tilespmem:$0x10280] =	vst v63  }
0x32: {  	_ =	swait.ge [sflag:s14], $0x400  }
0x33: {  	[sflag:s14] =	ssyncset.done $0x0  }
0x34: {  	[sflag:s14] =	ssyncadd.s32 $0xFFFFFC00  }
0x35: {  	s24 =	simm.s32 $0x9C8;
	s25 =	simm.s32 $0x0;
	[bflag:$0x0] =	sbarrier.arrive $0xFFFF  }
0x36: {  	[tilespmem:s17], [sflag:$0x1] =	stream.indirect.gather [hbm4b:s4+s16], $0x8, s3, s16, $0xb8;
	[tilespmem:$0x10280] =	vst v63  }
.LBB2_2:
0x37: {  	s26 =	sand.u32 $0x1, s25  }
0x38: {  	s28 =	smul.u32 $0x13880, s26  }
0x39: {  	_ =	swait.ge [sflag:s18], $0x4E20;
	p0 =	seq.s32 s25, $0x0  }
0x3a: {  	[sflag:s18] =	ssyncset.done $0x0;
	p1 =	seq.s32 @!p0 s25, $0x3;
	s28 =	sshrl.u32 s28, $0x2  }
0x3b: {  	[sflag:s18] =	ssyncadd.s32 $0xFFFFB1E0;
	p1 =	por p0, !p1;
	s28 =	sadd.s32 $0x4E40, s28  }
0x3c: {  	[spmem:s2] =	stream.indirect.scatter.add.bf16 [tilespmem:s28], [sflag:$0x2], $0x8, s23, s16, $0xb8;
	[tilespmem:$0x10280] =	vst v63  }
.Ltmp2:
0x3d: {  	_ = 	snop;
	(pc) =	sbr.rel @!p1 .LBB2_4-.Ltmp2, $4  }
0x3e: {  	s28 =	simm.s32 @!p0 $0x2  }
0x3f: {  	_ =	swait.ge @!p0 [sflag:s28], $0x4E20  }
0x40: {  	[sflag:s28] =	ssyncset.done @!p0 $0x0  }
0x41: {  	[sflag:s28] =	ssyncadd.s32 @!p0 $0xFFFFB1E0  }
0x42: {  	s26 =	sxor.u32 $0x1, s26  }
0x43: {  	s26 =	smul.u32 $0x13880, s26  }
.Ltmp3:
0x44: {  	_ = 	snop;
	(pc) =	sbr.rel .LBB2_2-.Ltmp3, $4  }
0x45: {  	s26 =	sshrl.u32 s26, $0x2  }
0x46: {  	s26 =	sadd.s32 $0x4E40, s26  }
0x47: {  	[tilespmem:s26], [sflag:$0x1] =	stream.indirect.gather [hbm4b:s4+s16], $0x8, s24, s16, $0xb8;
	[tilespmem:$0x10280] =	vst v63  }
0x48: {  	s25 =	sadd.s32 $0x1, s25;
	s23 =	sadd.s32 $0x9C8, s23;
	s24 =	sadd.s32 $0x9C8, s24  }
.LBB2_5:
0x49: {  	_ =	sfence.sel $0x180000  }
0x4a: {  	[bflag:$0x0] =	sbarrier.arrive $0xFFFF  }
0x4b: {  	p0 =	sne.s32 s0, $0x0;
	_ =	strace $0x90000050  }
0x4c: {  	s0 =	sadd.s32 @!p0 $0x100000, s1;
	[bflag:$0x2] =	sbarrier.arrive $0xFFFF  }
0x4d: {  	[sflag:s0] =	ssyncadd.tile.s32 @!p0 $0x1;
	_ =	shalt  }
.Lfunc_end2:
_tile_overlayer_lowered:
.L_overlay_start_2:
0x4e: {  	(tag) =	ssettag $0x2  }
0x4f: {  	s0 =	rddreg [dreg:$0x0];
	s2 =	stileid.u32  }
0x50: {  	s1 =	rddreg [dreg:$0x1];
	p0 =	sne.s32 s2, $0x0  }
0x51: {  	s3 =	rddreg [dreg:$0x2];
	[bflag:$0x3] =	sbarrier.arrive $0xFFFF;
	s2 =	simm.s32 @!p0 $0x1C03  }
0x52: {  	[timem:s3], [sflag:s2] =	dma.local @!p0 [hbm:s0], s1  }
0x53: {  	s0 =	simm.s32 @!p0 $0x3  }
0x54: {  	_ =	swait.ge @!p0 [sflag:s0], s1  }
0x55: {  	s1 =	ssub.s32 @!p0 $0x0, s1;
	[sflag:s0] =	ssyncset.done @!p0 $0x0  }
0x56: {  	[sflag:s0] =	ssyncadd.s32 @!p0 s1  }
0x57: {  	[bflag:$0x3] =	sbarrier.arrive $0xFFFF  }
0x58: {  	_ =	shalt  }

// kernel: kernel.24.cloned.1.call-start
scs
__scs_entry_jumppad:
0x0: {  	(pc) =	sbr.rel $0x88, $3  }
0x1: {  	(tag) =	ssettag $0x0;
	lr =	simm.s32 $0x1  }
0x2: {  	[smem:$0x3F97] =	sst lr;
	_ =	strace $0xD0000000  }
0x3: {  	_ = 	snop  }
0x4: {  	_ = 	snop  }
0x5: {  	_ = 	snop  }
0x6: {  	_ = 	snop  }
0x7: {  	_ = 	snop  }
__scs_overlays_trampoline_lowered:
0x8: {  	[smem:$0x3FA6] =	sst s0  }
0x9: {  	[smem:$0x3FA7] =	sst s1  }
0xa: {  	[smem:$0x3FA8] =	sst s2  }
0xb: {  	[smem:$0x3FA9] =	sst s3  }
0xc: {  	[smem:$0x3FAA] =	sst s4  }
0xd: {  	[smem:$0x3FAB] =	sst s5  }
0xe: {  	[smem:$0x3FAC] =	sst s6  }
0xf: {  	[smem:$0x3FAD] =	sst s7  }
0x10: {  	[smem:$0x3FAE] =	sst s8  }
0x11: {  	[smem:$0x3FAF] =	sst s9;
	s0 =	simm.s32 @!p0 $0x0  }
0x12: {  	s1 =	sld [smem:$0x3F95];
	s0 =	simm.s32 @p0 $0x1  }
0x13: {  	[smem:$0x3FB0] =	sst s0;
	s0 =	simm.s32 @!p1 $0x0  }
0x14: {  	s2 =	sld [smem:$0x3F94];
	s0 =	simm.s32 @p1 $0x1  }
0x15: {  	[smem:$0x3FB1] =	sst s0;
	s0 =	simm.s32 @!p2 $0x0  }
0x16: {  	s3 =	sld [smem:$0x3FDB];
	s0 =	simm.s32 @p2 $0x1  }
0x17: {  	s4 =	simm.s32 $0x1BF5;
	[smem:$0x3FB3] =	sst s0  }
0x18: {  	s0 =	sld [smem:$0x3F96];
	_ =	swait.ge [sflag:s4], $0x0  }
0x19: {  	s7 =	sld [smem:$0x3F97]  }
0x1a: {  	s8 =	sadd.s32 $0xFFFFE003, lr  }
0x1b: {  	s9 =	sadd.s32 $0xFFFFFEF7, lr;
	s5 =	simm.s32 $0xFFFFFFFF;
	p2 =	slt.u32 s8, $0xFFFFF086  }
0x1c: {  	p1 =	slt.u32 s9, $0xF7A;
	s5 =	simm.s32 @!p2 $0x0  }
0x1d: {  	s5 =	simm.s32 @p1 $0x1;
	p0 =	seq.s32 s7, s2  }
0x1e: {  	s7 =	smul.u32 @!p0 $0xF7A, s2;
	p2 =	seq.s32 @!p0 s5, $0x0  }
0x1f: {  	s9 =	smul.u32 $0xF7A, s1;
	s8 =	simm.s32 @!p0 $0x1BF5;
	p2 =	por !p2, p0  }
0x20: {  	[sflag:s8] =	ssyncset.s32 @!p0 $0xFFFFF086;
	s6 =	sadd.s32 @!p0 s3, s7;
	s7 =	simm.s32 @!p0 $0x108  }
0x21: {  	s3 =	sadd.s32 s3, s9;
	s6 =	sadd.s32 @!p0 $0x88, s6;
	s7 =	simm.s32 @p2 $0x1082  }
0x22: {  	[simem:s7], [sflag:s8] =	dma.local @!p0 [hbm:s6], $0xF7A  }
0x23: {  	s9 =	sor.u32 $0xD0000000, s2;
	s6 =	simm.s32 $0x108;
	_ =	swait.ge @!p0 [sflag:s8], $0x0  }
0x24: {  	s3 =	sadd.s32 $0x88, s3;
	s6 =	simm.s32 @!p1 $0x1082;
	[sflag:s4] =	ssyncset.s32 $0xFFFFF086  }
0x25: {  	[simem:s6], [sflag:s4] =	dma.local [hbm:s3], $0xF7A  }
0x26: {  	[smem:$0x3F97] =	sst s1;
	(tag) =	ssettag s2;
	_ =	strace s9  }
0x27: {  	s1 =	sld [smem:$0x3FA7]  }
0x28: {  	s2 =	sld [smem:$0x3FA8]  }
0x29: {  	s4 =	sld [smem:$0x3FAA]  }
0x2a: {  	p0 =	seq.s32 s5, $0x0;
	s5 =	sld [smem:$0x3FAB]  }
0x2b: {  	s6 =	sld [smem:$0x3FAC]  }
0x2c: {  	s7 =	sld [smem:$0x3FAD]  }
0x2d: {  	s3 =	simm.s32 $0x108;
	s8 =	sld [smem:$0x3FAE]  }
0x2e: {  	s3 =	simm.s32 @!p0 $0x1082;
	s9 =	sld [smem:$0x3FAF]  }
0x2f: {  	lr =	sadd.s32 s0, s3;
	s0 =	sld [smem:$0x3FA6]  }
0x30: {  	s3 =	sld [smem:$0x3FA9]  }
0x31: {  	[smem:$0x3FB2] =	sst s10  }
0x32: {  	s10 =	sld [smem:$0x3FB0];
	_ =	sdelay $0x3  }
0x33: {  	p0 =	seq.s32 s10, $0x1;
	s10 =	sld [smem:$0x3FB2];
	_ =	sdelay $0x3  }
0x34: {  	[smem:$0x3FB2] =	sst s10  }
0x35: {  	s10 =	sld [smem:$0x3FB1];
	_ =	sdelay $0x3  }
0x36: {  	p1 =	seq.s32 s10, $0x1;
	s10 =	sld [smem:$0x3FB2];
	_ =	sdelay $0x3  }
0x37: {  	[smem:$0x3FB2] =	sst s10  }
0x38: {  	s10 =	sld [smem:$0x3FB3]  }
0x39: {  	_ = 	snop;
	(pc) =	sbr.ind lr, $3  }
0x3a: {  	_ = 	snop  }
0x3b: {  	_ = 	snop  }
0x3c: {  	p2 =	seq.s32 s10, $0x1;
	s10 =	sld [smem:$0x3FB2]  }
0x3d: {  	_ =	shalt  }
0x3e: {  	_ =	shalt  }
0x3f: {  	_ =	shalt  }
0x40: {  	_ =	shalt  }
0x41: {  	_ =	shalt  }
0x42: {  	_ =	shalt  }
0x43: {  	_ =	shalt  }
0x44: {  	_ =	shalt  }
0x45: {  	_ =	shalt  }
0x46: {  	_ =	shalt  }
0x47: {  	_ =	shalt  }
0x48: {  	_ =	shalt  }
0x49: {  	_ =	shalt  }
0x4a: {  	_ =	shalt  }
0x4b: {  	_ =	shalt  }
0x4c: {  	_ =	shalt  }
0x4d: {  	_ =	shalt  }
0x4e: {  	_ =	shalt  }
0x4f: {  	_ =	shalt  }
0x50: {  	_ =	shalt  }
0x51: {  	_ =	shalt  }
0x52: {  	_ =	shalt  }
0x53: {  	_ =	shalt  }
0x54: {  	_ =	shalt  }
0x55: {  	_ =	shalt  }
0x56: {  	_ =	shalt  }
0x57: {  	_ =	shalt  }
0x58: {  	_ =	shalt  }
0x59: {  	_ =	shalt  }
0x5a: {  	_ =	shalt  }
0x5b: {  	_ =	shalt  }
0x5c: {  	_ =	shalt  }
0x5d: {  	_ =	shalt  }
0x5e: {  	_ =	shalt  }
0x5f: {  	_ =	shalt  }
0x60: {  	_ =	shalt  }
0x61: {  	_ =	shalt  }
0x62: {  	_ =	shalt  }
0x63: {  	_ =	shalt  }
0x64: {  	_ =	shalt  }
0x65: {  	_ =	shalt  }
0x66: {  	_ =	shalt  }
0x67: {  	_ =	shalt  }
0x68: {  	_ =	shalt  }
0x69: {  	_ =	shalt  }
0x6a: {  	_ =	shalt  }
0x6b: {  	_ =	shalt  }
0x6c: {  	_ =	shalt  }
0x6d: {  	_ =	shalt  }
0x6e: {  	_ =	shalt  }
0x6f: {  	_ =	shalt  }
0x70: {  	_ =	shalt  }
0x71: {  	_ =	shalt  }
0x72: {  	_ =	shalt  }
0x73: {  	_ =	shalt  }
0x74: {  	_ =	shalt  }
0x75: {  	_ =	shalt  }
0x76: {  	_ =	shalt  }
0x77: {  	_ =	shalt  }
0x78: {  	_ =	shalt  }
0x79: {  	_ =	shalt  }
0x7a: {  	_ =	shalt  }
0x7b: {  	_ =	shalt  }
0x7c: {  	_ =	shalt  }
0x7d: {  	_ =	shalt  }
0x7e: {  	_ =	shalt  }
0x7f: {  	_ =	shalt  }
0x80: {  	_ =	shalt  }
0x81: {  	_ =	shalt  }
0x82: {  	_ =	shalt  }
0x83: {  	_ =	shalt  }
0x84: {  	_ =	shalt  }
0x85: {  	_ =	shalt  }
0x86: {  	_ =	shalt  }
0x87: {  	_ =	shalt  }
.Lfunc_end0:
.L_simem_size_0:
called_computation.4_lowered:
.L_overlay_start_0:
0x88: {  	s2 =	sld [smem:$0x3FD9]  }
0x89: {  	s3 =	sld [smem:$0x3FFE];
	_ =	sdelay $0x1  }
0x8a: {  	s1 =	srdreg.scid  }
0x8b: {  	s0 =	sand.u32 $0x1, s1  }
0x8c: {  	s17 =	sshll.u32 s0, $0xA;
	s2 =	sadd.s32 s3, s2  }
0x8d: {  	s2 =	sadd.s32 s2, s17  }
0x8e: {  	[smem:$0x3FBE] =	sst s2  }
0x8f: {  	_ = 	snop  }
0x90: {  	s2 =	sld [smem:$0x3FD0];
	(tm) =	ssettm $0x1  }
0x91: {  	s18 =	sld [smem:$0x3FFB];
	_ =	sdelay $0x3  }
0x92: {  	_ =	strace s18  }
0x93: {  	s3 =	sld [smem:$0x3FFC];
	_ =	sdelay $0x3  }
0x94: {  	_ =	strace s3  }
0x95: {  	s3 =	sld [smem:$0x3FFD];
	_ =	sdelay $0x3  }
0x96: {  	_ =	strace s3  }
0x97: {  	_ =	strace $0x8FFFFFFF  }
0x98: {  	s19 =	sld [smem:$0x3FDB];
	_ =	sdelay $0x1  }
0x99: {  	s4 =	simm.s32 $_scs_section_size  }
0x9a: {  	s5 =	simm.s32 $_size__tile_overlayer_lowered;
	s6 =	simm.s32 $_tile_overlayer_lowered  }
0x9b: {  	s22 =	simm.s32 $0x1BFF;
	s21 =	sshll.u32 s6, $0x1;
	s3 =	sadd.s32 s4, s19  }
0x9c: {  	s7 =	simm.s32 $0x0;
	s20 =	sshll.u32 s5, $0x1;
	s5 =	sadd.s32 s21, s3  }
0x9d: {  	[timem:s7], [sflag:s22] =	dma.local [hbm:s5], s20  }
0x9e: {  	_ =	swait.ge [sflag:s22], s20  }
0x9f: {  	s4 =	ssub.s32 $0x0, s20;
	[sflag:s22] =	ssyncset.done $0x0  }
0xa0: {  	[sflag:s22] =	ssyncadd.s32 s4;
	_ =	sdelay $0x1  }
0xa1: {  	s23 =	simm.s32 $0x1B8B  }
0xa2: {  	_ =	swait.ge [sflag:s23], $0x1  }
0xa3: {  	[sflag:s23] =	ssyncset.done $0x0  }
0xa4: {  	s25 =	simm.s32 $0x1B8E;
	s24 =	sld [smem:$0x3FFE];
	[sflag:s23] =	ssyncadd.s32 $0xFFFFFFFF  }
0xa5: {  	s26 =	simm.s32 $execute0_lowered;
	[smem:$0x3FD2] =	sst s25  }
0xa6: {  	s5 =	sshll.u32 s26, $0x1;
	_ =	strace $0x80000052;
	[dreg:$0x1] =	wrdreg $0xFFFFFFFF  }
0xa7: {  	s28 =	simm.s32 $_size_execute0_lowered;
	s3 =	sadd.s32 s3, s5;
	[dreg:$0x0] =	wrdreg $0x0  }
0xa8: {  	s5 =	sshll.u32 s28, $0x1;
	[dreg:$0x2] =	wrdreg s3  }
0xa9: {  	[dreg:$0x3] =	wrdreg s5  }
0xaa: {  	[dreg:$0x4] =	wrdreg $0xC0  }
0xab: {  	_ =	task [dreg:s7], $0x5FFFF  }
0xac: {  	[dreg:$0x1] =	wrdreg $0xFFFFFFFF  }
0xad: {  	[dreg:$0x0] =	wrdreg $0x60  }
0xae: {  	[dreg:$0x2] =	wrdreg s24  }
0xaf: {  	[dreg:$0x3] =	wrdreg s2  }
0xb0: {  	[dreg:$0x4] =	wrdreg $0xEE800  }
0xb1: {  	[dreg:$0x5] =	wrdreg $0x9  }
0xb2: {  	_ =	task.clear_ibuf [dreg:s7], $0x6FFFF;
	_ =	strace $0x90000052  }
0xb3: {  	s29 =	simm.s32 $0x9;
	_ =	strace $0x80000054  }
0xb4: {  	_ =	swait.ge [sflag:s29], $0x1  }
0xb5: {  	[sflag:s29] =	ssyncadd.s32 $0xFFFFFFFF  }
0xb6: {  	_ =	strace $0x90000054  }
0xb7: {  	_ =	sfence  }
0xb8: {  	s30 =	sld [smem:$0x0];
	_ =	sdelay $0x2  }
0xb9: {  	s31 =	sshll.u32 s1, $0xD;
	s1 =	sshrl.u32 s1, $0x2  }
0xba: {  	s3 =	sand.u32 $0x4000, s31;
	s1 =	sadd.s32 s1, s30  }
0xbb: {  	s0 =	sor.u32 s3, s0;
	s1 =	sshll.u32 s1, $0x11  }
0xbc: {  	s0 =	sor.u32 s1, s0  }
0xbd: {  	s0 =	sadd.s32 $0x8F2B, s0  }
0xbe: {  	[sflag:s0] =	ssyncadd.remote.s32 $0x1  }
0xbf: {  	_ =	sfence.sel $0xFFFF  }
0xc0: {  	[dreg:$0x0] =	wrdreg $0xFFFFFFFF;
	(pc) =	sbr.abs _section_cstart, $3  }
0xc1: {  	[dreg:$0x1] =	wrdreg $0xFFFFFFFF  }
0xc2: {  	_ =	task.clear_ibuf [dreg:s7], $0x2FFFF;
	_ =	strace $0x9FFFFFFF  }
0xc3: {  	(tm) =	ssettm $0x7FFFFFFF  }
tec
execute0_lowered:
.L_overlay_start_1:
0x0: {  	(tag) =	ssettag $0x1  }
0x1: {  	s5 =	rddreg [dreg:$0x0]  }
0x2: {  	s12 =	rddreg [dreg:$0x1]  }
0x3: {  	s1 =	srdreg.scid;
	s0 =	stileid.u32  }
0x4: {  	s2 =	rddreg [dreg:$0x2];
	s3 =	simm.s32 $0x0;
	s16 =	simm.s32 $0x9C4  }
0x5: {  	s17 =	simm.s32 $0x4E40;
	s18 =	simm.s32 $0x1;
	s19 =	simm.s32 $0x2  }
0x6: {  	s22 =	simm.s32 $0x0;
	s10 =	sand.u32 $0x1, s1;
	s1 =	rddreg [dreg:$0x3]  }
0x7: {  	s4 =	sshll.u32 s0, $0x1;
	[smem:$0x7FF] =	sst s3;
	s8 =	smul.u32 $0x5000, s0  }
0x8: {  	s14 =	smul.u32 $0x280, s0;
	s20 =	sshll.u32 s0, $0x6;
	s4 =	sor.u32 s10, s4  }
0x9: {  	_ =	strace $0x80000053;
	s7 =	ssub.s32 $0x2, s10;
	s15 =	smul.u32 $0x2800, s10  }
0xa: {  	s20 =	sor.u32 $0x1C03, s20;
	s6 =	smul.u32 $0x4E4, s4;
	s4 =	sadd.s32 $0x3000, s5  }
0xb: {  	s30 =	sshrl.u32 s7, $0x1;
	s31 =	sshrl.u32 s8, $0x2;
	s12 =	sadd.s32 s12, s14  }
.Ltmp0:
0xc: {  	s14 =	simm.s32 $0x3;
	s13 =	ssub.s32 s7, s30;
	(pc) =	sbr.rel .LBB2_1-.Ltmp0, $4  }
0xd: {  	s7 =	sadd.s32 s31, s2;
	s12 =	sadd.s32 s15, s12;
	s15 =	simm.s32 $0xEA80  }
0xe: {  	s6 =	sadd.s32 s6, s5;
	s8 =	sadd.s32 $0x400, s7;
	s9 =	sadd.s32 $0x800, s7  }
0xf: {  	s10 =	sadd.s32 $0xC00, s7;
	s11 =	sadd.s32 $0x1000, s7;
	s13 =	smax.u32 s13, $0x1  }
0x10: {  	s21 =	sshrl.u32 s7, $0x3;
	s5 =	sadd.s32 $0x48400, s6;
	s6 =	sadd.s32 $0x3E600, s6  }
.LBB2_4:
0x11: {  	_ =	swait.ge [sflag:s19], $0x4E20  }
0x12: {  	s22 =	sadd.s32 $0x1, s22;
	[sflag:s19] =	ssyncset.done $0x0  }
0x13: {  	p0 =	sne.s32 s22, s13;
	[sflag:s19] =	ssyncadd.s32 $0xFFFFB1E0  }
.Ltmp1:
0x14: {  	[bflag:$0x0] =	sbarrier.arrive $0xFFFF;
	(pc) =	sbr.rel @!p0 .LBB2_5-.Ltmp1, $4  }
0x15: {  	[hbm:s12], [sflag:s20] =	dma.local [spmem:s21], $0x280  }
0x16: {  	_ =	swait.ge [sflag:s14], $0x280  }
0x17: {  	[sflag:s14] =	ssyncset.done $0x0  }
0x18: {  	[sflag:s14] =	ssyncadd.s32 $0xFFFFFD80  }
.LBB2_1:
0x19: {  	[tilespmem:s3], [sflag:$0x3] =	stream.linear.gather [hbm4b:s5+s3], $0x2720, $0x38;
	[tilespmem:$0x10280] =	vst v63  }
0x1a: {  	_ =	swait.ge [sflag:s14], $0x2720  }
0x1b: {  	[sflag:s14] =	ssyncset.done $0x0  }
0x1c: {  	s23 =	simm.s32 $0x2720;
	[sflag:s14] =	ssyncadd.s32 $0xFFFFD8E0  }
0x1d: {  	[tilespmem:s23], [sflag:$0x3] =	stream.linear.gather [hbm4b:s6+s3], $0x2720, $0x38;
	[tilespmem:$0x10280] =	vst v63  }
0x1e: {  	_ =	swait.ge [sflag:s14], $0x2720  }
0x1f: {  	[sflag:s14] =	ssyncset.done $0x0  }
0x20: {  	[sflag:s14] =	ssyncadd.s32 $0xFFFFD8E0  }
0x21: {  	[spmem:s7] =	stream.linear.scatter [tilespmem:s15], [sflag:$0x3], $0x400, $0x38;
	[tilespmem:$0x10280] =	vst v63  }
0x22: {  	_ =	swait.ge [sflag:s14], $0x400  }
0x23: {  	[sflag:s14] =	ssyncset.done $0x0  }
0x24: {  	[sflag:s14] =	ssyncadd.s32 $0xFFFFFC00  }
0x25: {  	[spmem:s8] =	stream.linear.scatter [tilespmem:s15], [sflag:$0x3], $0x400, $0x38;
	[tilespmem:$0x10280] =	vst v63  }
0x26: {  	_ =	swait.ge [sflag:s14], $0x400  }
0x27: {  	[sflag:s14] =	ssyncset.done $0x0  }
0x28: {  	[sflag:s14] =	ssyncadd.s32 $0xFFFFFC00  }
0x29: {  	[spmem:s9] =	stream.linear.scatter [tilespmem:s15], [sflag:$0x3], $0x400, $0x38;
	[tilespmem:$0x10280] =	vst v63  }
0x2a: {  	_ =	swait.ge [sflag:s14], $0x400  }
0x2b: {  	[sflag:s14] =	ssyncset.done $0x0  }
0x2c: {  	[sflag:s14] =	ssyncadd.s32 $0xFFFFFC00  }
0x2d: {  	[spmem:s10] =	stream.linear.scatter [tilespmem:s15], [sflag:$0x3], $0x400, $0x38;
	[tilespmem:$0x10280] =	vst v63  }
0x2e: {  	_ =	swait.ge [sflag:s14], $0x400  }
0x2f: {  	[sflag:s14] =	ssyncset.done $0x0  }
0x30: {  	[sflag:s14] =	ssyncadd.s32 $0xFFFFFC00  }
0x31: {  	[spmem:s11] =	stream.linear.scatter [tilespmem:s15], [sflag:$0x3], $0x400, $0x38;
	[tilespmem:$0x10280] =	vst v63  }
0x32: {  	_ =	swait.ge [sflag:s14], $0x400  }
0x33: {  	[sflag:s14] =	ssyncset.done $0x0  }
0x34: {  	[sflag:s14] =	ssyncadd.s32 $0xFFFFFC00  }
0x35: {  	s24 =	simm.s32 $0x9C8;
	s25 =	simm.s32 $0x0;
	[bflag:$0x0] =	sbarrier.arrive $0xFFFF  }
0x36: {  	[tilespmem:s17], [sflag:$0x1] =	stream.indirect.gather [hbm4b:s4+s16], $0x8, s3, s16, $0xb8;
	[tilespmem:$0x10280] =	vst v63  }
.LBB2_2:
0x37: {  	s26 =	sand.u32 $0x1, s25  }
0x38: {  	s28 =	smul.u32 $0x13880, s26  }
0x39: {  	_ =	swait.ge [sflag:s18], $0x4E20;
	p0 =	seq.s32 s25, $0x0  }
0x3a: {  	[sflag:s18] =	ssyncset.done $0x0;
	p1 =	seq.s32 @!p0 s25, $0x3;
	s28 =	sshrl.u32 s28, $0x2  }
0x3b: {  	[sflag:s18] =	ssyncadd.s32 $0xFFFFB1E0;
	p1 =	por p0, !p1;
	s28 =	sadd.s32 $0x4E40, s28  }
0x3c: {  	[spmem:s2] =	stream.indirect.scatter.add.bf16 [tilespmem:s28], [sflag:$0x2], $0x8, s23, s16, $0xb8;
	[tilespmem:$0x10280] =	vst v63  }
.Ltmp2:
0x3d: {  	_ = 	snop;
	(pc) =	sbr.rel @!p1 .LBB2_4-.Ltmp2, $4  }
0x3e: {  	s28 =	simm.s32 @!p0 $0x2  }
0x3f: {  	_ =	swait.ge @!p0 [sflag:s28], $0x4E20  }
0x40: {  	[sflag:s28] =	ssyncset.done @!p0 $0x0  }
0x41: {  	[sflag:s28] =	ssyncadd.s32 @!p0 $0xFFFFB1E0  }
0x42: {  	s26 =	sxor.u32 $0x1, s26  }
0x43: {  	s26 =	smul.u32 $0x13880, s26  }
.Ltmp3:
0x44: {  	_ = 	snop;
	(pc) =	sbr.rel .LBB2_2-.Ltmp3, $4  }
0x45: {  	s26 =	sshrl.u32 s26, $0x2  }
0x46: {  	s26 =	sadd.s32 $0x4E40, s26  }
0x47: {  	[tilespmem:s26], [sflag:$0x1] =	stream.indirect.gather [hbm4b:s4+s16], $0x8, s24, s16, $0xb8;
	[tilespmem:$0x10280] =	vst v63  }
0x48: {  	s25 =	sadd.s32 $0x1, s25;
	s23 =	sadd.s32 $0x9C8, s23;
	s24 =	sadd.s32 $0x9C8, s24  }
.LBB2_5:
0x49: {  	_ =	sfence.sel $0x180000  }
0x4a: {  	[bflag:$0x0] =	sbarrier.arrive $0xFFFF  }
0x4b: {  	p0 =	sne.s32 s0, $0x0;
	_ =	strace $0x90000053  }
0x4c: {  	s0 =	sadd.s32 @!p0 $0x100000, s1;
	[bflag:$0x2] =	sbarrier.arrive $0xFFFF  }
0x4d: {  	[sflag:s0] =	ssyncadd.tile.s32 @!p0 $0x1;
	_ =	shalt  }
.Lfunc_end2:
_tile_overlayer_lowered:
.L_overlay_start_2:
0x4e: {  	(tag) =	ssettag $0x2  }
0x4f: {  	s0 =	rddreg [dreg:$0x0];
	s2 =	stileid.u32  }
0x50: {  	s1 =	rddreg [dreg:$0x1];
	p0 =	sne.s32 s2, $0x0  }
0x51: {  	s3 =	rddreg [dreg:$0x2];
	[bflag:$0x3] =	sbarrier.arrive $0xFFFF;
	s2 =	simm.s32 @!p0 $0x1C03  }
0x52: {  	[timem:s3], [sflag:s2] =	dma.local @!p0 [hbm:s0], s1  }
0x53: {  	s0 =	simm.s32 @!p0 $0x3  }
0x54: {  	_ =	swait.ge @!p0 [sflag:s0], s1  }
0x55: {  	s1 =	ssub.s32 @!p0 $0x0, s1;
	[sflag:s0] =	ssyncset.done @!p0 $0x0  }
0x56: {  	[sflag:s0] =	ssyncadd.s32 @!p0 s1  }
0x57: {  	[bflag:$0x3] =	sbarrier.arrive $0xFFFF  }
0x58: {  	_ =	shalt  }

</sc_bundles>
